<compile_context>
chip_gen: v7x
topology: tpu7x:2x2x1
jax: 0.10.2.dev20260603
libtpu: 0.0.44.dev20260713+nightly
codegen_flags: <defaults>
</compile_context>

<pallas_src>
import functools
import math

import jax
import jax.numpy as jnp
from jax import lax
from jax.experimental import pallas as pl
from jax.experimental.pallas import tpu as pltpu
from jax.experimental.pallas import tpu_sc as plsc

DEPTH = 64
SCALE = math.sqrt(DEPTH)

NC = 2
NS = 16
NW = NC * NS
LANES = 16
BB = 128
NT = 200
NBUF = 2


def _make_lookup():
  mesh = plsc.VectorSubcoreMesh(core_axis_name="c", subcore_axis_name="s")

  @functools.partial(
      pl.kernel,
      mesh=mesh,
      out_type=jax.ShapeDtypeStruct((NT, 8, NW, 8, BB), jnp.float32),
      scratch_types=[
          pltpu.VMEM((BB, NT), jnp.int32),
          [pltpu.VMEM((BB,), jnp.int32) for _ in range(NBUF)],
          [pltpu.VMEM((BB, DEPTH), jnp.float32) for _ in range(NBUF)],
          [pltpu.VMEM((DEPTH, BB), jnp.float32) for _ in range(NBUF)],
          [pltpu.SemaphoreType.DMA for _ in range(NBUF)],
          [pltpu.SemaphoreType.DMA for _ in range(NBUF)],
      ],
      compiler_params=pltpu.CompilerParams(
          use_tc_tiling_on_sc=False, needs_layout_passes=False),
  )
  def lookup(lut_hbm, x_hbm, out_hbm, xs, ibufs, gbufs, obufs, gsems, ssems):
    j = lax.axis_index("s") * NC + lax.axis_index("c")
    pltpu.sync_copy(x_hbm.at[pl.ds(j * BB, BB)], xs)

    iota = lax.iota(jnp.int32, 16)
    ridx8 = [iota + bb * LANES for bb in range(BB // LANES)]

    def extract_idx(t, b):
      for bb in range(BB // LANES):
        ibufs[b][pl.ds(bb * LANES, LANES)] = plsc.load_gather(
            xs, [iota + bb * LANES, iota * 0 + t])

    def gather(b):
      return pltpu.make_async_copy(lut_hbm.at[ibufs[b]], gbufs[b], gsems[b])

    def store_start(t, b):
      for dblk in range(DEPTH // 8):
        pltpu.make_async_copy(
            obufs[b].at[pl.ds(dblk * 8, 8)], out_hbm.at[t, dblk, j],
            ssems[b]).start()

    def store_wait(b):
      for dblk in range(DEPTH // 8):
        pltpu.make_async_copy(
            obufs[b].at[pl.ds(dblk * 8, 8)], out_hbm.at[0, dblk, j],
            ssems[b]).wait()

    for b in range(NBUF):
      extract_idx(b, b)
      gather(b).start()

    def do_pair(g, carry):
      for b in range(NBUF):
        t = g * NBUF + b
        gather(b).wait()

        @pl.when(g > 0)
        def _():
          store_wait(b)

        @plsc.parallel_loop(0, DEPTH, unroll=4)
        def _(d):
          dsp = iota * 0 + d
          for bb in range(BB // LANES):
            obufs[b][d, pl.ds(bb * LANES, LANES)] = plsc.load_gather(
                gbufs[b], [ridx8[bb], dsp]) * SCALE

        @pl.when(t + NBUF < NT)
        def _():
          extract_idx(t + NBUF, b)
          gather(b).start()

        store_start(t, b)
      return carry

    lax.fori_loop(0, NT // NBUF, do_pair, 0)

    for b in range(NBUF):
      store_wait(b)

  return lookup


def kernel(x, lut):
  out5 = _make_lookup()(lut, x.astype(jnp.int32))
  return out5.transpose(2, 4, 0, 1, 3).reshape(4096, 200, 64)

# --- scband reference (transcript-rebuilt; emitter-appended) ---
"""Pipeline reference for scband-token-embedding-20452634263704 (READ-ONLY COPY).

The authoritative reference and input builder live on the scoring server;
editing this copy changes nothing except your own understanding.
"""

import jax, jax.numpy as jnp
import numpy as np
import math

VOCAB = 1000000
DEPTH = 64

def setup_inputs(seed: int = 0) -> dict:
    key = jax.random.key(seed)
    k_idx, k_w = jax.random.split(key)
    x = jax.random.randint(k_idx, (4096, 200), 0, VOCAB, dtype=jnp.int64)
    # xavier_uniform for (VOCAB, DEPTH): bound = sqrt(6/(fan_in+fan_out))
    bound = math.sqrt(6.0 / (VOCAB + DEPTH))
    lut = jax.random.uniform(k_w, (VOCAB, DEPTH), minval=-bound, maxval=bound, dtype=jnp.float32)
    return {"x": x, "lut": lut}

def reference(x, lut):
    emb = jnp.take(lut, x, axis=0)
    return emb * math.sqrt(DEPTH)

if __name__ == "__main__":
    import jax
    _d = setup_inputs()
    print(jax.jit(kernel)(*tuple(_d.values())))

</pallas_src>

<mosaic_0001>
#map = affine_map<(d0, d1) -> (0, 0)>
#map1 = affine_map<(d0, d1) -> (0, 0, 0, 0, 0)>
module attributes {stable_mosaic.version = 14 : i64} {
  func.func @lookup(%arg0: i32, %arg1: i32, %arg2: memref<1000000x64xf32, #tpu.memory_space<hbm>>, %arg3: memref<4096x200xi32, #tpu.memory_space<hbm>>, %arg4: memref<200x8x32x8x128xf32, #tpu.memory_space<hbm>>, %arg5: memref<128x200xi32, #tpu.memory_space<vmem>>, %arg6: memref<128xi32, #tpu.memory_space<vmem>>, %arg7: memref<128xi32, #tpu.memory_space<vmem>>, %arg8: memref<128x64xf32, #tpu.memory_space<vmem>>, %arg9: memref<128x64xf32, #tpu.memory_space<vmem>>, %arg10: memref<64x128xf32, #tpu.memory_space<vmem>>, %arg11: memref<64x128xf32, #tpu.memory_space<vmem>>, %arg12: memref<!tpu.dma_semaphore, #tpu.memory_space<semaphore_mem>>, %arg13: memref<!tpu.dma_semaphore, #tpu.memory_space<semaphore_mem>>, %arg14: memref<!tpu.dma_semaphore, #tpu.memory_space<semaphore_mem>>, %arg15: memref<!tpu.dma_semaphore, #tpu.memory_space<semaphore_mem>>) attributes {dimension_semantics = [#tpu.dimension_semantics<core_parallel>, #tpu.dimension_semantics<subcore_parallel>], iteration_bounds = array<i64: 2, 16>, scalar_prefetch = 0 : i64, scratch_operands = 11 : i64, tpu.core_type = #tpu.core_type<sc_vector_subcore>, window_params = [{transform_indices = #map}, {transform_indices = #map}, {transform_indices = #map1}]} {
    %mul3A = arith.constant 2 : i32
    %mul3A_0 = arith.muli %arg1, %mul3A : i32
    %add3A = arith.addi %mul3A_0, %arg0 : i32
    %mul3A_1 = arith.constant 128 : i32
    %mul3A_2 = arith.muli %add3A, %mul3A_1 : i32
    "tpu.region"() ({
      %run_scoped3A = tpu.sem_alloc : memref<!tpu.dma_semaphore, #tpu.memory_space<semaphore_mem>>
      %dma_start3A_482 = arith.constant 0 : i32
      %dma_start3A_483 = tpu.memref_slice %arg3[%mul3A_2, %dma_start3A_482] : memref<4096x200xi32, #tpu.memory_space<hbm>> -> memref<128x200xi32, #tpu.memory_space<hbm>>
      %dma_start3A_484 = arith.constant 0 : i32
      %dma_start3A_485 = tpu.memref_slice %arg3[%mul3A_2, %dma_start3A_484] : memref<4096x200xi32, #tpu.memory_space<hbm>> -> memref<128x200xi32, #tpu.memory_space<hbm>>
      tpu.enqueue_dma source(%dma_start3A_485 : memref<128x200xi32, #tpu.memory_space<hbm>>) target(%arg5 : memref<128x200xi32, #tpu.memory_space<vmem>>) target_semaphore(%run_scoped3A : memref<!tpu.dma_semaphore, #tpu.memory_space<semaphore_mem>>)
      %dma_wait3A_486 = arith.constant 0 : i32
      %dma_wait3A_487 = tpu.memref_slice %arg3[%mul3A_2, %dma_wait3A_486] : memref<4096x200xi32, #tpu.memory_space<hbm>> -> memref<128x200xi32, #tpu.memory_space<hbm>>
      %dma_wait3A_488 = arith.constant 0 : i32
      %dma_wait3A_489 = tpu.memref_slice %arg3[%mul3A_2, %dma_wait3A_488] : memref<4096x200xi32, #tpu.memory_space<hbm>> -> memref<128x200xi32, #tpu.memory_space<hbm>>
      tpu.wait_dma2 semaphore(%run_scoped3A : memref<!tpu.dma_semaphore, #tpu.memory_space<semaphore_mem>>) src(%dma_wait3A_489 : memref<128x200xi32, #tpu.memory_space<hbm>>) dst(%arg5 : memref<128x200xi32, #tpu.memory_space<vmem>>)
      tpu.yield
    }) : () -> ()
    %iota3A = tpu.iota {dimensions = array<i32: 0>} : vector<16xi32>
    %add3A_3 = arith.constant 0 : i32
    %add3A_4 = vector.broadcast %add3A_3 : i32 to vector<16xi32>
    %add3A_5 = arith.addi %iota3A, %add3A_4 : vector<16xi32>
    %add3A_6 = arith.constant 16 : i32
    %add3A_7 = vector.broadcast %add3A_6 : i32 to vector<16xi32>
    %add3A_8 = arith.addi %iota3A, %add3A_7 : vector<16xi32>
    %add3A_9 = arith.constant 32 : i32
    %add3A_10 = vector.broadcast %add3A_9 : i32 to vector<16xi32>
    %add3A_11 = arith.addi %iota3A, %add3A_10 : vector<16xi32>
    %add3A_12 = arith.constant 48 : i32
    %add3A_13 = vector.broadcast %add3A_12 : i32 to vector<16xi32>
    %add3A_14 = arith.addi %iota3A, %add3A_13 : vector<16xi32>
    %add3A_15 = arith.constant 64 : i32
    %add3A_16 = vector.broadcast %add3A_15 : i32 to vector<16xi32>
    %add3A_17 = arith.addi %iota3A, %add3A_16 : vector<16xi32>
    %add3A_18 = arith.constant 80 : i32
    %add3A_19 = vector.broadcast %add3A_18 : i32 to vector<16xi32>
    %add3A_20 = arith.addi %iota3A, %add3A_19 : vector<16xi32>
    %add3A_21 = arith.constant 96 : i32
    %add3A_22 = vector.broadcast %add3A_21 : i32 to vector<16xi32>
    %add3A_23 = arith.addi %iota3A, %add3A_22 : vector<16xi32>
    %add3A_24 = arith.constant 112 : i32
    %add3A_25 = vector.broadcast %add3A_24 : i32 to vector<16xi32>
    %add3A_26 = arith.addi %iota3A, %add3A_25 : vector<16xi32>
    %add3A_27 = arith.constant 0 : i32
    %add3A_28 = vector.broadcast %add3A_27 : i32 to vector<16xi32>
    %add3A_29 = arith.addi %iota3A, %add3A_28 : vector<16xi32>
    %mul3A_30 = arith.constant 0 : i32
    %mul3A_31 = vector.broadcast %mul3A_30 : i32 to vector<16xi32>
    %mul3A_32 = arith.muli %iota3A, %mul3A_31 : vector<16xi32>
    %add3A_33 = arith.constant 0 : i32
    %add3A_34 = vector.broadcast %add3A_33 : i32 to vector<16xi32>
    %add3A_35 = arith.addi %mul3A_32, %add3A_34 : vector<16xi32>
    %gather3A = tpu.vector_load_idx %arg5[%add3A_29, %add3A_35] : memref<128x200xi32, #tpu.memory_space<vmem>>[vector<16xi32>, vector<16xi32>], vector<16xi32>,
    %swap3A = arith.constant 0 : index
    %swap3A_36 = tpu.vector_load %arg6[%swap3A] {strides = array<i32>} : memref<128xi32, #tpu.memory_space<vmem>>, vector<16xi32>,
    tpu.vector_store %arg6[%swap3A], %gather3A {strides = array<i32>} : memref<128xi32, #tpu.memory_space<vmem>>, vector<16xi32>,
    %add3A_37 = arith.constant 16 : i32
    %add3A_38 = vector.broadcast %add3A_37 : i32 to vector<16xi32>
    %add3A_39 = arith.addi %iota3A, %add3A_38 : vector<16xi32>
    %mul3A_40 = arith.constant 0 : i32
    %mul3A_41 = vector.broadcast %mul3A_40 : i32 to vector<16xi32>
    %mul3A_42 = arith.muli %iota3A, %mul3A_41 : vector<16xi32>
    %add3A_43 = arith.constant 0 : i32
    %add3A_44 = vector.broadcast %add3A_43 : i32 to vector<16xi32>
    %add3A_45 = arith.addi %mul3A_42, %add3A_44 : vector<16xi32>
    %gather3A_46 = tpu.vector_load_idx %arg5[%add3A_39, %add3A_45] : memref<128x200xi32, #tpu.memory_space<vmem>>[vector<16xi32>, vector<16xi32>], vector<16xi32>,
    %swap3A_47 = arith.constant 16 : index
    %swap3A_48 = tpu.vector_load %arg6[%swap3A_47] {strides = array<i32>} : memref<128xi32, #tpu.memory_space<vmem>>, vector<16xi32>,
    tpu.vector_store %arg6[%swap3A_47], %gather3A_46 {strides = array<i32>} : memref<128xi32, #tpu.memory_space<vmem>>, vector<16xi32>,
    %add3A_49 = arith.constant 32 : i32
    %add3A_50 = vector.broadcast %add3A_49 : i32 to vector<16xi32>
    %add3A_51 = arith.addi %iota3A, %add3A_50 : vector<16xi32>
    %mul3A_52 = arith.constant 0 : i32
    %mul3A_53 = vector.broadcast %mul3A_52 : i32 to vector<16xi32>
    %mul3A_54 = arith.muli %iota3A, %mul3A_53 : vector<16xi32>
    %add3A_55 = arith.constant 0 : i32
    %add3A_56 = vector.broadcast %add3A_55 : i32 to vector<16xi32>
    %add3A_57 = arith.addi %mul3A_54, %add3A_56 : vector<16xi32>
    %gather3A_58 = tpu.vector_load_idx %arg5[%add3A_51, %add3A_57] : memref<128x200xi32, #tpu.memory_space<vmem>>[vector<16xi32>, vector<16xi32>], vector<16xi32>,
    %swap3A_59 = arith.constant 32 : index
    %swap3A_60 = tpu.vector_load %arg6[%swap3A_59] {strides = array<i32>} : memref<128xi32, #tpu.memory_space<vmem>>, vector<16xi32>,
    tpu.vector_store %arg6[%swap3A_59], %gather3A_58 {strides = array<i32>} : memref<128xi32, #tpu.memory_space<vmem>>, vector<16xi32>,
    %add3A_61 = arith.constant 48 : i32
    %add3A_62 = vector.broadcast %add3A_61 : i32 to vector<16xi32>
    %add3A_63 = arith.addi %iota3A, %add3A_62 : vector<16xi32>
    %mul3A_64 = arith.constant 0 : i32
    %mul3A_65 = vector.broadcast %mul3A_64 : i32 to vector<16xi32>
    %mul3A_66 = arith.muli %iota3A, %mul3A_65 : vector<16xi32>
    %add3A_67 = arith.constant 0 : i32
    %add3A_68 = vector.broadcast %add3A_67 : i32 to vector<16xi32>
    %add3A_69 = arith.addi %mul3A_66, %add3A_68 : vector<16xi32>
    %gather3A_70 = tpu.vector_load_idx %arg5[%add3A_63, %add3A_69] : memref<128x200xi32, #tpu.memory_space<vmem>>[vector<16xi32>, vector<16xi32>], vector<16xi32>,
    %swap3A_71 = arith.constant 48 : index
    %swap3A_72 = tpu.vector_load %arg6[%swap3A_71] {strides = array<i32>} : memref<128xi32, #tpu.memory_space<vmem>>, vector<16xi32>,
    tpu.vector_store %arg6[%swap3A_71], %gather3A_70 {strides = array<i32>} : memref<128xi32, #tpu.memory_space<vmem>>, vector<16xi32>,
    %add3A_73 = arith.constant 64 : i32
    %add3A_74 = vector.broadcast %add3A_73 : i32 to vector<16xi32>
    %add3A_75 = arith.addi %iota3A, %add3A_74 : vector<16xi32>
    %mul3A_76 = arith.constant 0 : i32
    %mul3A_77 = vector.broadcast %mul3A_76 : i32 to vector<16xi32>
    %mul3A_78 = arith.muli %iota3A, %mul3A_77 : vector<16xi32>
    %add3A_79 = arith.constant 0 : i32
    %add3A_80 = vector.broadcast %add3A_79 : i32 to vector<16xi32>
    %add3A_81 = arith.addi %mul3A_78, %add3A_80 : vector<16xi32>
    %gather3A_82 = tpu.vector_load_idx %arg5[%add3A_75, %add3A_81] : memref<128x200xi32, #tpu.memory_space<vmem>>[vector<16xi32>, vector<16xi32>], vector<16xi32>,
    %swap3A_83 = arith.constant 64 : index
    %swap3A_84 = tpu.vector_load %arg6[%swap3A_83] {strides = array<i32>} : memref<128xi32, #tpu.memory_space<vmem>>, vector<16xi32>,
    tpu.vector_store %arg6[%swap3A_83], %gather3A_82 {strides = array<i32>} : memref<128xi32, #tpu.memory_space<vmem>>, vector<16xi32>,
    %add3A_85 = arith.constant 80 : i32
    %add3A_86 = vector.broadcast %add3A_85 : i32 to vector<16xi32>
    %add3A_87 = arith.addi %iota3A, %add3A_86 : vector<16xi32>
    %mul3A_88 = arith.constant 0 : i32
    %mul3A_89 = vector.broadcast %mul3A_88 : i32 to vector<16xi32>
    %mul3A_90 = arith.muli %iota3A, %mul3A_89 : vector<16xi32>
    %add3A_91 = arith.constant 0 : i32
    %add3A_92 = vector.broadcast %add3A_91 : i32 to vector<16xi32>
    %add3A_93 = arith.addi %mul3A_90, %add3A_92 : vector<16xi32>
    %gather3A_94 = tpu.vector_load_idx %arg5[%add3A_87, %add3A_93] : memref<128x200xi32, #tpu.memory_space<vmem>>[vector<16xi32>, vector<16xi32>], vector<16xi32>,
    %swap3A_95 = arith.constant 80 : index
    %swap3A_96 = tpu.vector_load %arg6[%swap3A_95] {strides = array<i32>} : memref<128xi32, #tpu.memory_space<vmem>>, vector<16xi32>,
    tpu.vector_store %arg6[%swap3A_95], %gather3A_94 {strides = array<i32>} : memref<128xi32, #tpu.memory_space<vmem>>, vector<16xi32>,
    %add3A_97 = arith.constant 96 : i32
    %add3A_98 = vector.broadcast %add3A_97 : i32 to vector<16xi32>
    %add3A_99 = arith.addi %iota3A, %add3A_98 : vector<16xi32>
    %mul3A_100 = arith.constant 0 : i32
    %mul3A_101 = vector.broadcast %mul3A_100 : i32 to vector<16xi32>
    %mul3A_102 = arith.muli %iota3A, %mul3A_101 : vector<16xi32>
    %add3A_103 = arith.constant 0 : i32
    %add3A_104 = vector.broadcast %add3A_103 : i32 to vector<16xi32>
    %add3A_105 = arith.addi %mul3A_102, %add3A_104 : vector<16xi32>
    %gather3A_106 = tpu.vector_load_idx %arg5[%add3A_99, %add3A_105] : memref<128x200xi32, #tpu.memory_space<vmem>>[vector<16xi32>, vector<16xi32>], vector<16xi32>,
    %swap3A_107 = arith.constant 96 : index
    %swap3A_108 = tpu.vector_load %arg6[%swap3A_107] {strides = array<i32>} : memref<128xi32, #tpu.memory_space<vmem>>, vector<16xi32>,
    tpu.vector_store %arg6[%swap3A_107], %gather3A_106 {strides = array<i32>} : memref<128xi32, #tpu.memory_space<vmem>>, vector<16xi32>,
    %add3A_109 = arith.constant 112 : i32
    %add3A_110 = vector.broadcast %add3A_109 : i32 to vector<16xi32>
    %add3A_111 = arith.addi %iota3A, %add3A_110 : vector<16xi32>
    %mul3A_112 = arith.constant 0 : i32
    %mul3A_113 = vector.broadcast %mul3A_112 : i32 to vector<16xi32>
    %mul3A_114 = arith.muli %iota3A, %mul3A_113 : vector<16xi32>
    %add3A_115 = arith.constant 0 : i32
    %add3A_116 = vector.broadcast %add3A_115 : i32 to vector<16xi32>
    %add3A_117 = arith.addi %mul3A_114, %add3A_116 : vector<16xi32>
    %gather3A_118 = tpu.vector_load_idx %arg5[%add3A_111, %add3A_117] : memref<128x200xi32, #tpu.memory_space<vmem>>[vector<16xi32>, vector<16xi32>], vector<16xi32>,
    %swap3A_119 = arith.constant 112 : index
    %swap3A_120 = tpu.vector_load %arg6[%swap3A_119] {strides = array<i32>} : memref<128xi32, #tpu.memory_space<vmem>>, vector<16xi32>,
    tpu.vector_store %arg6[%swap3A_119], %gather3A_118 {strides = array<i32>} : memref<128xi32, #tpu.memory_space<vmem>>, vector<16xi32>,
    %dma_start3A = arith.constant 0 : i32
    %dma_start3A_121 = arith.constant 0 : i32
    %dma_start3A_122 = tpu.memref_slice %arg2[%dma_start3A, %dma_start3A_121] : memref<1000000x64xf32, #tpu.memory_space<hbm>> -> memref<1000000x64xf32, #tpu.memory_space<hbm>>
    tpu.enqueue_indirect_dma source(%dma_start3A_122 : memref<1000000x64xf32, #tpu.memory_space<hbm>>) target(%arg8 : memref<128x64xf32, #tpu.memory_space<vmem>>) offsets(%arg6 : memref<128xi32, #tpu.memory_space<vmem>>) semaphore(%arg12 : memref<!tpu.dma_semaphore, #tpu.memory_space<semaphore_mem>>)
    %add3A_123 = arith.constant 0 : i32
    %add3A_124 = vector.broadcast %add3A_123 : i32 to vector<16xi32>
    %add3A_125 = arith.addi %iota3A, %add3A_124 : vector<16xi32>
    %mul3A_126 = arith.constant 0 : i32
    %mul3A_127 = vector.broadcast %mul3A_126 : i32 to vector<16xi32>
    %mul3A_128 = arith.muli %iota3A, %mul3A_127 : vector<16xi32>
    %add3A_129 = arith.constant 1 : i32
    %add3A_130 = vector.broadcast %add3A_129 : i32 to vector<16xi32>
    %add3A_131 = arith.addi %mul3A_128, %add3A_130 : vector<16xi32>
    %gather3A_132 = tpu.vector_load_idx %arg5[%add3A_125, %add3A_131] : memref<128x200xi32, #tpu.memory_space<vmem>>[vector<16xi32>, vector<16xi32>], vector<16xi32>,
    %swap3A_133 = arith.constant 0 : index
    %swap3A_134 = tpu.vector_load %arg7[%swap3A_133] {strides = array<i32>} : memref<128xi32, #tpu.memory_space<vmem>>, vector<16xi32>,
    tpu.vector_store %arg7[%swap3A_133], %gather3A_132 {strides = array<i32>} : memref<128xi32, #tpu.memory_space<vmem>>, vector<16xi32>,
    %add3A_135 = arith.constant 16 : i32
    %add3A_136 = vector.broadcast %add3A_135 : i32 to vector<16xi32>
    %add3A_137 = arith.addi %iota3A, %add3A_136 : vector<16xi32>
    %mul3A_138 = arith.constant 0 : i32
    %mul3A_139 = vector.broadcast %mul3A_138 : i32 to vector<16xi32>
    %mul3A_140 = arith.muli %iota3A, %mul3A_139 : vector<16xi32>
    %add3A_141 = arith.constant 1 : i32
    %add3A_142 = vector.broadcast %add3A_141 : i32 to vector<16xi32>
    %add3A_143 = arith.addi %mul3A_140, %add3A_142 : vector<16xi32>
    %gather3A_144 = tpu.vector_load_idx %arg5[%add3A_137, %add3A_143] : memref<128x200xi32, #tpu.memory_space<vmem>>[vector<16xi32>, vector<16xi32>], vector<16xi32>,
    %swap3A_145 = arith.constant 16 : index
    %swap3A_146 = tpu.vector_load %arg7[%swap3A_145] {strides = array<i32>} : memref<128xi32, #tpu.memory_space<vmem>>, vector<16xi32>,
    tpu.vector_store %arg7[%swap3A_145], %gather3A_144 {strides = array<i32>} : memref<128xi32, #tpu.memory_space<vmem>>, vector<16xi32>,
    %add3A_147 = arith.constant 32 : i32
    %add3A_148 = vector.broadcast %add3A_147 : i32 to vector<16xi32>
    %add3A_149 = arith.addi %iota3A, %add3A_148 : vector<16xi32>
    %mul3A_150 = arith.constant 0 : i32
    %mul3A_151 = vector.broadcast %mul3A_150 : i32 to vector<16xi32>
    %mul3A_152 = arith.muli %iota3A, %mul3A_151 : vector<16xi32>
    %add3A_153 = arith.constant 1 : i32
    %add3A_154 = vector.broadcast %add3A_153 : i32 to vector<16xi32>
    %add3A_155 = arith.addi %mul3A_152, %add3A_154 : vector<16xi32>
    %gather3A_156 = tpu.vector_load_idx %arg5[%add3A_149, %add3A_155] : memref<128x200xi32, #tpu.memory_space<vmem>>[vector<16xi32>, vector<16xi32>], vector<16xi32>,
    %swap3A_157 = arith.constant 32 : index
    %swap3A_158 = tpu.vector_load %arg7[%swap3A_157] {strides = array<i32>} : memref<128xi32, #tpu.memory_space<vmem>>, vector<16xi32>,
    tpu.vector_store %arg7[%swap3A_157], %gather3A_156 {strides = array<i32>} : memref<128xi32, #tpu.memory_space<vmem>>, vector<16xi32>,
    %add3A_159 = arith.constant 48 : i32
    %add3A_160 = vector.broadcast %add3A_159 : i32 to vector<16xi32>
    %add3A_161 = arith.addi %iota3A, %add3A_160 : vector<16xi32>
    %mul3A_162 = arith.constant 0 : i32
    %mul3A_163 = vector.broadcast %mul3A_162 : i32 to vector<16xi32>
    %mul3A_164 = arith.muli %iota3A, %mul3A_163 : vector<16xi32>
    %add3A_165 = arith.constant 1 : i32
    %add3A_166 = vector.broadcast %add3A_165 : i32 to vector<16xi32>
    %add3A_167 = arith.addi %mul3A_164, %add3A_166 : vector<16xi32>
    %gather3A_168 = tpu.vector_load_idx %arg5[%add3A_161, %add3A_167] : memref<128x200xi32, #tpu.memory_space<vmem>>[vector<16xi32>, vector<16xi32>], vector<16xi32>,
    %swap3A_169 = arith.constant 48 : index
    %swap3A_170 = tpu.vector_load %arg7[%swap3A_169] {strides = array<i32>} : memref<128xi32, #tpu.memory_space<vmem>>, vector<16xi32>,
    tpu.vector_store %arg7[%swap3A_169], %gather3A_168 {strides = array<i32>} : memref<128xi32, #tpu.memory_space<vmem>>, vector<16xi32>,
    %add3A_171 = arith.constant 64 : i32
    %add3A_172 = vector.broadcast %add3A_171 : i32 to vector<16xi32>
    %add3A_173 = arith.addi %iota3A, %add3A_172 : vector<16xi32>
    %mul3A_174 = arith.constant 0 : i32
    %mul3A_175 = vector.broadcast %mul3A_174 : i32 to vector<16xi32>
    %mul3A_176 = arith.muli %iota3A, %mul3A_175 : vector<16xi32>
    %add3A_177 = arith.constant 1 : i32
    %add3A_178 = vector.broadcast %add3A_177 : i32 to vector<16xi32>
    %add3A_179 = arith.addi %mul3A_176, %add3A_178 : vector<16xi32>
    %gather3A_180 = tpu.vector_load_idx %arg5[%add3A_173, %add3A_179] : memref<128x200xi32, #tpu.memory_space<vmem>>[vector<16xi32>, vector<16xi32>], vector<16xi32>,
    %swap3A_181 = arith.constant 64 : index
    %swap3A_182 = tpu.vector_load %arg7[%swap3A_181] {strides = array<i32>} : memref<128xi32, #tpu.memory_space<vmem>>, vector<16xi32>,
    tpu.vector_store %arg7[%swap3A_181], %gather3A_180 {strides = array<i32>} : memref<128xi32, #tpu.memory_space<vmem>>, vector<16xi32>,
    %add3A_183 = arith.constant 80 : i32
    %add3A_184 = vector.broadcast %add3A_183 : i32 to vector<16xi32>
    %add3A_185 = arith.addi %iota3A, %add3A_184 : vector<16xi32>
    %mul3A_186 = arith.constant 0 : i32
    %mul3A_187 = vector.broadcast %mul3A_186 : i32 to vector<16xi32>
    %mul3A_188 = arith.muli %iota3A, %mul3A_187 : vector<16xi32>
    %add3A_189 = arith.constant 1 : i32
    %add3A_190 = vector.broadcast %add3A_189 : i32 to vector<16xi32>
    %add3A_191 = arith.addi %mul3A_188, %add3A_190 : vector<16xi32>
    %gather3A_192 = tpu.vector_load_idx %arg5[%add3A_185, %add3A_191] : memref<128x200xi32, #tpu.memory_space<vmem>>[vector<16xi32>, vector<16xi32>], vector<16xi32>,
    %swap3A_193 = arith.constant 80 : index
    %swap3A_194 = tpu.vector_load %arg7[%swap3A_193] {strides = array<i32>} : memref<128xi32, #tpu.memory_space<vmem>>, vector<16xi32>,
    tpu.vector_store %arg7[%swap3A_193], %gather3A_192 {strides = array<i32>} : memref<128xi32, #tpu.memory_space<vmem>>, vector<16xi32>,
    %add3A_195 = arith.constant 96 : i32
    %add3A_196 = vector.broadcast %add3A_195 : i32 to vector<16xi32>
    %add3A_197 = arith.addi %iota3A, %add3A_196 : vector<16xi32>
    %mul3A_198 = arith.constant 0 : i32
    %mul3A_199 = vector.broadcast %mul3A_198 : i32 to vector<16xi32>
    %mul3A_200 = arith.muli %iota3A, %mul3A_199 : vector<16xi32>
    %add3A_201 = arith.constant 1 : i32
    %add3A_202 = vector.broadcast %add3A_201 : i32 to vector<16xi32>
    %add3A_203 = arith.addi %mul3A_200, %add3A_202 : vector<16xi32>
    %gather3A_204 = tpu.vector_load_idx %arg5[%add3A_197, %add3A_203] : memref<128x200xi32, #tpu.memory_space<vmem>>[vector<16xi32>, vector<16xi32>], vector<16xi32>,
    %swap3A_205 = arith.constant 96 : index
    %swap3A_206 = tpu.vector_load %arg7[%swap3A_205] {strides = array<i32>} : memref<128xi32, #tpu.memory_space<vmem>>, vector<16xi32>,
    tpu.vector_store %arg7[%swap3A_205], %gather3A_204 {strides = array<i32>} : memref<128xi32, #tpu.memory_space<vmem>>, vector<16xi32>,
    %add3A_207 = arith.constant 112 : i32
    %add3A_208 = vector.broadcast %add3A_207 : i32 to vector<16xi32>
    %add3A_209 = arith.addi %iota3A, %add3A_208 : vector<16xi32>
    %mul3A_210 = arith.constant 0 : i32
    %mul3A_211 = vector.broadcast %mul3A_210 : i32 to vector<16xi32>
    %mul3A_212 = arith.muli %iota3A, %mul3A_211 : vector<16xi32>
    %add3A_213 = arith.constant 1 : i32
    %add3A_214 = vector.broadcast %add3A_213 : i32 to vector<16xi32>
    %add3A_215 = arith.addi %mul3A_212, %add3A_214 : vector<16xi32>
    %gather3A_216 = tpu.vector_load_idx %arg5[%add3A_209, %add3A_215] : memref<128x200xi32, #tpu.memory_space<vmem>>[vector<16xi32>, vector<16xi32>], vector<16xi32>,
    %swap3A_217 = arith.constant 112 : index
    %swap3A_218 = tpu.vector_load %arg7[%swap3A_217] {strides = array<i32>} : memref<128xi32, #tpu.memory_space<vmem>>, vector<16xi32>,
    tpu.vector_store %arg7[%swap3A_217], %gather3A_216 {strides = array<i32>} : memref<128xi32, #tpu.memory_space<vmem>>, vector<16xi32>,
    %dma_start3A_219 = arith.constant 0 : i32
    %dma_start3A_220 = arith.constant 0 : i32
    %dma_start3A_221 = tpu.memref_slice %arg2[%dma_start3A_219, %dma_start3A_220] : memref<1000000x64xf32, #tpu.memory_space<hbm>> -> memref<1000000x64xf32, #tpu.memory_space<hbm>>
    tpu.enqueue_indirect_dma source(%dma_start3A_221 : memref<1000000x64xf32, #tpu.memory_space<hbm>>) target(%arg9 : memref<128x64xf32, #tpu.memory_space<vmem>>) offsets(%arg7 : memref<128xi32, #tpu.memory_space<vmem>>) semaphore(%arg13 : memref<!tpu.dma_semaphore, #tpu.memory_space<semaphore_mem>>)
    %scan3A = arith.constant 0 : i32
    %scan3A_222 = arith.constant 0 : i32
    %scan3A_223 = arith.constant 100 : i32
    %scan3A_224 = arith.addi %scan3A_222, %scan3A_223 : i32
    %scan3A_225 = arith.constant 1 : i32
    scf.for %scan3A_482 = %scan3A_222 to %scan3A_224 step %scan3A_225  : i32 {
      %mul3A_483 = arith.constant 2 : i32
      %mul3A_484 = arith.muli %scan3A_482, %mul3A_483 : i32
      %add3A_485 = arith.constant 0 : i32
      %add3A_486 = arith.addi %mul3A_484, %add3A_485 : i32
      %dma_wait3A_487 = arith.constant 0 : i32
      %dma_wait3A_488 = arith.constant 0 : i32
      %dma_wait3A_489 = tpu.memref_slice %arg2[%dma_wait3A_487, %dma_wait3A_488] : memref<1000000x64xf32, #tpu.memory_space<hbm>> -> memref<1000000x64xf32, #tpu.memory_space<hbm>>
      tpu.wait_indirect_dma semaphore(%arg12 : memref<!tpu.dma_semaphore, #tpu.memory_space<semaphore_mem>>) src(%dma_wait3A_489 : memref<1000000x64xf32, #tpu.memory_space<hbm>>) dst(%arg8 : memref<128x64xf32, #tpu.memory_space<vmem>>)
      %gt3A = arith.constant 0 : i32
      %gt3A_490 = arith.cmpi sgt, %scan3A_482, %gt3A : i32
      %convert_element_type3A = arith.extui %gt3A_490 : i1 to i32
      %cond3A = arith.constant 0 : i32
      %cond3A_491 = arith.cmpi ne, %convert_element_type3A, %cond3A : i32
      scf.if %cond3A_491 {
        %dma_wait3A_762 = arith.constant 0 : i32
        %dma_wait3A_763 = arith.constant 0 : i32
        %dma_wait3A_764 = arith.constant 0 : i32
        %dma_wait3A_765 = arith.constant 0 : i32
        %dma_wait3A_766 = tpu.memref_slice %arg10[%dma_wait3A_764, %dma_wait3A_765] : memref<64x128xf32, #tpu.memory_space<vmem>> -> memref<8x128xf32, #tpu.memory_space<vmem>>
        %dma_wait3A_767 = arith.constant 0 : i32
        %dma_wait3A_768 = arith.constant 0 : i32
        %dma_wait3A_769 = tpu.memref_slice %arg4[%dma_wait3A_762, %dma_wait3A_763, %add3A, %dma_wait3A_767, %dma_wait3A_768] : memref<200x8x32x8x128xf32, #tpu.memory_space<hbm>> -> memref<1x1x1x8x128xf32, #tpu.memory_space<hbm>>
        %dma_wait3A_770 = tpu.memref_squeeze %dma_wait3A_769 : memref<1x1x1x8x128xf32, #tpu.memory_space<hbm>> -> memref<8x128xf32, #tpu.memory_space<hbm>>
        %dma_wait3A_771 = arith.constant 0 : i32
        %dma_wait3A_772 = arith.constant 0 : i32
        %dma_wait3A_773 = tpu.memref_slice %arg4[%dma_wait3A_762, %dma_wait3A_763, %add3A, %dma_wait3A_771, %dma_wait3A_772] : memref<200x8x32x8x128xf32, #tpu.memory_space<hbm>> -> memref<1x1x1x8x128xf32, #tpu.memory_space<hbm>>
        %dma_wait3A_774 = tpu.memref_squeeze %dma_wait3A_773 : memref<1x1x1x8x128xf32, #tpu.memory_space<hbm>> -> memref<8x128xf32, #tpu.memory_space<hbm>>
        %dma_wait3A_775 = arith.constant 0 : i32
        %dma_wait3A_776 = arith.constant 0 : i32
        %dma_wait3A_777 = tpu.memref_slice %arg10[%dma_wait3A_775, %dma_wait3A_776] : memref<64x128xf32, #tpu.memory_space<vmem>> -> memref<8x128xf32, #tpu.memory_space<vmem>>
        tpu.wait_dma2 semaphore(%arg14 : memref<!tpu.dma_semaphore, #tpu.memory_space<semaphore_mem>>) src(%dma_wait3A_777 : memref<8x128xf32, #tpu.memory_space<vmem>>) dst(%dma_wait3A_774 : memref<8x128xf32, #tpu.memory_space<hbm>>)
        %dma_wait3A_778 = arith.constant 0 : i32
        %dma_wait3A_779 = arith.constant 1 : i32
        %dma_wait3A_780 = arith.constant 8 : i32
        %dma_wait3A_781 = arith.constant 0 : i32
        %dma_wait3A_782 = tpu.memref_slice %arg10[%dma_wait3A_780, %dma_wait3A_781] : memref<64x128xf32, #tpu.memory_space<vmem>> -> memref<8x128xf32, #tpu.memory_space<vmem>>
        %dma_wait3A_783 = arith.constant 0 : i32
        %dma_wait3A_784 = arith.constant 0 : i32
        %dma_wait3A_785 = tpu.memref_slice %arg4[%dma_wait3A_778, %dma_wait3A_779, %add3A, %dma_wait3A_783, %dma_wait3A_784] : memref<200x8x32x8x128xf32, #tpu.memory_space<hbm>> -> memref<1x1x1x8x128xf32, #tpu.memory_space<hbm>>
        %dma_wait3A_786 = tpu.memref_squeeze %dma_wait3A_785 : memref<1x1x1x8x128xf32, #tpu.memory_space<hbm>> -> memref<8x128xf32, #tpu.memory_space<hbm>>
        %dma_wait3A_787 = arith.constant 0 : i32
        %dma_wait3A_788 = arith.constant 0 : i32
        %dma_wait3A_789 = tpu.memref_slice %arg4[%dma_wait3A_778, %dma_wait3A_779, %add3A, %dma_wait3A_787, %dma_wait3A_788] : memref<200x8x32x8x128xf32, #tpu.memory_space<hbm>> -> memref<1x1x1x8x128xf32, #tpu.memory_space<hbm>>
        %dma_wait3A_790 = tpu.memref_squeeze %dma_wait3A_789 : memref<1x1x1x8x128xf32, #tpu.memory_space<hbm>> -> memref<8x128xf32, #tpu.memory_space<hbm>>
        %dma_wait3A_791 = arith.constant 8 : i32
        %dma_wait3A_792 = arith.constant 0 : i32
        %dma_wait3A_793 = tpu.memref_slice %arg10[%dma_wait3A_791, %dma_wait3A_792] : memref<64x128xf32, #tpu.memory_space<vmem>> -> memref<8x128xf32, #tpu.memory_space<vmem>>
        tpu.wait_dma2 semaphore(%arg14 : memref<!tpu.dma_semaphore, #tpu.memory_space<semaphore_mem>>) src(%dma_wait3A_793 : memref<8x128xf32, #tpu.memory_space<vmem>>) dst(%dma_wait3A_790 : memref<8x128xf32, #tpu.memory_space<hbm>>)
        %dma_wait3A_794 = arith.constant 0 : i32
        %dma_wait3A_795 = arith.constant 2 : i32
        %dma_wait3A_796 = arith.constant 16 : i32
        %dma_wait3A_797 = arith.constant 0 : i32
        %dma_wait3A_798 = tpu.memref_slice %arg10[%dma_wait3A_796, %dma_wait3A_797] : memref<64x128xf32, #tpu.memory_space<vmem>> -> memref<8x128xf32, #tpu.memory_space<vmem>>
        %dma_wait3A_799 = arith.constant 0 : i32
        %dma_wait3A_800 = arith.constant 0 : i32
        %dma_wait3A_801 = tpu.memref_slice %arg4[%dma_wait3A_794, %dma_wait3A_795, %add3A, %dma_wait3A_799, %dma_wait3A_800] : memref<200x8x32x8x128xf32, #tpu.memory_space<hbm>> -> memref<1x1x1x8x128xf32, #tpu.memory_space<hbm>>
        %dma_wait3A_802 = tpu.memref_squeeze %dma_wait3A_801 : memref<1x1x1x8x128xf32, #tpu.memory_space<hbm>> -> memref<8x128xf32, #tpu.memory_space<hbm>>
        %dma_wait3A_803 = arith.constant 0 : i32
        %dma_wait3A_804 = arith.constant 0 : i32
        %dma_wait3A_805 = tpu.memref_slice %arg4[%dma_wait3A_794, %dma_wait3A_795, %add3A, %dma_wait3A_803, %dma_wait3A_804] : memref<200x8x32x8x128xf32, #tpu.memory_space<hbm>> -> memref<1x1x1x8x128xf32, #tpu.memory_space<hbm>>
        %dma_wait3A_806 = tpu.memref_squeeze %dma_wait3A_805 : memref<1x1x1x8x128xf32, #tpu.memory_space<hbm>> -> memref<8x128xf32, #tpu.memory_space<hbm>>
        %dma_wait3A_807 = arith.constant 16 : i32
        %dma_wait3A_808 = arith.constant 0 : i32
        %dma_wait3A_809 = tpu.memref_slice %arg10[%dma_wait3A_807, %dma_wait3A_808] : memref<64x128xf32, #tpu.memory_space<vmem>> -> memref<8x128xf32, #tpu.memory_space<vmem>>
        tpu.wait_dma2 semaphore(%arg14 : memref<!tpu.dma_semaphore, #tpu.memory_space<semaphore_mem>>) src(%dma_wait3A_809 : memref<8x128xf32, #tpu.memory_space<vmem>>) dst(%dma_wait3A_806 : memref<8x128xf32, #tpu.memory_space<hbm>>)
        %dma_wait3A_810 = arith.constant 0 : i32
        %dma_wait3A_811 = arith.constant 3 : i32
        %dma_wait3A_812 = arith.constant 24 : i32
        %dma_wait3A_813 = arith.constant 0 : i32
        %dma_wait3A_814 = tpu.memref_slice %arg10[%dma_wait3A_812, %dma_wait3A_813] : memref<64x128xf32, #tpu.memory_space<vmem>> -> memref<8x128xf32, #tpu.memory_space<vmem>>
        %dma_wait3A_815 = arith.constant 0 : i32
        %dma_wait3A_816 = arith.constant 0 : i32
        %dma_wait3A_817 = tpu.memref_slice %arg4[%dma_wait3A_810, %dma_wait3A_811, %add3A, %dma_wait3A_815, %dma_wait3A_816] : memref<200x8x32x8x128xf32, #tpu.memory_space<hbm>> -> memref<1x1x1x8x128xf32, #tpu.memory_space<hbm>>
        %dma_wait3A_818 = tpu.memref_squeeze %dma_wait3A_817 : memref<1x1x1x8x128xf32, #tpu.memory_space<hbm>> -> memref<8x128xf32, #tpu.memory_space<hbm>>
        %dma_wait3A_819 = arith.constant 0 : i32
        %dma_wait3A_820 = arith.constant 0 : i32
        %dma_wait3A_821 = tpu.memref_slice %arg4[%dma_wait3A_810, %dma_wait3A_811, %add3A, %dma_wait3A_819, %dma_wait3A_820] : memref<200x8x32x8x128xf32, #tpu.memory_space<hbm>> -> memref<1x1x1x8x128xf32, #tpu.memory_space<hbm>>
        %dma_wait3A_822 = tpu.memref_squeeze %dma_wait3A_821 : memref<1x1x1x8x128xf32, #tpu.memory_space<hbm>> -> memref<8x128xf32, #tpu.memory_space<hbm>>
        %dma_wait3A_823 = arith.constant 24 : i32
        %dma_wait3A_824 = arith.constant 0 : i32
        %dma_wait3A_825 = tpu.memref_slice %arg10[%dma_wait3A_823, %dma_wait3A_824] : memref<64x128xf32, #tpu.memory_space<vmem>> -> memref<8x128xf32, #tpu.memory_space<vmem>>
        tpu.wait_dma2 semaphore(%arg14 : memref<!tpu.dma_semaphore, #tpu.memory_space<semaphore_mem>>) src(%dma_wait3A_825 : memref<8x128xf32, #tpu.memory_space<vmem>>) dst(%dma_wait3A_822 : memref<8x128xf32, #tpu.memory_space<hbm>>)
        %dma_wait3A_826 = arith.constant 0 : i32
        %dma_wait3A_827 = arith.constant 4 : i32
        %dma_wait3A_828 = arith.constant 32 : i32
        %dma_wait3A_829 = arith.constant 0 : i32
        %dma_wait3A_830 = tpu.memref_slice %arg10[%dma_wait3A_828, %dma_wait3A_829] : memref<64x128xf32, #tpu.memory_space<vmem>> -> memref<8x128xf32, #tpu.memory_space<vmem>>
        %dma_wait3A_831 = arith.constant 0 : i32
        %dma_wait3A_832 = arith.constant 0 : i32
        %dma_wait3A_833 = tpu.memref_slice %arg4[%dma_wait3A_826, %dma_wait3A_827, %add3A, %dma_wait3A_831, %dma_wait3A_832] : memref<200x8x32x8x128xf32, #tpu.memory_space<hbm>> -> memref<1x1x1x8x128xf32, #tpu.memory_space<hbm>>
        %dma_wait3A_834 = tpu.memref_squeeze %dma_wait3A_833 : memref<1x1x1x8x128xf32, #tpu.memory_space<hbm>> -> memref<8x128xf32, #tpu.memory_space<hbm>>
        %dma_wait3A_835 = arith.constant 0 : i32
        %dma_wait3A_836 = arith.constant 0 : i32
        %dma_wait3A_837 = tpu.memref_slice %arg4[%dma_wait3A_826, %dma_wait3A_827, %add3A, %dma_wait3A_835, %dma_wait3A_836] : memref<200x8x32x8x128xf32, #tpu.memory_space<hbm>> -> memref<1x1x1x8x128xf32, #tpu.memory_space<hbm>>
        %dma_wait3A_838 = tpu.memref_squeeze %dma_wait3A_837 : memref<1x1x1x8x128xf32, #tpu.memory_space<hbm>> -> memref<8x128xf32, #tpu.memory_space<hbm>>
        %dma_wait3A_839 = arith.constant 32 : i32
        %dma_wait3A_840 = arith.constant 0 : i32
        %dma_wait3A_841 = tpu.memref_slice %arg10[%dma_wait3A_839, %dma_wait3A_840] : memref<64x128xf32, #tpu.memory_space<vmem>> -> memref<8x128xf32, #tpu.memory_space<vmem>>
        tpu.wait_dma2 semaphore(%arg14 : memref<!tpu.dma_semaphore, #tpu.memory_space<semaphore_mem>>) src(%dma_wait3A_841 : memref<8x128xf32, #tpu.memory_space<vmem>>) dst(%dma_wait3A_838 : memref<8x128xf32, #tpu.memory_space<hbm>>)
        %dma_wait3A_842 = arith.constant 0 : i32
        %dma_wait3A_843 = arith.constant 5 : i32
        %dma_wait3A_844 = arith.constant 40 : i32
        %dma_wait3A_845 = arith.constant 0 : i32
        %dma_wait3A_846 = tpu.memref_slice %arg10[%dma_wait3A_844, %dma_wait3A_845] : memref<64x128xf32, #tpu.memory_space<vmem>> -> memref<8x128xf32, #tpu.memory_space<vmem>>
        %dma_wait3A_847 = arith.constant 0 : i32
        %dma_wait3A_848 = arith.constant 0 : i32
        %dma_wait3A_849 = tpu.memref_slice %arg4[%dma_wait3A_842, %dma_wait3A_843, %add3A, %dma_wait3A_847, %dma_wait3A_848] : memref<200x8x32x8x128xf32, #tpu.memory_space<hbm>> -> memref<1x1x1x8x128xf32, #tpu.memory_space<hbm>>
        %dma_wait3A_850 = tpu.memref_squeeze %dma_wait3A_849 : memref<1x1x1x8x128xf32, #tpu.memory_space<hbm>> -> memref<8x128xf32, #tpu.memory_space<hbm>>
        %dma_wait3A_851 = arith.constant 0 : i32
        %dma_wait3A_852 = arith.constant 0 : i32
        %dma_wait3A_853 = tpu.memref_slice %arg4[%dma_wait3A_842, %dma_wait3A_843, %add3A, %dma_wait3A_851, %dma_wait3A_852] : memref<200x8x32x8x128xf32, #tpu.memory_space<hbm>> -> memref<1x1x1x8x128xf32, #tpu.memory_space<hbm>>
        %dma_wait3A_854 = tpu.memref_squeeze %dma_wait3A_853 : memref<1x1x1x8x128xf32, #tpu.memory_space<hbm>> -> memref<8x128xf32, #tpu.memory_space<hbm>>
        %dma_wait3A_855 = arith.constant 40 : i32
        %dma_wait3A_856 = arith.constant 0 : i32
        %dma_wait3A_857 = tpu.memref_slice %arg10[%dma_wait3A_855, %dma_wait3A_856] : memref<64x128xf32, #tpu.memory_space<vmem>> -> memref<8x128xf32, #tpu.memory_space<vmem>>
        tpu.wait_dma2 semaphore(%arg14 : memref<!tpu.dma_semaphore, #tpu.memory_space<semaphore_mem>>) src(%dma_wait3A_857 : memref<8x128xf32, #tpu.memory_space<vmem>>) dst(%dma_wait3A_854 : memref<8x128xf32, #tpu.memory_space<hbm>>)
        %dma_wait3A_858 = arith.constant 0 : i32
        %dma_wait3A_859 = arith.constant 6 : i32
        %dma_wait3A_860 = arith.constant 48 : i32
        %dma_wait3A_861 = arith.constant 0 : i32
        %dma_wait3A_862 = tpu.memref_slice %arg10[%dma_wait3A_860, %dma_wait3A_861] : memref<64x128xf32, #tpu.memory_space<vmem>> -> memref<8x128xf32, #tpu.memory_space<vmem>>
        %dma_wait3A_863 = arith.constant 0 : i32
        %dma_wait3A_864 = arith.constant 0 : i32
        %dma_wait3A_865 = tpu.memref_slice %arg4[%dma_wait3A_858, %dma_wait3A_859, %add3A, %dma_wait3A_863, %dma_wait3A_864] : memref<200x8x32x8x128xf32, #tpu.memory_space<hbm>> -> memref<1x1x1x8x128xf32, #tpu.memory_space<hbm>>
        %dma_wait3A_866 = tpu.memref_squeeze %dma_wait3A_865 : memref<1x1x1x8x128xf32, #tpu.memory_space<hbm>> -> memref<8x128xf32, #tpu.memory_space<hbm>>
        %dma_wait3A_867 = arith.constant 0 : i32
        %dma_wait3A_868 = arith.constant 0 : i32
        %dma_wait3A_869 = tpu.memref_slice %arg4[%dma_wait3A_858, %dma_wait3A_859, %add3A, %dma_wait3A_867, %dma_wait3A_868] : memref<200x8x32x8x128xf32, #tpu.memory_space<hbm>> -> memref<1x1x1x8x128xf32, #tpu.memory_space<hbm>>
        %dma_wait3A_870 = tpu.memref_squeeze %dma_wait3A_869 : memref<1x1x1x8x128xf32, #tpu.memory_space<hbm>> -> memref<8x128xf32, #tpu.memory_space<hbm>>
        %dma_wait3A_871 = arith.constant 48 : i32
        %dma_wait3A_872 = arith.constant 0 : i32
        %dma_wait3A_873 = tpu.memref_slice %arg10[%dma_wait3A_871, %dma_wait3A_872] : memref<64x128xf32, #tpu.memory_space<vmem>> -> memref<8x128xf32, #tpu.memory_space<vmem>>
        tpu.wait_dma2 semaphore(%arg14 : memref<!tpu.dma_semaphore, #tpu.memory_space<semaphore_mem>>) src(%dma_wait3A_873 : memref<8x128xf32, #tpu.memory_space<vmem>>) dst(%dma_wait3A_870 : memref<8x128xf32, #tpu.memory_space<hbm>>)
        %dma_wait3A_874 = arith.constant 0 : i32
        %dma_wait3A_875 = arith.constant 7 : i32
        %dma_wait3A_876 = arith.constant 56 : i32
        %dma_wait3A_877 = arith.constant 0 : i32
        %dma_wait3A_878 = tpu.memref_slice %arg10[%dma_wait3A_876, %dma_wait3A_877] : memref<64x128xf32, #tpu.memory_space<vmem>> -> memref<8x128xf32, #tpu.memory_space<vmem>>
        %dma_wait3A_879 = arith.constant 0 : i32
        %dma_wait3A_880 = arith.constant 0 : i32
        %dma_wait3A_881 = tpu.memref_slice %arg4[%dma_wait3A_874, %dma_wait3A_875, %add3A, %dma_wait3A_879, %dma_wait3A_880] : memref<200x8x32x8x128xf32, #tpu.memory_space<hbm>> -> memref<1x1x1x8x128xf32, #tpu.memory_space<hbm>>
        %dma_wait3A_882 = tpu.memref_squeeze %dma_wait3A_881 : memref<1x1x1x8x128xf32, #tpu.memory_space<hbm>> -> memref<8x128xf32, #tpu.memory_space<hbm>>
        %dma_wait3A_883 = arith.constant 0 : i32
        %dma_wait3A_884 = arith.constant 0 : i32
        %dma_wait3A_885 = tpu.memref_slice %arg4[%dma_wait3A_874, %dma_wait3A_875, %add3A, %dma_wait3A_883, %dma_wait3A_884] : memref<200x8x32x8x128xf32, #tpu.memory_space<hbm>> -> memref<1x1x1x8x128xf32, #tpu.memory_space<hbm>>
        %dma_wait3A_886 = tpu.memref_squeeze %dma_wait3A_885 : memref<1x1x1x8x128xf32, #tpu.memory_space<hbm>> -> memref<8x128xf32, #tpu.memory_space<hbm>>
        %dma_wait3A_887 = arith.constant 56 : i32
        %dma_wait3A_888 = arith.constant 0 : i32
        %dma_wait3A_889 = tpu.memref_slice %arg10[%dma_wait3A_887, %dma_wait3A_888] : memref<64x128xf32, #tpu.memory_space<vmem>> -> memref<8x128xf32, #tpu.memory_space<vmem>>
        tpu.wait_dma2 semaphore(%arg14 : memref<!tpu.dma_semaphore, #tpu.memory_space<semaphore_mem>>) src(%dma_wait3A_889 : memref<8x128xf32, #tpu.memory_space<vmem>>) dst(%dma_wait3A_886 : memref<8x128xf32, #tpu.memory_space<hbm>>)
      } else {
      }
      %parallel_loop3A = arith.constant 0 : i32
      %parallel_loop3A_492 = arith.constant 64 : i32
      %parallel_loop3A_493 = arith.constant 1 : i32
      scf.for %parallel_loop3A_762 = %parallel_loop3A to %parallel_loop3A_492 step %parallel_loop3A_493  : i32 {
        %parallel_loop3A_763 = arith.constant 0 : i32
        %parallel_loop3A_764 = vector.broadcast %parallel_loop3A_763 : i32 to vector<16xi32>
        %parallel_loop3A_765 = arith.muli %iota3A, %parallel_loop3A_764 : vector<16xi32>
        %parallel_loop3A_766 = vector.broadcast %parallel_loop3A_762 : i32 to vector<16xi32>
        %parallel_loop3A_767 = arith.addi %parallel_loop3A_765, %parallel_loop3A_766 : vector<16xi32>
        %parallel_loop3A_768 = tpu.vector_load_idx %arg8[%add3A_5, %parallel_loop3A_767] : memref<128x64xf32, #tpu.memory_space<vmem>>[vector<16xi32>, vector<16xi32>], vector<16xf32>,
        %parallel_loop3A_769 = arith.constant 8.000000e+00 : f32
        %parallel_loop3A_770 = vector.broadcast %parallel_loop3A_769 : f32 to vector<16xf32>
        %parallel_loop3A_771 = arith.mulf %parallel_loop3A_768, %parallel_loop3A_770 : vector<16xf32>
        %parallel_loop3A_772 = arith.index_cast %parallel_loop3A_762 : i32 to index
        %parallel_loop3A_773 = arith.constant 0 : index
        %parallel_loop3A_774 = tpu.vector_load %arg10[%parallel_loop3A_772, %parallel_loop3A_773] {strides = array<i32>} : memref<64x128xf32, #tpu.memory_space<vmem>>, vector<16xf32>,
        tpu.vector_store %arg10[%parallel_loop3A_772, %parallel_loop3A_773], %parallel_loop3A_771 {strides = array<i32>} : memref<64x128xf32, #tpu.memory_space<vmem>>, vector<16xf32>,
        %parallel_loop3A_775 = tpu.vector_load_idx %arg8[%add3A_8, %parallel_loop3A_767] : memref<128x64xf32, #tpu.memory_space<vmem>>[vector<16xi32>, vector<16xi32>], vector<16xf32>,
        %parallel_loop3A_776 = arith.constant 8.000000e+00 : f32
        %parallel_loop3A_777 = vector.broadcast %parallel_loop3A_776 : f32 to vector<16xf32>
        %parallel_loop3A_778 = arith.mulf %parallel_loop3A_775, %parallel_loop3A_777 : vector<16xf32>
        %parallel_loop3A_779 = arith.index_cast %parallel_loop3A_762 : i32 to index
        %parallel_loop3A_780 = arith.constant 16 : index
        %parallel_loop3A_781 = tpu.vector_load %arg10[%parallel_loop3A_779, %parallel_loop3A_780] {strides = array<i32>} : memref<64x128xf32, #tpu.memory_space<vmem>>, vector<16xf32>,
        tpu.vector_store %arg10[%parallel_loop3A_779, %parallel_loop3A_780], %parallel_loop3A_778 {strides = array<i32>} : memref<64x128xf32, #tpu.memory_space<vmem>>, vector<16xf32>,
        %parallel_loop3A_782 = tpu.vector_load_idx %arg8[%add3A_11, %parallel_loop3A_767] : memref<128x64xf32, #tpu.memory_space<vmem>>[vector<16xi32>, vector<16xi32>], vector<16xf32>,
        %parallel_loop3A_783 = arith.constant 8.000000e+00 : f32
        %parallel_loop3A_784 = vector.broadcast %parallel_loop3A_783 : f32 to vector<16xf32>
        %parallel_loop3A_785 = arith.mulf %parallel_loop3A_782, %parallel_loop3A_784 : vector<16xf32>
        %parallel_loop3A_786 = arith.index_cast %parallel_loop3A_762 : i32 to index
        %parallel_loop3A_787 = arith.constant 32 : index
        %parallel_loop3A_788 = tpu.vector_load %arg10[%parallel_loop3A_786, %parallel_loop3A_787] {strides = array<i32>} : memref<64x128xf32, #tpu.memory_space<vmem>>, vector<16xf32>,
        tpu.vector_store %arg10[%parallel_loop3A_786, %parallel_loop3A_787], %parallel_loop3A_785 {strides = array<i32>} : memref<64x128xf32, #tpu.memory_space<vmem>>, vector<16xf32>,
        %parallel_loop3A_789 = tpu.vector_load_idx %arg8[%add3A_14, %parallel_loop3A_767] : memref<128x64xf32, #tpu.memory_space<vmem>>[vector<16xi32>, vector<16xi32>], vector<16xf32>,
        %parallel_loop3A_790 = arith.constant 8.000000e+00 : f32
        %parallel_loop3A_791 = vector.broadcast %parallel_loop3A_790 : f32 to vector<16xf32>
        %parallel_loop3A_792 = arith.mulf %parallel_loop3A_789, %parallel_loop3A_791 : vector<16xf32>
        %parallel_loop3A_793 = arith.index_cast %parallel_loop3A_762 : i32 to index
        %parallel_loop3A_794 = arith.constant 48 : index
        %parallel_loop3A_795 = tpu.vector_load %arg10[%parallel_loop3A_793, %parallel_loop3A_794] {strides = array<i32>} : memref<64x128xf32, #tpu.memory_space<vmem>>, vector<16xf32>,
        tpu.vector_store %arg10[%parallel_loop3A_793, %parallel_loop3A_794], %parallel_loop3A_792 {strides = array<i32>} : memref<64x128xf32, #tpu.memory_space<vmem>>, vector<16xf32>,
        %parallel_loop3A_796 = tpu.vector_load_idx %arg8[%add3A_17, %parallel_loop3A_767] : memref<128x64xf32, #tpu.memory_space<vmem>>[vector<16xi32>, vector<16xi32>], vector<16xf32>,
        %parallel_loop3A_797 = arith.constant 8.000000e+00 : f32
        %parallel_loop3A_798 = vector.broadcast %parallel_loop3A_797 : f32 to vector<16xf32>
        %parallel_loop3A_799 = arith.mulf %parallel_loop3A_796, %parallel_loop3A_798 : vector<16xf32>
        %parallel_loop3A_800 = arith.index_cast %parallel_loop3A_762 : i32 to index
        %parallel_loop3A_801 = arith.constant 64 : index
        %parallel_loop3A_802 = tpu.vector_load %arg10[%parallel_loop3A_800, %parallel_loop3A_801] {strides = array<i32>} : memref<64x128xf32, #tpu.memory_space<vmem>>, vector<16xf32>,
        tpu.vector_store %arg10[%parallel_loop3A_800, %parallel_loop3A_801], %parallel_loop3A_799 {strides = array<i32>} : memref<64x128xf32, #tpu.memory_space<vmem>>, vector<16xf32>,
        %parallel_loop3A_803 = tpu.vector_load_idx %arg8[%add3A_20, %parallel_loop3A_767] : memref<128x64xf32, #tpu.memory_space<vmem>>[vector<16xi32>, vector<16xi32>], vector<16xf32>,
        %parallel_loop3A_804 = arith.constant 8.000000e+00 : f32
        %parallel_loop3A_805 = vector.broadcast %parallel_loop3A_804 : f32 to vector<16xf32>
        %parallel_loop3A_806 = arith.mulf %parallel_loop3A_803, %parallel_loop3A_805 : vector<16xf32>
        %parallel_loop3A_807 = arith.index_cast %parallel_loop3A_762 : i32 to index
        %parallel_loop3A_808 = arith.constant 80 : index
        %parallel_loop3A_809 = tpu.vector_load %arg10[%parallel_loop3A_807, %parallel_loop3A_808] {strides = array<i32>} : memref<64x128xf32, #tpu.memory_space<vmem>>, vector<16xf32>,
        tpu.vector_store %arg10[%parallel_loop3A_807, %parallel_loop3A_808], %parallel_loop3A_806 {strides = array<i32>} : memref<64x128xf32, #tpu.memory_space<vmem>>, vector<16xf32>,
        %parallel_loop3A_810 = tpu.vector_load_idx %arg8[%add3A_23, %parallel_loop3A_767] : memref<128x64xf32, #tpu.memory_space<vmem>>[vector<16xi32>, vector<16xi32>], vector<16xf32>,
        %parallel_loop3A_811 = arith.constant 8.000000e+00 : f32
        %parallel_loop3A_812 = vector.broadcast %parallel_loop3A_811 : f32 to vector<16xf32>
        %parallel_loop3A_813 = arith.mulf %parallel_loop3A_810, %parallel_loop3A_812 : vector<16xf32>
        %parallel_loop3A_814 = arith.index_cast %parallel_loop3A_762 : i32 to index
        %parallel_loop3A_815 = arith.constant 96 : index
        %parallel_loop3A_816 = tpu.vector_load %arg10[%parallel_loop3A_814, %parallel_loop3A_815] {strides = array<i32>} : memref<64x128xf32, #tpu.memory_space<vmem>>, vector<16xf32>,
        tpu.vector_store %arg10[%parallel_loop3A_814, %parallel_loop3A_815], %parallel_loop3A_813 {strides = array<i32>} : memref<64x128xf32, #tpu.memory_space<vmem>>, vector<16xf32>,
        %parallel_loop3A_817 = tpu.vector_load_idx %arg8[%add3A_26, %parallel_loop3A_767] : memref<128x64xf32, #tpu.memory_space<vmem>>[vector<16xi32>, vector<16xi32>], vector<16xf32>,
        %parallel_loop3A_818 = arith.constant 8.000000e+00 : f32
        %parallel_loop3A_819 = vector.broadcast %parallel_loop3A_818 : f32 to vector<16xf32>
        %parallel_loop3A_820 = arith.mulf %parallel_loop3A_817, %parallel_loop3A_819 : vector<16xf32>
        %parallel_loop3A_821 = arith.index_cast %parallel_loop3A_762 : i32 to index
        %parallel_loop3A_822 = arith.constant 112 : index
        %parallel_loop3A_823 = tpu.vector_load %arg10[%parallel_loop3A_821, %parallel_loop3A_822] {strides = array<i32>} : memref<64x128xf32, #tpu.memory_space<vmem>>, vector<16xf32>,
        tpu.vector_store %arg10[%parallel_loop3A_821, %parallel_loop3A_822], %parallel_loop3A_820 {strides = array<i32>} : memref<64x128xf32, #tpu.memory_space<vmem>>, vector<16xf32>,
      } {sc.loop_unroll_factor = 4 : i64, sc.parallel_access}
      %add3A_494 = arith.constant 2 : i32
      %add3A_495 = arith.addi %add3A_486, %add3A_494 : i32
      %lt3A = arith.constant 200 : i32
      %lt3A_496 = arith.cmpi slt, %add3A_495, %lt3A : i32
      %convert_element_type3A_497 = arith.extui %lt3A_496 : i1 to i32
      %cond3A_498 = arith.constant 0 : i32
      %cond3A_499 = arith.cmpi ne, %convert_element_type3A_497, %cond3A_498 : i32
      scf.if %cond3A_499 {
        %add3A_762 = arith.constant 2 : i32
        %add3A_763 = arith.addi %add3A_486, %add3A_762 : i32
        %add3A_764 = arith.constant 0 : i32
        %add3A_765 = vector.broadcast %add3A_764 : i32 to vector<16xi32>
        %add3A_766 = arith.addi %iota3A, %add3A_765 : vector<16xi32>
        %mul3A_767 = arith.constant 0 : i32
        %mul3A_768 = vector.broadcast %mul3A_767 : i32 to vector<16xi32>
        %mul3A_769 = arith.muli %iota3A, %mul3A_768 : vector<16xi32>
        %add3A_770 = vector.broadcast %add3A_763 : i32 to vector<16xi32>
        %add3A_771 = arith.addi %mul3A_769, %add3A_770 : vector<16xi32>
        %gather3A_772 = tpu.vector_load_idx %arg5[%add3A_766, %add3A_771] : memref<128x200xi32, #tpu.memory_space<vmem>>[vector<16xi32>, vector<16xi32>], vector<16xi32>,
        %swap3A_773 = arith.constant 0 : index
        %swap3A_774 = tpu.vector_load %arg6[%swap3A_773] {strides = array<i32>} : memref<128xi32, #tpu.memory_space<vmem>>, vector<16xi32>,
        tpu.vector_store %arg6[%swap3A_773], %gather3A_772 {strides = array<i32>} : memref<128xi32, #tpu.memory_space<vmem>>, vector<16xi32>,
        %add3A_775 = arith.constant 16 : i32
        %add3A_776 = vector.broadcast %add3A_775 : i32 to vector<16xi32>
        %add3A_777 = arith.addi %iota3A, %add3A_776 : vector<16xi32>
        %mul3A_778 = arith.constant 0 : i32
        %mul3A_779 = vector.broadcast %mul3A_778 : i32 to vector<16xi32>
        %mul3A_780 = arith.muli %iota3A, %mul3A_779 : vector<16xi32>
        %add3A_781 = vector.broadcast %add3A_763 : i32 to vector<16xi32>
        %add3A_782 = arith.addi %mul3A_780, %add3A_781 : vector<16xi32>
        %gather3A_783 = tpu.vector_load_idx %arg5[%add3A_777, %add3A_782] : memref<128x200xi32, #tpu.memory_space<vmem>>[vector<16xi32>, vector<16xi32>], vector<16xi32>,
        %swap3A_784 = arith.constant 16 : index
        %swap3A_785 = tpu.vector_load %arg6[%swap3A_784] {strides = array<i32>} : memref<128xi32, #tpu.memory_space<vmem>>, vector<16xi32>,
        tpu.vector_store %arg6[%swap3A_784], %gather3A_783 {strides = array<i32>} : memref<128xi32, #tpu.memory_space<vmem>>, vector<16xi32>,
        %add3A_786 = arith.constant 32 : i32
        %add3A_787 = vector.broadcast %add3A_786 : i32 to vector<16xi32>
        %add3A_788 = arith.addi %iota3A, %add3A_787 : vector<16xi32>
        %mul3A_789 = arith.constant 0 : i32
        %mul3A_790 = vector.broadcast %mul3A_789 : i32 to vector<16xi32>
        %mul3A_791 = arith.muli %iota3A, %mul3A_790 : vector<16xi32>
        %add3A_792 = vector.broadcast %add3A_763 : i32 to vector<16xi32>
        %add3A_793 = arith.addi %mul3A_791, %add3A_792 : vector<16xi32>
        %gather3A_794 = tpu.vector_load_idx %arg5[%add3A_788, %add3A_793] : memref<128x200xi32, #tpu.memory_space<vmem>>[vector<16xi32>, vector<16xi32>], vector<16xi32>,
        %swap3A_795 = arith.constant 32 : index
        %swap3A_796 = tpu.vector_load %arg6[%swap3A_795] {strides = array<i32>} : memref<128xi32, #tpu.memory_space<vmem>>, vector<16xi32>,
        tpu.vector_store %arg6[%swap3A_795], %gather3A_794 {strides = array<i32>} : memref<128xi32, #tpu.memory_space<vmem>>, vector<16xi32>,
        %add3A_797 = arith.constant 48 : i32
        %add3A_798 = vector.broadcast %add3A_797 : i32 to vector<16xi32>
        %add3A_799 = arith.addi %iota3A, %add3A_798 : vector<16xi32>
        %mul3A_800 = arith.constant 0 : i32
        %mul3A_801 = vector.broadcast %mul3A_800 : i32 to vector<16xi32>
        %mul3A_802 = arith.muli %iota3A, %mul3A_801 : vector<16xi32>
        %add3A_803 = vector.broadcast %add3A_763 : i32 to vector<16xi32>
        %add3A_804 = arith.addi %mul3A_802, %add3A_803 : vector<16xi32>
        %gather3A_805 = tpu.vector_load_idx %arg5[%add3A_799, %add3A_804] : memref<128x200xi32, #tpu.memory_space<vmem>>[vector<16xi32>, vector<16xi32>], vector<16xi32>,
        %swap3A_806 = arith.constant 48 : index
        %swap3A_807 = tpu.vector_load %arg6[%swap3A_806] {strides = array<i32>} : memref<128xi32, #tpu.memory_space<vmem>>, vector<16xi32>,
        tpu.vector_store %arg6[%swap3A_806], %gather3A_805 {strides = array<i32>} : memref<128xi32, #tpu.memory_space<vmem>>, vector<16xi32>,
        %add3A_808 = arith.constant 64 : i32
        %add3A_809 = vector.broadcast %add3A_808 : i32 to vector<16xi32>
        %add3A_810 = arith.addi %iota3A, %add3A_809 : vector<16xi32>
        %mul3A_811 = arith.constant 0 : i32
        %mul3A_812 = vector.broadcast %mul3A_811 : i32 to vector<16xi32>
        %mul3A_813 = arith.muli %iota3A, %mul3A_812 : vector<16xi32>
        %add3A_814 = vector.broadcast %add3A_763 : i32 to vector<16xi32>
        %add3A_815 = arith.addi %mul3A_813, %add3A_814 : vector<16xi32>
        %gather3A_816 = tpu.vector_load_idx %arg5[%add3A_810, %add3A_815] : memref<128x200xi32, #tpu.memory_space<vmem>>[vector<16xi32>, vector<16xi32>], vector<16xi32>,
        %swap3A_817 = arith.constant 64 : index
        %swap3A_818 = tpu.vector_load %arg6[%swap3A_817] {strides = array<i32>} : memref<128xi32, #tpu.memory_space<vmem>>, vector<16xi32>,
        tpu.vector_store %arg6[%swap3A_817], %gather3A_816 {strides = array<i32>} : memref<128xi32, #tpu.memory_space<vmem>>, vector<16xi32>,
        %add3A_819 = arith.constant 80 : i32
        %add3A_820 = vector.broadcast %add3A_819 : i32 to vector<16xi32>
        %add3A_821 = arith.addi %iota3A, %add3A_820 : vector<16xi32>
        %mul3A_822 = arith.constant 0 : i32
        %mul3A_823 = vector.broadcast %mul3A_822 : i32 to vector<16xi32>
        %mul3A_824 = arith.muli %iota3A, %mul3A_823 : vector<16xi32>
        %add3A_825 = vector.broadcast %add3A_763 : i32 to vector<16xi32>
        %add3A_826 = arith.addi %mul3A_824, %add3A_825 : vector<16xi32>
        %gather3A_827 = tpu.vector_load_idx %arg5[%add3A_821, %add3A_826] : memref<128x200xi32, #tpu.memory_space<vmem>>[vector<16xi32>, vector<16xi32>], vector<16xi32>,
        %swap3A_828 = arith.constant 80 : index
        %swap3A_829 = tpu.vector_load %arg6[%swap3A_828] {strides = array<i32>} : memref<128xi32, #tpu.memory_space<vmem>>, vector<16xi32>,
        tpu.vector_store %arg6[%swap3A_828], %gather3A_827 {strides = array<i32>} : memref<128xi32, #tpu.memory_space<vmem>>, vector<16xi32>,
        %add3A_830 = arith.constant 96 : i32
        %add3A_831 = vector.broadcast %add3A_830 : i32 to vector<16xi32>
        %add3A_832 = arith.addi %iota3A, %add3A_831 : vector<16xi32>
        %mul3A_833 = arith.constant 0 : i32
        %mul3A_834 = vector.broadcast %mul3A_833 : i32 to vector<16xi32>
        %mul3A_835 = arith.muli %iota3A, %mul3A_834 : vector<16xi32>
        %add3A_836 = vector.broadcast %add3A_763 : i32 to vector<16xi32>
        %add3A_837 = arith.addi %mul3A_835, %add3A_836 : vector<16xi32>
        %gather3A_838 = tpu.vector_load_idx %arg5[%add3A_832, %add3A_837] : memref<128x200xi32, #tpu.memory_space<vmem>>[vector<16xi32>, vector<16xi32>], vector<16xi32>,
        %swap3A_839 = arith.constant 96 : index
        %swap3A_840 = tpu.vector_load %arg6[%swap3A_839] {strides = array<i32>} : memref<128xi32, #tpu.memory_space<vmem>>, vector<16xi32>,
        tpu.vector_store %arg6[%swap3A_839], %gather3A_838 {strides = array<i32>} : memref<128xi32, #tpu.memory_space<vmem>>, vector<16xi32>,
        %add3A_841 = arith.constant 112 : i32
        %add3A_842 = vector.broadcast %add3A_841 : i32 to vector<16xi32>
        %add3A_843 = arith.addi %iota3A, %add3A_842 : vector<16xi32>
        %mul3A_844 = arith.constant 0 : i32
        %mul3A_845 = vector.broadcast %mul3A_844 : i32 to vector<16xi32>
        %mul3A_846 = arith.muli %iota3A, %mul3A_845 : vector<16xi32>
        %add3A_847 = vector.broadcast %add3A_763 : i32 to vector<16xi32>
        %add3A_848 = arith.addi %mul3A_846, %add3A_847 : vector<16xi32>
        %gather3A_849 = tpu.vector_load_idx %arg5[%add3A_843, %add3A_848] : memref<128x200xi32, #tpu.memory_space<vmem>>[vector<16xi32>, vector<16xi32>], vector<16xi32>,
        %swap3A_850 = arith.constant 112 : index
        %swap3A_851 = tpu.vector_load %arg6[%swap3A_850] {strides = array<i32>} : memref<128xi32, #tpu.memory_space<vmem>>, vector<16xi32>,
        tpu.vector_store %arg6[%swap3A_850], %gather3A_849 {strides = array<i32>} : memref<128xi32, #tpu.memory_space<vmem>>, vector<16xi32>,
        %dma_start3A_852 = arith.constant 0 : i32
        %dma_start3A_853 = arith.constant 0 : i32
        %dma_start3A_854 = tpu.memref_slice %arg2[%dma_start3A_852, %dma_start3A_853] : memref<1000000x64xf32, #tpu.memory_space<hbm>> -> memref<1000000x64xf32, #tpu.memory_space<hbm>>
        tpu.enqueue_indirect_dma source(%dma_start3A_854 : memref<1000000x64xf32, #tpu.memory_space<hbm>>) target(%arg8 : memref<128x64xf32, #tpu.memory_space<vmem>>) offsets(%arg6 : memref<128xi32, #tpu.memory_space<vmem>>) semaphore(%arg12 : memref<!tpu.dma_semaphore, #tpu.memory_space<semaphore_mem>>)
      } else {
      }
      %dma_start3A_500 = arith.constant 0 : i32
      %dma_start3A_501 = arith.constant 0 : i32
      %dma_start3A_502 = arith.constant 0 : i32
      %dma_start3A_503 = tpu.memref_slice %arg10[%dma_start3A_501, %dma_start3A_502] : memref<64x128xf32, #tpu.memory_space<vmem>> -> memref<8x128xf32, #tpu.memory_space<vmem>>
      %dma_start3A_504 = arith.constant 0 : i32
      %dma_start3A_505 = arith.constant 0 : i32
      %dma_start3A_506 = tpu.memref_slice %arg4[%add3A_486, %dma_start3A_500, %add3A, %dma_start3A_504, %dma_start3A_505] : memref<200x8x32x8x128xf32, #tpu.memory_space<hbm>> -> memref<1x1x1x8x128xf32, #tpu.memory_space<hbm>>
      %dma_start3A_507 = tpu.memref_squeeze %dma_start3A_506 : memref<1x1x1x8x128xf32, #tpu.memory_space<hbm>> -> memref<8x128xf32, #tpu.memory_space<hbm>>
      %dma_start3A_508 = arith.constant 0 : i32
      %dma_start3A_509 = arith.constant 0 : i32
      %dma_start3A_510 = tpu.memref_slice %arg4[%add3A_486, %dma_start3A_500, %add3A, %dma_start3A_508, %dma_start3A_509] : memref<200x8x32x8x128xf32, #tpu.memory_space<hbm>> -> memref<1x1x1x8x128xf32, #tpu.memory_space<hbm>>
      %dma_start3A_511 = tpu.memref_squeeze %dma_start3A_510 : memref<1x1x1x8x128xf32, #tpu.memory_space<hbm>> -> memref<8x128xf32, #tpu.memory_space<hbm>>
      %dma_start3A_512 = arith.constant 0 : i32
      %dma_start3A_513 = arith.constant 0 : i32
      %dma_start3A_514 = tpu.memref_slice %arg10[%dma_start3A_512, %dma_start3A_513] : memref<64x128xf32, #tpu.memory_space<vmem>> -> memref<8x128xf32, #tpu.memory_space<vmem>>
      tpu.enqueue_dma source(%dma_start3A_514 : memref<8x128xf32, #tpu.memory_space<vmem>>) target(%dma_start3A_511 : memref<8x128xf32, #tpu.memory_space<hbm>>) target_semaphore(%arg14 : memref<!tpu.dma_semaphore, #tpu.memory_space<semaphore_mem>>)
      %dma_start3A_515 = arith.constant 1 : i32
      %dma_start3A_516 = arith.constant 8 : i32
      %dma_start3A_517 = arith.constant 0 : i32
      %dma_start3A_518 = tpu.memref_slice %arg10[%dma_start3A_516, %dma_start3A_517] : memref<64x128xf32, #tpu.memory_space<vmem>> -> memref<8x128xf32, #tpu.memory_space<vmem>>
      %dma_start3A_519 = arith.constant 0 : i32
      %dma_start3A_520 = arith.constant 0 : i32
      %dma_start3A_521 = tpu.memref_slice %arg4[%add3A_486, %dma_start3A_515, %add3A, %dma_start3A_519, %dma_start3A_520] : memref<200x8x32x8x128xf32, #tpu.memory_space<hbm>> -> memref<1x1x1x8x128xf32, #tpu.memory_space<hbm>>
      %dma_start3A_522 = tpu.memref_squeeze %dma_start3A_521 : memref<1x1x1x8x128xf32, #tpu.memory_space<hbm>> -> memref<8x128xf32, #tpu.memory_space<hbm>>
      %dma_start3A_523 = arith.constant 0 : i32
      %dma_start3A_524 = arith.constant 0 : i32
      %dma_start3A_525 = tpu.memref_slice %arg4[%add3A_486, %dma_start3A_515, %add3A, %dma_start3A_523, %dma_start3A_524] : memref<200x8x32x8x128xf32, #tpu.memory_space<hbm>> -> memref<1x1x1x8x128xf32, #tpu.memory_space<hbm>>
      %dma_start3A_526 = tpu.memref_squeeze %dma_start3A_525 : memref<1x1x1x8x128xf32, #tpu.memory_space<hbm>> -> memref<8x128xf32, #tpu.memory_space<hbm>>
      %dma_start3A_527 = arith.constant 8 : i32
      %dma_start3A_528 = arith.constant 0 : i32
      %dma_start3A_529 = tpu.memref_slice %arg10[%dma_start3A_527, %dma_start3A_528] : memref<64x128xf32, #tpu.memory_space<vmem>> -> memref<8x128xf32, #tpu.memory_space<vmem>>
      tpu.enqueue_dma source(%dma_start3A_529 : memref<8x128xf32, #tpu.memory_space<vmem>>) target(%dma_start3A_526 : memref<8x128xf32, #tpu.memory_space<hbm>>) target_semaphore(%arg14 : memref<!tpu.dma_semaphore, #tpu.memory_space<semaphore_mem>>)
      %dma_start3A_530 = arith.constant 2 : i32
      %dma_start3A_531 = arith.constant 16 : i32
      %dma_start3A_532 = arith.constant 0 : i32
      %dma_start3A_533 = tpu.memref_slice %arg10[%dma_start3A_531, %dma_start3A_532] : memref<64x128xf32, #tpu.memory_space<vmem>> -> memref<8x128xf32, #tpu.memory_space<vmem>>
      %dma_start3A_534 = arith.constant 0 : i32
      %dma_start3A_535 = arith.constant 0 : i32
      %dma_start3A_536 = tpu.memref_slice %arg4[%add3A_486, %dma_start3A_530, %add3A, %dma_start3A_534, %dma_start3A_535] : memref<200x8x32x8x128xf32, #tpu.memory_space<hbm>> -> memref<1x1x1x8x128xf32, #tpu.memory_space<hbm>>
      %dma_start3A_537 = tpu.memref_squeeze %dma_start3A_536 : memref<1x1x1x8x128xf32, #tpu.memory_space<hbm>> -> memref<8x128xf32, #tpu.memory_space<hbm>>
      %dma_start3A_538 = arith.constant 0 : i32
      %dma_start3A_539 = arith.constant 0 : i32
      %dma_start3A_540 = tpu.memref_slice %arg4[%add3A_486, %dma_start3A_530, %add3A, %dma_start3A_538, %dma_start3A_539] : memref<200x8x32x8x128xf32, #tpu.memory_space<hbm>> -> memref<1x1x1x8x128xf32, #tpu.memory_space<hbm>>
      %dma_start3A_541 = tpu.memref_squeeze %dma_start3A_540 : memref<1x1x1x8x128xf32, #tpu.memory_space<hbm>> -> memref<8x128xf32, #tpu.memory_space<hbm>>
      %dma_start3A_542 = arith.constant 16 : i32
      %dma_start3A_543 = arith.constant 0 : i32
      %dma_start3A_544 = tpu.memref_slice %arg10[%dma_start3A_542, %dma_start3A_543] : memref<64x128xf32, #tpu.memory_space<vmem>> -> memref<8x128xf32, #tpu.memory_space<vmem>>
      tpu.enqueue_dma source(%dma_start3A_544 : memref<8x128xf32, #tpu.memory_space<vmem>>) target(%dma_start3A_541 : memref<8x128xf32, #tpu.memory_space<hbm>>) target_semaphore(%arg14 : memref<!tpu.dma_semaphore, #tpu.memory_space<semaphore_mem>>)
      %dma_start3A_545 = arith.constant 3 : i32
      %dma_start3A_546 = arith.constant 24 : i32
      %dma_start3A_547 = arith.constant 0 : i32
      %dma_start3A_548 = tpu.memref_slice %arg10[%dma_start3A_546, %dma_start3A_547] : memref<64x128xf32, #tpu.memory_space<vmem>> -> memref<8x128xf32, #tpu.memory_space<vmem>>
      %dma_start3A_549 = arith.constant 0 : i32
      %dma_start3A_550 = arith.constant 0 : i32
      %dma_start3A_551 = tpu.memref_slice %arg4[%add3A_486, %dma_start3A_545, %add3A, %dma_start3A_549, %dma_start3A_550] : memref<200x8x32x8x128xf32, #tpu.memory_space<hbm>> -> memref<1x1x1x8x128xf32, #tpu.memory_space<hbm>>
      %dma_start3A_552 = tpu.memref_squeeze %dma_start3A_551 : memref<1x1x1x8x128xf32, #tpu.memory_space<hbm>> -> memref<8x128xf32, #tpu.memory_space<hbm>>
      %dma_start3A_553 = arith.constant 0 : i32
      %dma_start3A_554 = arith.constant 0 : i32
      %dma_start3A_555 = tpu.memref_slice %arg4[%add3A_486, %dma_start3A_545, %add3A, %dma_start3A_553, %dma_start3A_554] : memref<200x8x32x8x128xf32, #tpu.memory_space<hbm>> -> memref<1x1x1x8x128xf32, #tpu.memory_space<hbm>>
      %dma_start3A_556 = tpu.memref_squeeze %dma_start3A_555 : memref<1x1x1x8x128xf32, #tpu.memory_space<hbm>> -> memref<8x128xf32, #tpu.memory_space<hbm>>
      %dma_start3A_557 = arith.constant 24 : i32
      %dma_start3A_558 = arith.constant 0 : i32
      %dma_start3A_559 = tpu.memref_slice %arg10[%dma_start3A_557, %dma_start3A_558] : memref<64x128xf32, #tpu.memory_space<vmem>> -> memref<8x128xf32, #tpu.memory_space<vmem>>
      tpu.enqueue_dma source(%dma_start3A_559 : memref<8x128xf32, #tpu.memory_space<vmem>>) target(%dma_start3A_556 : memref<8x128xf32, #tpu.memory_space<hbm>>) target_semaphore(%arg14 : memref<!tpu.dma_semaphore, #tpu.memory_space<semaphore_mem>>)
      %dma_start3A_560 = arith.constant 4 : i32
      %dma_start3A_561 = arith.constant 32 : i32
      %dma_start3A_562 = arith.constant 0 : i32
      %dma_start3A_563 = tpu.memref_slice %arg10[%dma_start3A_561, %dma_start3A_562] : memref<64x128xf32, #tpu.memory_space<vmem>> -> memref<8x128xf32, #tpu.memory_space<vmem>>
      %dma_start3A_564 = arith.constant 0 : i32
      %dma_start3A_565 = arith.constant 0 : i32
      %dma_start3A_566 = tpu.memref_slice %arg4[%add3A_486, %dma_start3A_560, %add3A, %dma_start3A_564, %dma_start3A_565] : memref<200x8x32x8x128xf32, #tpu.memory_space<hbm>> -> memref<1x1x1x8x128xf32, #tpu.memory_space<hbm>>
      %dma_start3A_567 = tpu.memref_squeeze %dma_start3A_566 : memref<1x1x1x8x128xf32, #tpu.memory_space<hbm>> -> memref<8x128xf32, #tpu.memory_space<hbm>>
      %dma_start3A_568 = arith.constant 0 : i32
      %dma_start3A_569 = arith.constant 0 : i32
      %dma_start3A_570 = tpu.memref_slice %arg4[%add3A_486, %dma_start3A_560, %add3A, %dma_start3A_568, %dma_start3A_569] : memref<200x8x32x8x128xf32, #tpu.memory_space<hbm>> -> memref<1x1x1x8x128xf32, #tpu.memory_space<hbm>>
      %dma_start3A_571 = tpu.memref_squeeze %dma_start3A_570 : memref<1x1x1x8x128xf32, #tpu.memory_space<hbm>> -> memref<8x128xf32, #tpu.memory_space<hbm>>
      %dma_start3A_572 = arith.constant 32 : i32
      %dma_start3A_573 = arith.constant 0 : i32
      %dma_start3A_574 = tpu.memref_slice %arg10[%dma_start3A_572, %dma_start3A_573] : memref<64x128xf32, #tpu.memory_space<vmem>> -> memref<8x128xf32, #tpu.memory_space<vmem>>
      tpu.enqueue_dma source(%dma_start3A_574 : memref<8x128xf32, #tpu.memory_space<vmem>>) target(%dma_start3A_571 : memref<8x128xf32, #tpu.memory_space<hbm>>) target_semaphore(%arg14 : memref<!tpu.dma_semaphore, #tpu.memory_space<semaphore_mem>>)
      %dma_start3A_575 = arith.constant 5 : i32
      %dma_start3A_576 = arith.constant 40 : i32
      %dma_start3A_577 = arith.constant 0 : i32
      %dma_start3A_578 = tpu.memref_slice %arg10[%dma_start3A_576, %dma_start3A_577] : memref<64x128xf32, #tpu.memory_space<vmem>> -> memref<8x128xf32, #tpu.memory_space<vmem>>
      %dma_start3A_579 = arith.constant 0 : i32
      %dma_start3A_580 = arith.constant 0 : i32
      %dma_start3A_581 = tpu.memref_slice %arg4[%add3A_486, %dma_start3A_575, %add3A, %dma_start3A_579, %dma_start3A_580] : memref<200x8x32x8x128xf32, #tpu.memory_space<hbm>> -> memref<1x1x1x8x128xf32, #tpu.memory_space<hbm>>
      %dma_start3A_582 = tpu.memref_squeeze %dma_start3A_581 : memref<1x1x1x8x128xf32, #tpu.memory_space<hbm>> -> memref<8x128xf32, #tpu.memory_space<hbm>>
      %dma_start3A_583 = arith.constant 0 : i32
      %dma_start3A_584 = arith.constant 0 : i32
      %dma_start3A_585 = tpu.memref_slice %arg4[%add3A_486, %dma_start3A_575, %add3A, %dma_start3A_583, %dma_start3A_584] : memref<200x8x32x8x128xf32, #tpu.memory_space<hbm>> -> memref<1x1x1x8x128xf32, #tpu.memory_space<hbm>>
      %dma_start3A_586 = tpu.memref_squeeze %dma_start3A_585 : memref<1x1x1x8x128xf32, #tpu.memory_space<hbm>> -> memref<8x128xf32, #tpu.memory_space<hbm>>
      %dma_start3A_587 = arith.constant 40 : i32
      %dma_start3A_588 = arith.constant 0 : i32
      %dma_start3A_589 = tpu.memref_slice %arg10[%dma_start3A_587, %dma_start3A_588] : memref<64x128xf32, #tpu.memory_space<vmem>> -> memref<8x128xf32, #tpu.memory_space<vmem>>
      tpu.enqueue_dma source(%dma_start3A_589 : memref<8x128xf32, #tpu.memory_space<vmem>>) target(%dma_start3A_586 : memref<8x128xf32, #tpu.memory_space<hbm>>) target_semaphore(%arg14 : memref<!tpu.dma_semaphore, #tpu.memory_space<semaphore_mem>>)
      %dma_start3A_590 = arith.constant 6 : i32
      %dma_start3A_591 = arith.constant 48 : i32
      %dma_start3A_592 = arith.constant 0 : i32
      %dma_start3A_593 = tpu.memref_slice %arg10[%dma_start3A_591, %dma_start3A_592] : memref<64x128xf32, #tpu.memory_space<vmem>> -> memref<8x128xf32, #tpu.memory_space<vmem>>
      %dma_start3A_594 = arith.constant 0 : i32
      %dma_start3A_595 = arith.constant 0 : i32
      %dma_start3A_596 = tpu.memref_slice %arg4[%add3A_486, %dma_start3A_590, %add3A, %dma_start3A_594, %dma_start3A_595] : memref<200x8x32x8x128xf32, #tpu.memory_space<hbm>> -> memref<1x1x1x8x128xf32, #tpu.memory_space<hbm>>
      %dma_start3A_597 = tpu.memref_squeeze %dma_start3A_596 : memref<1x1x1x8x128xf32, #tpu.memory_space<hbm>> -> memref<8x128xf32, #tpu.memory_space<hbm>>
      %dma_start3A_598 = arith.constant 0 : i32
      %dma_start3A_599 = arith.constant 0 : i32
      %dma_start3A_600 = tpu.memref_slice %arg4[%add3A_486, %dma_start3A_590, %add3A, %dma_start3A_598, %dma_start3A_599] : memref<200x8x32x8x128xf32, #tpu.memory_space<hbm>> -> memref<1x1x1x8x128xf32, #tpu.memory_space<hbm>>
      %dma_start3A_601 = tpu.memref_squeeze %dma_start3A_600 : memref<1x1x1x8x128xf32, #tpu.memory_space<hbm>> -> memref<8x128xf32, #tpu.memory_space<hbm>>
      %dma_start3A_602 = arith.constant 48 : i32
      %dma_start3A_603 = arith.constant 0 : i32
      %dma_start3A_604 = tpu.memref_slice %arg10[%dma_start3A_602, %dma_start3A_603] : memref<64x128xf32, #tpu.memory_space<vmem>> -> memref<8x128xf32, #tpu.memory_space<vmem>>
      tpu.enqueue_dma source(%dma_start3A_604 : memref<8x128xf32, #tpu.memory_space<vmem>>) target(%dma_start3A_601 : memref<8x128xf32, #tpu.memory_space<hbm>>) target_semaphore(%arg14 : memref<!tpu.dma_semaphore, #tpu.memory_space<semaphore_mem>>)
      %dma_start3A_605 = arith.constant 7 : i32
      %dma_start3A_606 = arith.constant 56 : i32
      %dma_start3A_607 = arith.constant 0 : i32
      %dma_start3A_608 = tpu.memref_slice %arg10[%dma_start3A_606, %dma_start3A_607] : memref<64x128xf32, #tpu.memory_space<vmem>> -> memref<8x128xf32, #tpu.memory_space<vmem>>
      %dma_start3A_609 = arith.constant 0 : i32
      %dma_start3A_610 = arith.constant 0 : i32
      %dma_start3A_611 = tpu.memref_slice %arg4[%add3A_486, %dma_start3A_605, %add3A, %dma_start3A_609, %dma_start3A_610] : memref<200x8x32x8x128xf32, #tpu.memory_space<hbm>> -> memref<1x1x1x8x128xf32, #tpu.memory_space<hbm>>
      %dma_start3A_612 = tpu.memref_squeeze %dma_start3A_611 : memref<1x1x1x8x128xf32, #tpu.memory_space<hbm>> -> memref<8x128xf32, #tpu.memory_space<hbm>>
      %dma_start3A_613 = arith.constant 0 : i32
      %dma_start3A_614 = arith.constant 0 : i32
      %dma_start3A_615 = tpu.memref_slice %arg4[%add3A_486, %dma_start3A_605, %add3A, %dma_start3A_613, %dma_start3A_614] : memref<200x8x32x8x128xf32, #tpu.memory_space<hbm>> -> memref<1x1x1x8x128xf32, #tpu.memory_space<hbm>>
      %dma_start3A_616 = tpu.memref_squeeze %dma_start3A_615 : memref<1x1x1x8x128xf32, #tpu.memory_space<hbm>> -> memref<8x128xf32, #tpu.memory_space<hbm>>
      %dma_start3A_617 = arith.constant 56 : i32
      %dma_start3A_618 = arith.constant 0 : i32
      %dma_start3A_619 = tpu.memref_slice %arg10[%dma_start3A_617, %dma_start3A_618] : memref<64x128xf32, #tpu.memory_space<vmem>> -> memref<8x128xf32, #tpu.memory_space<vmem>>
      tpu.enqueue_dma source(%dma_start3A_619 : memref<8x128xf32, #tpu.memory_space<vmem>>) target(%dma_start3A_616 : memref<8x128xf32, #tpu.memory_space<hbm>>) target_semaphore(%arg14 : memref<!tpu.dma_semaphore, #tpu.memory_space<semaphore_mem>>)
      %mul3A_620 = arith.constant 2 : i32
      %mul3A_621 = arith.muli %scan3A_482, %mul3A_620 : i32
      %add3A_622 = arith.constant 1 : i32
      %add3A_623 = arith.addi %mul3A_621, %add3A_622 : i32
      %dma_wait3A_624 = arith.constant 0 : i32
      %dma_wait3A_625 = arith.constant 0 : i32
      %dma_wait3A_626 = tpu.memref_slice %arg2[%dma_wait3A_624, %dma_wait3A_625] : memref<1000000x64xf32, #tpu.memory_space<hbm>> -> memref<1000000x64xf32, #tpu.memory_space<hbm>>
      tpu.wait_indirect_dma semaphore(%arg13 : memref<!tpu.dma_semaphore, #tpu.memory_space<semaphore_mem>>) src(%dma_wait3A_626 : memref<1000000x64xf32, #tpu.memory_space<hbm>>) dst(%arg9 : memref<128x64xf32, #tpu.memory_space<vmem>>)
      %gt3A_627 = arith.constant 0 : i32
      %gt3A_628 = arith.cmpi sgt, %scan3A_482, %gt3A_627 : i32
      %convert_element_type3A_629 = arith.extui %gt3A_628 : i1 to i32
      %cond3A_630 = arith.constant 0 : i32
      %cond3A_631 = arith.cmpi ne, %convert_element_type3A_629, %cond3A_630 : i32
      scf.if %cond3A_631 {
        %dma_wait3A_762 = arith.constant 0 : i32
        %dma_wait3A_763 = arith.constant 0 : i32
        %dma_wait3A_764 = arith.constant 0 : i32
        %dma_wait3A_765 = arith.constant 0 : i32
        %dma_wait3A_766 = tpu.memref_slice %arg11[%dma_wait3A_764, %dma_wait3A_765] : memref<64x128xf32, #tpu.memory_space<vmem>> -> memref<8x128xf32, #tpu.memory_space<vmem>>
        %dma_wait3A_767 = arith.constant 0 : i32
        %dma_wait3A_768 = arith.constant 0 : i32
        %dma_wait3A_769 = tpu.memref_slice %arg4[%dma_wait3A_762, %dma_wait3A_763, %add3A, %dma_wait3A_767, %dma_wait3A_768] : memref<200x8x32x8x128xf32, #tpu.memory_space<hbm>> -> memref<1x1x1x8x128xf32, #tpu.memory_space<hbm>>
        %dma_wait3A_770 = tpu.memref_squeeze %dma_wait3A_769 : memref<1x1x1x8x128xf32, #tpu.memory_space<hbm>> -> memref<8x128xf32, #tpu.memory_space<hbm>>
        %dma_wait3A_771 = arith.constant 0 : i32
        %dma_wait3A_772 = arith.constant 0 : i32
        %dma_wait3A_773 = tpu.memref_slice %arg4[%dma_wait3A_762, %dma_wait3A_763, %add3A, %dma_wait3A_771, %dma_wait3A_772] : memref<200x8x32x8x128xf32, #tpu.memory_space<hbm>> -> memref<1x1x1x8x128xf32, #tpu.memory_space<hbm>>
        %dma_wait3A_774 = tpu.memref_squeeze %dma_wait3A_773 : memref<1x1x1x8x128xf32, #tpu.memory_space<hbm>> -> memref<8x128xf32, #tpu.memory_space<hbm>>
        %dma_wait3A_775 = arith.constant 0 : i32
        %dma_wait3A_776 = arith.constant 0 : i32
        %dma_wait3A_777 = tpu.memref_slice %arg11[%dma_wait3A_775, %dma_wait3A_776] : memref<64x128xf32, #tpu.memory_space<vmem>> -> memref<8x128xf32, #tpu.memory_space<vmem>>
        tpu.wait_dma2 semaphore(%arg15 : memref<!tpu.dma_semaphore, #tpu.memory_space<semaphore_mem>>) src(%dma_wait3A_777 : memref<8x128xf32, #tpu.memory_space<vmem>>) dst(%dma_wait3A_774 : memref<8x128xf32, #tpu.memory_space<hbm>>)
        %dma_wait3A_778 = arith.constant 0 : i32
        %dma_wait3A_779 = arith.constant 1 : i32
        %dma_wait3A_780 = arith.constant 8 : i32
        %dma_wait3A_781 = arith.constant 0 : i32
        %dma_wait3A_782 = tpu.memref_slice %arg11[%dma_wait3A_780, %dma_wait3A_781] : memref<64x128xf32, #tpu.memory_space<vmem>> -> memref<8x128xf32, #tpu.memory_space<vmem>>
        %dma_wait3A_783 = arith.constant 0 : i32
        %dma_wait3A_784 = arith.constant 0 : i32
        %dma_wait3A_785 = tpu.memref_slice %arg4[%dma_wait3A_778, %dma_wait3A_779, %add3A, %dma_wait3A_783, %dma_wait3A_784] : memref<200x8x32x8x128xf32, #tpu.memory_space<hbm>> -> memref<1x1x1x8x128xf32, #tpu.memory_space<hbm>>
        %dma_wait3A_786 = tpu.memref_squeeze %dma_wait3A_785 : memref<1x1x1x8x128xf32, #tpu.memory_space<hbm>> -> memref<8x128xf32, #tpu.memory_space<hbm>>
        %dma_wait3A_787 = arith.constant 0 : i32
        %dma_wait3A_788 = arith.constant 0 : i32
        %dma_wait3A_789 = tpu.memref_slice %arg4[%dma_wait3A_778, %dma_wait3A_779, %add3A, %dma_wait3A_787, %dma_wait3A_788] : memref<200x8x32x8x128xf32, #tpu.memory_space<hbm>> -> memref<1x1x1x8x128xf32, #tpu.memory_space<hbm>>
        %dma_wait3A_790 = tpu.memref_squeeze %dma_wait3A_789 : memref<1x1x1x8x128xf32, #tpu.memory_space<hbm>> -> memref<8x128xf32, #tpu.memory_space<hbm>>
        %dma_wait3A_791 = arith.constant 8 : i32
        %dma_wait3A_792 = arith.constant 0 : i32
        %dma_wait3A_793 = tpu.memref_slice %arg11[%dma_wait3A_791, %dma_wait3A_792] : memref<64x128xf32, #tpu.memory_space<vmem>> -> memref<8x128xf32, #tpu.memory_space<vmem>>
        tpu.wait_dma2 semaphore(%arg15 : memref<!tpu.dma_semaphore, #tpu.memory_space<semaphore_mem>>) src(%dma_wait3A_793 : memref<8x128xf32, #tpu.memory_space<vmem>>) dst(%dma_wait3A_790 : memref<8x128xf32, #tpu.memory_space<hbm>>)
        %dma_wait3A_794 = arith.constant 0 : i32
        %dma_wait3A_795 = arith.constant 2 : i32
        %dma_wait3A_796 = arith.constant 16 : i32
        %dma_wait3A_797 = arith.constant 0 : i32
        %dma_wait3A_798 = tpu.memref_slice %arg11[%dma_wait3A_796, %dma_wait3A_797] : memref<64x128xf32, #tpu.memory_space<vmem>> -> memref<8x128xf32, #tpu.memory_space<vmem>>
        %dma_wait3A_799 = arith.constant 0 : i32
        %dma_wait3A_800 = arith.constant 0 : i32
        %dma_wait3A_801 = tpu.memref_slice %arg4[%dma_wait3A_794, %dma_wait3A_795, %add3A, %dma_wait3A_799, %dma_wait3A_800] : memref<200x8x32x8x128xf32, #tpu.memory_space<hbm>> -> memref<1x1x1x8x128xf32, #tpu.memory_space<hbm>>
        %dma_wait3A_802 = tpu.memref_squeeze %dma_wait3A_801 : memref<1x1x1x8x128xf32, #tpu.memory_space<hbm>> -> memref<8x128xf32, #tpu.memory_space<hbm>>
        %dma_wait3A_803 = arith.constant 0 : i32
        %dma_wait3A_804 = arith.constant 0 : i32
        %dma_wait3A_805 = tpu.memref_slice %arg4[%dma_wait3A_794, %dma_wait3A_795, %add3A, %dma_wait3A_803, %dma_wait3A_804] : memref<200x8x32x8x128xf32, #tpu.memory_space<hbm>> -> memref<1x1x1x8x128xf32, #tpu.memory_space<hbm>>
        %dma_wait3A_806 = tpu.memref_squeeze %dma_wait3A_805 : memref<1x1x1x8x128xf32, #tpu.memory_space<hbm>> -> memref<8x128xf32, #tpu.memory_space<hbm>>
        %dma_wait3A_807 = arith.constant 16 : i32
        %dma_wait3A_808 = arith.constant 0 : i32
        %dma_wait3A_809 = tpu.memref_slice %arg11[%dma_wait3A_807, %dma_wait3A_808] : memref<64x128xf32, #tpu.memory_space<vmem>> -> memref<8x128xf32, #tpu.memory_space<vmem>>
        tpu.wait_dma2 semaphore(%arg15 : memref<!tpu.dma_semaphore, #tpu.memory_space<semaphore_mem>>) src(%dma_wait3A_809 : memref<8x128xf32, #tpu.memory_space<vmem>>) dst(%dma_wait3A_806 : memref<8x128xf32, #tpu.memory_space<hbm>>)
        %dma_wait3A_810 = arith.constant 0 : i32
        %dma_wait3A_811 = arith.constant 3 : i32
        %dma_wait3A_812 = arith.constant 24 : i32
        %dma_wait3A_813 = arith.constant 0 : i32
        %dma_wait3A_814 = tpu.memref_slice %arg11[%dma_wait3A_812, %dma_wait3A_813] : memref<64x128xf32, #tpu.memory_space<vmem>> -> memref<8x128xf32, #tpu.memory_space<vmem>>
        %dma_wait3A_815 = arith.constant 0 : i32
        %dma_wait3A_816 = arith.constant 0 : i32
        %dma_wait3A_817 = tpu.memref_slice %arg4[%dma_wait3A_810, %dma_wait3A_811, %add3A, %dma_wait3A_815, %dma_wait3A_816] : memref<200x8x32x8x128xf32, #tpu.memory_space<hbm>> -> memref<1x1x1x8x128xf32, #tpu.memory_space<hbm>>
        %dma_wait3A_818 = tpu.memref_squeeze %dma_wait3A_817 : memref<1x1x1x8x128xf32, #tpu.memory_space<hbm>> -> memref<8x128xf32, #tpu.memory_space<hbm>>
        %dma_wait3A_819 = arith.constant 0 : i32
        %dma_wait3A_820 = arith.constant 0 : i32
        %dma_wait3A_821 = tpu.memref_slice %arg4[%dma_wait3A_810, %dma_wait3A_811, %add3A, %dma_wait3A_819, %dma_wait3A_820] : memref<200x8x32x8x128xf32, #tpu.memory_space<hbm>> -> memref<1x1x1x8x128xf32, #tpu.memory_space<hbm>>
        %dma_wait3A_822 = tpu.memref_squeeze %dma_wait3A_821 : memref<1x1x1x8x128xf32, #tpu.memory_space<hbm>> -> memref<8x128xf32, #tpu.memory_space<hbm>>
        %dma_wait3A_823 = arith.constant 24 : i32
        %dma_wait3A_824 = arith.constant 0 : i32
        %dma_wait3A_825 = tpu.memref_slice %arg11[%dma_wait3A_823, %dma_wait3A_824] : memref<64x128xf32, #tpu.memory_space<vmem>> -> memref<8x128xf32, #tpu.memory_space<vmem>>
        tpu.wait_dma2 semaphore(%arg15 : memref<!tpu.dma_semaphore, #tpu.memory_space<semaphore_mem>>) src(%dma_wait3A_825 : memref<8x128xf32, #tpu.memory_space<vmem>>) dst(%dma_wait3A_822 : memref<8x128xf32, #tpu.memory_space<hbm>>)
        %dma_wait3A_826 = arith.constant 0 : i32
        %dma_wait3A_827 = arith.constant 4 : i32
        %dma_wait3A_828 = arith.constant 32 : i32
        %dma_wait3A_829 = arith.constant 0 : i32
        %dma_wait3A_830 = tpu.memref_slice %arg11[%dma_wait3A_828, %dma_wait3A_829] : memref<64x128xf32, #tpu.memory_space<vmem>> -> memref<8x128xf32, #tpu.memory_space<vmem>>
        %dma_wait3A_831 = arith.constant 0 : i32
        %dma_wait3A_832 = arith.constant 0 : i32
        %dma_wait3A_833 = tpu.memref_slice %arg4[%dma_wait3A_826, %dma_wait3A_827, %add3A, %dma_wait3A_831, %dma_wait3A_832] : memref<200x8x32x8x128xf32, #tpu.memory_space<hbm>> -> memref<1x1x1x8x128xf32, #tpu.memory_space<hbm>>
        %dma_wait3A_834 = tpu.memref_squeeze %dma_wait3A_833 : memref<1x1x1x8x128xf32, #tpu.memory_space<hbm>> -> memref<8x128xf32, #tpu.memory_space<hbm>>
        %dma_wait3A_835 = arith.constant 0 : i32
        %dma_wait3A_836 = arith.constant 0 : i32
        %dma_wait3A_837 = tpu.memref_slice %arg4[%dma_wait3A_826, %dma_wait3A_827, %add3A, %dma_wait3A_835, %dma_wait3A_836] : memref<200x8x32x8x128xf32, #tpu.memory_space<hbm>> -> memref<1x1x1x8x128xf32, #tpu.memory_space<hbm>>
        %dma_wait3A_838 = tpu.memref_squeeze %dma_wait3A_837 : memref<1x1x1x8x128xf32, #tpu.memory_space<hbm>> -> memref<8x128xf32, #tpu.memory_space<hbm>>
        %dma_wait3A_839 = arith.constant 32 : i32
        %dma_wait3A_840 = arith.constant 0 : i32
        %dma_wait3A_841 = tpu.memref_slice %arg11[%dma_wait3A_839, %dma_wait3A_840] : memref<64x128xf32, #tpu.memory_space<vmem>> -> memref<8x128xf32, #tpu.memory_space<vmem>>
        tpu.wait_dma2 semaphore(%arg15 : memref<!tpu.dma_semaphore, #tpu.memory_space<semaphore_mem>>) src(%dma_wait3A_841 : memref<8x128xf32, #tpu.memory_space<vmem>>) dst(%dma_wait3A_838 : memref<8x128xf32, #tpu.memory_space<hbm>>)
        %dma_wait3A_842 = arith.constant 0 : i32
        %dma_wait3A_843 = arith.constant 5 : i32
        %dma_wait3A_844 = arith.constant 40 : i32
        %dma_wait3A_845 = arith.constant 0 : i32
        %dma_wait3A_846 = tpu.memref_slice %arg11[%dma_wait3A_844, %dma_wait3A_845] : memref<64x128xf32, #tpu.memory_space<vmem>> -> memref<8x128xf32, #tpu.memory_space<vmem>>
        %dma_wait3A_847 = arith.constant 0 : i32
        %dma_wait3A_848 = arith.constant 0 : i32
        %dma_wait3A_849 = tpu.memref_slice %arg4[%dma_wait3A_842, %dma_wait3A_843, %add3A, %dma_wait3A_847, %dma_wait3A_848] : memref<200x8x32x8x128xf32, #tpu.memory_space<hbm>> -> memref<1x1x1x8x128xf32, #tpu.memory_space<hbm>>
        %dma_wait3A_850 = tpu.memref_squeeze %dma_wait3A_849 : memref<1x1x1x8x128xf32, #tpu.memory_space<hbm>> -> memref<8x128xf32, #tpu.memory_space<hbm>>
        %dma_wait3A_851 = arith.constant 0 : i32
        %dma_wait3A_852 = arith.constant 0 : i32
        %dma_wait3A_853 = tpu.memref_slice %arg4[%dma_wait3A_842, %dma_wait3A_843, %add3A, %dma_wait3A_851, %dma_wait3A_852] : memref<200x8x32x8x128xf32, #tpu.memory_space<hbm>> -> memref<1x1x1x8x128xf32, #tpu.memory_space<hbm>>
        %dma_wait3A_854 = tpu.memref_squeeze %dma_wait3A_853 : memref<1x1x1x8x128xf32, #tpu.memory_space<hbm>> -> memref<8x128xf32, #tpu.memory_space<hbm>>
        %dma_wait3A_855 = arith.constant 40 : i32
        %dma_wait3A_856 = arith.constant 0 : i32
        %dma_wait3A_857 = tpu.memref_slice %arg11[%dma_wait3A_855, %dma_wait3A_856] : memref<64x128xf32, #tpu.memory_space<vmem>> -> memref<8x128xf32, #tpu.memory_space<vmem>>
        tpu.wait_dma2 semaphore(%arg15 : memref<!tpu.dma_semaphore, #tpu.memory_space<semaphore_mem>>) src(%dma_wait3A_857 : memref<8x128xf32, #tpu.memory_space<vmem>>) dst(%dma_wait3A_854 : memref<8x128xf32, #tpu.memory_space<hbm>>)
        %dma_wait3A_858 = arith.constant 0 : i32
        %dma_wait3A_859 = arith.constant 6 : i32
        %dma_wait3A_860 = arith.constant 48 : i32
        %dma_wait3A_861 = arith.constant 0 : i32
        %dma_wait3A_862 = tpu.memref_slice %arg11[%dma_wait3A_860, %dma_wait3A_861] : memref<64x128xf32, #tpu.memory_space<vmem>> -> memref<8x128xf32, #tpu.memory_space<vmem>>
        %dma_wait3A_863 = arith.constant 0 : i32
        %dma_wait3A_864 = arith.constant 0 : i32
        %dma_wait3A_865 = tpu.memref_slice %arg4[%dma_wait3A_858, %dma_wait3A_859, %add3A, %dma_wait3A_863, %dma_wait3A_864] : memref<200x8x32x8x128xf32, #tpu.memory_space<hbm>> -> memref<1x1x1x8x128xf32, #tpu.memory_space<hbm>>
        %dma_wait3A_866 = tpu.memref_squeeze %dma_wait3A_865 : memref<1x1x1x8x128xf32, #tpu.memory_space<hbm>> -> memref<8x128xf32, #tpu.memory_space<hbm>>
        %dma_wait3A_867 = arith.constant 0 : i32
        %dma_wait3A_868 = arith.constant 0 : i32
        %dma_wait3A_869 = tpu.memref_slice %arg4[%dma_wait3A_858, %dma_wait3A_859, %add3A, %dma_wait3A_867, %dma_wait3A_868] : memref<200x8x32x8x128xf32, #tpu.memory_space<hbm>> -> memref<1x1x1x8x128xf32, #tpu.memory_space<hbm>>
        %dma_wait3A_870 = tpu.memref_squeeze %dma_wait3A_869 : memref<1x1x1x8x128xf32, #tpu.memory_space<hbm>> -> memref<8x128xf32, #tpu.memory_space<hbm>>
        %dma_wait3A_871 = arith.constant 48 : i32
        %dma_wait3A_872 = arith.constant 0 : i32
        %dma_wait3A_873 = tpu.memref_slice %arg11[%dma_wait3A_871, %dma_wait3A_872] : memref<64x128xf32, #tpu.memory_space<vmem>> -> memref<8x128xf32, #tpu.memory_space<vmem>>
        tpu.wait_dma2 semaphore(%arg15 : memref<!tpu.dma_semaphore, #tpu.memory_space<semaphore_mem>>) src(%dma_wait3A_873 : memref<8x128xf32, #tpu.memory_space<vmem>>) dst(%dma_wait3A_870 : memref<8x128xf32, #tpu.memory_space<hbm>>)
        %dma_wait3A_874 = arith.constant 0 : i32
        %dma_wait3A_875 = arith.constant 7 : i32
        %dma_wait3A_876 = arith.constant 56 : i32
        %dma_wait3A_877 = arith.constant 0 : i32
        %dma_wait3A_878 = tpu.memref_slice %arg11[%dma_wait3A_876, %dma_wait3A_877] : memref<64x128xf32, #tpu.memory_space<vmem>> -> memref<8x128xf32, #tpu.memory_space<vmem>>
        %dma_wait3A_879 = arith.constant 0 : i32
        %dma_wait3A_880 = arith.constant 0 : i32
        %dma_wait3A_881 = tpu.memref_slice %arg4[%dma_wait3A_874, %dma_wait3A_875, %add3A, %dma_wait3A_879, %dma_wait3A_880] : memref<200x8x32x8x128xf32, #tpu.memory_space<hbm>> -> memref<1x1x1x8x128xf32, #tpu.memory_space<hbm>>
        %dma_wait3A_882 = tpu.memref_squeeze %dma_wait3A_881 : memref<1x1x1x8x128xf32, #tpu.memory_space<hbm>> -> memref<8x128xf32, #tpu.memory_space<hbm>>
        %dma_wait3A_883 = arith.constant 0 : i32
        %dma_wait3A_884 = arith.constant 0 : i32
        %dma_wait3A_885 = tpu.memref_slice %arg4[%dma_wait3A_874, %dma_wait3A_875, %add3A, %dma_wait3A_883, %dma_wait3A_884] : memref<200x8x32x8x128xf32, #tpu.memory_space<hbm>> -> memref<1x1x1x8x128xf32, #tpu.memory_space<hbm>>
        %dma_wait3A_886 = tpu.memref_squeeze %dma_wait3A_885 : memref<1x1x1x8x128xf32, #tpu.memory_space<hbm>> -> memref<8x128xf32, #tpu.memory_space<hbm>>
        %dma_wait3A_887 = arith.constant 56 : i32
        %dma_wait3A_888 = arith.constant 0 : i32
        %dma_wait3A_889 = tpu.memref_slice %arg11[%dma_wait3A_887, %dma_wait3A_888] : memref<64x128xf32, #tpu.memory_space<vmem>> -> memref<8x128xf32, #tpu.memory_space<vmem>>
        tpu.wait_dma2 semaphore(%arg15 : memref<!tpu.dma_semaphore, #tpu.memory_space<semaphore_mem>>) src(%dma_wait3A_889 : memref<8x128xf32, #tpu.memory_space<vmem>>) dst(%dma_wait3A_886 : memref<8x128xf32, #tpu.memory_space<hbm>>)
      } else {
      }
      %parallel_loop3A_632 = arith.constant 0 : i32
      %parallel_loop3A_633 = arith.constant 64 : i32
      %parallel_loop3A_634 = arith.constant 1 : i32
      scf.for %parallel_loop3A_762 = %parallel_loop3A_632 to %parallel_loop3A_633 step %parallel_loop3A_634  : i32 {
        %parallel_loop3A_763 = arith.constant 0 : i32
        %parallel_loop3A_764 = vector.broadcast %parallel_loop3A_763 : i32 to vector<16xi32>
        %parallel_loop3A_765 = arith.muli %iota3A, %parallel_loop3A_764 : vector<16xi32>
        %parallel_loop3A_766 = vector.broadcast %parallel_loop3A_762 : i32 to vector<16xi32>
        %parallel_loop3A_767 = arith.addi %parallel_loop3A_765, %parallel_loop3A_766 : vector<16xi32>
        %parallel_loop3A_768 = tpu.vector_load_idx %arg9[%add3A_5, %parallel_loop3A_767] : memref<128x64xf32, #tpu.memory_space<vmem>>[vector<16xi32>, vector<16xi32>], vector<16xf32>,
        %parallel_loop3A_769 = arith.constant 8.000000e+00 : f32
        %parallel_loop3A_770 = vector.broadcast %parallel_loop3A_769 : f32 to vector<16xf32>
        %parallel_loop3A_771 = arith.mulf %parallel_loop3A_768, %parallel_loop3A_770 : vector<16xf32>
        %parallel_loop3A_772 = arith.index_cast %parallel_loop3A_762 : i32 to index
        %parallel_loop3A_773 = arith.constant 0 : index
        %parallel_loop3A_774 = tpu.vector_load %arg11[%parallel_loop3A_772, %parallel_loop3A_773] {strides = array<i32>} : memref<64x128xf32, #tpu.memory_space<vmem>>, vector<16xf32>,
        tpu.vector_store %arg11[%parallel_loop3A_772, %parallel_loop3A_773], %parallel_loop3A_771 {strides = array<i32>} : memref<64x128xf32, #tpu.memory_space<vmem>>, vector<16xf32>,
        %parallel_loop3A_775 = tpu.vector_load_idx %arg9[%add3A_8, %parallel_loop3A_767] : memref<128x64xf32, #tpu.memory_space<vmem>>[vector<16xi32>, vector<16xi32>], vector<16xf32>,
        %parallel_loop3A_776 = arith.constant 8.000000e+00 : f32
        %parallel_loop3A_777 = vector.broadcast %parallel_loop3A_776 : f32 to vector<16xf32>
        %parallel_loop3A_778 = arith.mulf %parallel_loop3A_775, %parallel_loop3A_777 : vector<16xf32>
        %parallel_loop3A_779 = arith.index_cast %parallel_loop3A_762 : i32 to index
        %parallel_loop3A_780 = arith.constant 16 : index
        %parallel_loop3A_781 = tpu.vector_load %arg11[%parallel_loop3A_779, %parallel_loop3A_780] {strides = array<i32>} : memref<64x128xf32, #tpu.memory_space<vmem>>, vector<16xf32>,
        tpu.vector_store %arg11[%parallel_loop3A_779, %parallel_loop3A_780], %parallel_loop3A_778 {strides = array<i32>} : memref<64x128xf32, #tpu.memory_space<vmem>>, vector<16xf32>,
        %parallel_loop3A_782 = tpu.vector_load_idx %arg9[%add3A_11, %parallel_loop3A_767] : memref<128x64xf32, #tpu.memory_space<vmem>>[vector<16xi32>, vector<16xi32>], vector<16xf32>,
        %parallel_loop3A_783 = arith.constant 8.000000e+00 : f32
        %parallel_loop3A_784 = vector.broadcast %parallel_loop3A_783 : f32 to vector<16xf32>
        %parallel_loop3A_785 = arith.mulf %parallel_loop3A_782, %parallel_loop3A_784 : vector<16xf32>
        %parallel_loop3A_786 = arith.index_cast %parallel_loop3A_762 : i32 to index
        %parallel_loop3A_787 = arith.constant 32 : index
        %parallel_loop3A_788 = tpu.vector_load %arg11[%parallel_loop3A_786, %parallel_loop3A_787] {strides = array<i32>} : memref<64x128xf32, #tpu.memory_space<vmem>>, vector<16xf32>,
        tpu.vector_store %arg11[%parallel_loop3A_786, %parallel_loop3A_787], %parallel_loop3A_785 {strides = array<i32>} : memref<64x128xf32, #tpu.memory_space<vmem>>, vector<16xf32>,
        %parallel_loop3A_789 = tpu.vector_load_idx %arg9[%add3A_14, %parallel_loop3A_767] : memref<128x64xf32, #tpu.memory_space<vmem>>[vector<16xi32>, vector<16xi32>], vector<16xf32>,
        %parallel_loop3A_790 = arith.constant 8.000000e+00 : f32
        %parallel_loop3A_791 = vector.broadcast %parallel_loop3A_790 : f32 to vector<16xf32>
        %parallel_loop3A_792 = arith.mulf %parallel_loop3A_789, %parallel_loop3A_791 : vector<16xf32>
        %parallel_loop3A_793 = arith.index_cast %parallel_loop3A_762 : i32 to index
        %parallel_loop3A_794 = arith.constant 48 : index
        %parallel_loop3A_795 = tpu.vector_load %arg11[%parallel_loop3A_793, %parallel_loop3A_794] {strides = array<i32>} : memref<64x128xf32, #tpu.memory_space<vmem>>, vector<16xf32>,
        tpu.vector_store %arg11[%parallel_loop3A_793, %parallel_loop3A_794], %parallel_loop3A_792 {strides = array<i32>} : memref<64x128xf32, #tpu.memory_space<vmem>>, vector<16xf32>,
        %parallel_loop3A_796 = tpu.vector_load_idx %arg9[%add3A_17, %parallel_loop3A_767] : memref<128x64xf32, #tpu.memory_space<vmem>>[vector<16xi32>, vector<16xi32>], vector<16xf32>,
        %parallel_loop3A_797 = arith.constant 8.000000e+00 : f32
        %parallel_loop3A_798 = vector.broadcast %parallel_loop3A_797 : f32 to vector<16xf32>
        %parallel_loop3A_799 = arith.mulf %parallel_loop3A_796, %parallel_loop3A_798 : vector<16xf32>
        %parallel_loop3A_800 = arith.index_cast %parallel_loop3A_762 : i32 to index
        %parallel_loop3A_801 = arith.constant 64 : index
        %parallel_loop3A_802 = tpu.vector_load %arg11[%parallel_loop3A_800, %parallel_loop3A_801] {strides = array<i32>} : memref<64x128xf32, #tpu.memory_space<vmem>>, vector<16xf32>,
        tpu.vector_store %arg11[%parallel_loop3A_800, %parallel_loop3A_801], %parallel_loop3A_799 {strides = array<i32>} : memref<64x128xf32, #tpu.memory_space<vmem>>, vector<16xf32>,
        %parallel_loop3A_803 = tpu.vector_load_idx %arg9[%add3A_20, %parallel_loop3A_767] : memref<128x64xf32, #tpu.memory_space<vmem>>[vector<16xi32>, vector<16xi32>], vector<16xf32>,
        %parallel_loop3A_804 = arith.constant 8.000000e+00 : f32
        %parallel_loop3A_805 = vector.broadcast %parallel_loop3A_804 : f32 to vector<16xf32>
        %parallel_loop3A_806 = arith.mulf %parallel_loop3A_803, %parallel_loop3A_805 : vector<16xf32>
        %parallel_loop3A_807 = arith.index_cast %parallel_loop3A_762 : i32 to index
        %parallel_loop3A_808 = arith.constant 80 : index
        %parallel_loop3A_809 = tpu.vector_load %arg11[%parallel_loop3A_807, %parallel_loop3A_808] {strides = array<i32>} : memref<64x128xf32, #tpu.memory_space<vmem>>, vector<16xf32>,
        tpu.vector_store %arg11[%parallel_loop3A_807, %parallel_loop3A_808], %parallel_loop3A_806 {strides = array<i32>} : memref<64x128xf32, #tpu.memory_space<vmem>>, vector<16xf32>,
        %parallel_loop3A_810 = tpu.vector_load_idx %arg9[%add3A_23, %parallel_loop3A_767] : memref<128x64xf32, #tpu.memory_space<vmem>>[vector<16xi32>, vector<16xi32>], vector<16xf32>,
        %parallel_loop3A_811 = arith.constant 8.000000e+00 : f32
        %parallel_loop3A_812 = vector.broadcast %parallel_loop3A_811 : f32 to vector<16xf32>
        %parallel_loop3A_813 = arith.mulf %parallel_loop3A_810, %parallel_loop3A_812 : vector<16xf32>
        %parallel_loop3A_814 = arith.index_cast %parallel_loop3A_762 : i32 to index
        %parallel_loop3A_815 = arith.constant 96 : index
        %parallel_loop3A_816 = tpu.vector_load %arg11[%parallel_loop3A_814, %parallel_loop3A_815] {strides = array<i32>} : memref<64x128xf32, #tpu.memory_space<vmem>>, vector<16xf32>,
        tpu.vector_store %arg11[%parallel_loop3A_814, %parallel_loop3A_815], %parallel_loop3A_813 {strides = array<i32>} : memref<64x128xf32, #tpu.memory_space<vmem>>, vector<16xf32>,
        %parallel_loop3A_817 = tpu.vector_load_idx %arg9[%add3A_26, %parallel_loop3A_767] : memref<128x64xf32, #tpu.memory_space<vmem>>[vector<16xi32>, vector<16xi32>], vector<16xf32>,
        %parallel_loop3A_818 = arith.constant 8.000000e+00 : f32
        %parallel_loop3A_819 = vector.broadcast %parallel_loop3A_818 : f32 to vector<16xf32>
        %parallel_loop3A_820 = arith.mulf %parallel_loop3A_817, %parallel_loop3A_819 : vector<16xf32>
        %parallel_loop3A_821 = arith.index_cast %parallel_loop3A_762 : i32 to index
        %parallel_loop3A_822 = arith.constant 112 : index
        %parallel_loop3A_823 = tpu.vector_load %arg11[%parallel_loop3A_821, %parallel_loop3A_822] {strides = array<i32>} : memref<64x128xf32, #tpu.memory_space<vmem>>, vector<16xf32>,
        tpu.vector_store %arg11[%parallel_loop3A_821, %parallel_loop3A_822], %parallel_loop3A_820 {strides = array<i32>} : memref<64x128xf32, #tpu.memory_space<vmem>>, vector<16xf32>,
      } {sc.loop_unroll_factor = 4 : i64, sc.parallel_access}
      %add3A_635 = arith.constant 2 : i32
      %add3A_636 = arith.addi %add3A_623, %add3A_635 : i32
      %lt3A_637 = arith.constant 200 : i32
      %lt3A_638 = arith.cmpi slt, %add3A_636, %lt3A_637 : i32
      %convert_element_type3A_639 = arith.extui %lt3A_638 : i1 to i32
      %cond3A_640 = arith.constant 0 : i32
      %cond3A_641 = arith.cmpi ne, %convert_element_type3A_639, %cond3A_640 : i32
      scf.if %cond3A_641 {
        %add3A_762 = arith.constant 2 : i32
        %add3A_763 = arith.addi %add3A_623, %add3A_762 : i32
        %add3A_764 = arith.constant 0 : i32
        %add3A_765 = vector.broadcast %add3A_764 : i32 to vector<16xi32>
        %add3A_766 = arith.addi %iota3A, %add3A_765 : vector<16xi32>
        %mul3A_767 = arith.constant 0 : i32
        %mul3A_768 = vector.broadcast %mul3A_767 : i32 to vector<16xi32>
        %mul3A_769 = arith.muli %iota3A, %mul3A_768 : vector<16xi32>
        %add3A_770 = vector.broadcast %add3A_763 : i32 to vector<16xi32>
        %add3A_771 = arith.addi %mul3A_769, %add3A_770 : vector<16xi32>
        %gather3A_772 = tpu.vector_load_idx %arg5[%add3A_766, %add3A_771] : memref<128x200xi32, #tpu.memory_space<vmem>>[vector<16xi32>, vector<16xi32>], vector<16xi32>,
        %swap3A_773 = arith.constant 0 : index
        %swap3A_774 = tpu.vector_load %arg7[%swap3A_773] {strides = array<i32>} : memref<128xi32, #tpu.memory_space<vmem>>, vector<16xi32>,
        tpu.vector_store %arg7[%swap3A_773], %gather3A_772 {strides = array<i32>} : memref<128xi32, #tpu.memory_space<vmem>>, vector<16xi32>,
        %add3A_775 = arith.constant 16 : i32
        %add3A_776 = vector.broadcast %add3A_775 : i32 to vector<16xi32>
        %add3A_777 = arith.addi %iota3A, %add3A_776 : vector<16xi32>
        %mul3A_778 = arith.constant 0 : i32
        %mul3A_779 = vector.broadcast %mul3A_778 : i32 to vector<16xi32>
        %mul3A_780 = arith.muli %iota3A, %mul3A_779 : vector<16xi32>
        %add3A_781 = vector.broadcast %add3A_763 : i32 to vector<16xi32>
        %add3A_782 = arith.addi %mul3A_780, %add3A_781 : vector<16xi32>
        %gather3A_783 = tpu.vector_load_idx %arg5[%add3A_777, %add3A_782] : memref<128x200xi32, #tpu.memory_space<vmem>>[vector<16xi32>, vector<16xi32>], vector<16xi32>,
        %swap3A_784 = arith.constant 16 : index
        %swap3A_785 = tpu.vector_load %arg7[%swap3A_784] {strides = array<i32>} : memref<128xi32, #tpu.memory_space<vmem>>, vector<16xi32>,
        tpu.vector_store %arg7[%swap3A_784], %gather3A_783 {strides = array<i32>} : memref<128xi32, #tpu.memory_space<vmem>>, vector<16xi32>,
        %add3A_786 = arith.constant 32 : i32
        %add3A_787 = vector.broadcast %add3A_786 : i32 to vector<16xi32>
        %add3A_788 = arith.addi %iota3A, %add3A_787 : vector<16xi32>
        %mul3A_789 = arith.constant 0 : i32
        %mul3A_790 = vector.broadcast %mul3A_789 : i32 to vector<16xi32>
        %mul3A_791 = arith.muli %iota3A, %mul3A_790 : vector<16xi32>
        %add3A_792 = vector.broadcast %add3A_763 : i32 to vector<16xi32>
        %add3A_793 = arith.addi %mul3A_791, %add3A_792 : vector<16xi32>
        %gather3A_794 = tpu.vector_load_idx %arg5[%add3A_788, %add3A_793] : memref<128x200xi32, #tpu.memory_space<vmem>>[vector<16xi32>, vector<16xi32>], vector<16xi32>,
        %swap3A_795 = arith.constant 32 : index
        %swap3A_796 = tpu.vector_load %arg7[%swap3A_795] {strides = array<i32>} : memref<128xi32, #tpu.memory_space<vmem>>, vector<16xi32>,
        tpu.vector_store %arg7[%swap3A_795], %gather3A_794 {strides = array<i32>} : memref<128xi32, #tpu.memory_space<vmem>>, vector<16xi32>,
        %add3A_797 = arith.constant 48 : i32
        %add3A_798 = vector.broadcast %add3A_797 : i32 to vector<16xi32>
        %add3A_799 = arith.addi %iota3A, %add3A_798 : vector<16xi32>
        %mul3A_800 = arith.constant 0 : i32
        %mul3A_801 = vector.broadcast %mul3A_800 : i32 to vector<16xi32>
        %mul3A_802 = arith.muli %iota3A, %mul3A_801 : vector<16xi32>
        %add3A_803 = vector.broadcast %add3A_763 : i32 to vector<16xi32>
        %add3A_804 = arith.addi %mul3A_802, %add3A_803 : vector<16xi32>
        %gather3A_805 = tpu.vector_load_idx %arg5[%add3A_799, %add3A_804] : memref<128x200xi32, #tpu.memory_space<vmem>>[vector<16xi32>, vector<16xi32>], vector<16xi32>,
        %swap3A_806 = arith.constant 48 : index
        %swap3A_807 = tpu.vector_load %arg7[%swap3A_806] {strides = array<i32>} : memref<128xi32, #tpu.memory_space<vmem>>, vector<16xi32>,
        tpu.vector_store %arg7[%swap3A_806], %gather3A_805 {strides = array<i32>} : memref<128xi32, #tpu.memory_space<vmem>>, vector<16xi32>,
        %add3A_808 = arith.constant 64 : i32
        %add3A_809 = vector.broadcast %add3A_808 : i32 to vector<16xi32>
        %add3A_810 = arith.addi %iota3A, %add3A_809 : vector<16xi32>
        %mul3A_811 = arith.constant 0 : i32
        %mul3A_812 = vector.broadcast %mul3A_811 : i32 to vector<16xi32>
        %mul3A_813 = arith.muli %iota3A, %mul3A_812 : vector<16xi32>
        %add3A_814 = vector.broadcast %add3A_763 : i32 to vector<16xi32>
        %add3A_815 = arith.addi %mul3A_813, %add3A_814 : vector<16xi32>
        %gather3A_816 = tpu.vector_load_idx %arg5[%add3A_810, %add3A_815] : memref<128x200xi32, #tpu.memory_space<vmem>>[vector<16xi32>, vector<16xi32>], vector<16xi32>,
        %swap3A_817 = arith.constant 64 : index
        %swap3A_818 = tpu.vector_load %arg7[%swap3A_817] {strides = array<i32>} : memref<128xi32, #tpu.memory_space<vmem>>, vector<16xi32>,
        tpu.vector_store %arg7[%swap3A_817], %gather3A_816 {strides = array<i32>} : memref<128xi32, #tpu.memory_space<vmem>>, vector<16xi32>,
        %add3A_819 = arith.constant 80 : i32
        %add3A_820 = vector.broadcast %add3A_819 : i32 to vector<16xi32>
        %add3A_821 = arith.addi %iota3A, %add3A_820 : vector<16xi32>
        %mul3A_822 = arith.constant 0 : i32
        %mul3A_823 = vector.broadcast %mul3A_822 : i32 to vector<16xi32>
        %mul3A_824 = arith.muli %iota3A, %mul3A_823 : vector<16xi32>
        %add3A_825 = vector.broadcast %add3A_763 : i32 to vector<16xi32>
        %add3A_826 = arith.addi %mul3A_824, %add3A_825 : vector<16xi32>
        %gather3A_827 = tpu.vector_load_idx %arg5[%add3A_821, %add3A_826] : memref<128x200xi32, #tpu.memory_space<vmem>>[vector<16xi32>, vector<16xi32>], vector<16xi32>,
        %swap3A_828 = arith.constant 80 : index
        %swap3A_829 = tpu.vector_load %arg7[%swap3A_828] {strides = array<i32>} : memref<128xi32, #tpu.memory_space<vmem>>, vector<16xi32>,
        tpu.vector_store %arg7[%swap3A_828], %gather3A_827 {strides = array<i32>} : memref<128xi32, #tpu.memory_space<vmem>>, vector<16xi32>,
        %add3A_830 = arith.constant 96 : i32
        %add3A_831 = vector.broadcast %add3A_830 : i32 to vector<16xi32>
        %add3A_832 = arith.addi %iota3A, %add3A_831 : vector<16xi32>
        %mul3A_833 = arith.constant 0 : i32
        %mul3A_834 = vector.broadcast %mul3A_833 : i32 to vector<16xi32>
        %mul3A_835 = arith.muli %iota3A, %mul3A_834 : vector<16xi32>
        %add3A_836 = vector.broadcast %add3A_763 : i32 to vector<16xi32>
        %add3A_837 = arith.addi %mul3A_835, %add3A_836 : vector<16xi32>
        %gather3A_838 = tpu.vector_load_idx %arg5[%add3A_832, %add3A_837] : memref<128x200xi32, #tpu.memory_space<vmem>>[vector<16xi32>, vector<16xi32>], vector<16xi32>,
        %swap3A_839 = arith.constant 96 : index
        %swap3A_840 = tpu.vector_load %arg7[%swap3A_839] {strides = array<i32>} : memref<128xi32, #tpu.memory_space<vmem>>, vector<16xi32>,
        tpu.vector_store %arg7[%swap3A_839], %gather3A_838 {strides = array<i32>} : memref<128xi32, #tpu.memory_space<vmem>>, vector<16xi32>,
        %add3A_841 = arith.constant 112 : i32
        %add3A_842 = vector.broadcast %add3A_841 : i32 to vector<16xi32>
        %add3A_843 = arith.addi %iota3A, %add3A_842 : vector<16xi32>
        %mul3A_844 = arith.constant 0 : i32
        %mul3A_845 = vector.broadcast %mul3A_844 : i32 to vector<16xi32>
        %mul3A_846 = arith.muli %iota3A, %mul3A_845 : vector<16xi32>
        %add3A_847 = vector.broadcast %add3A_763 : i32 to vector<16xi32>
        %add3A_848 = arith.addi %mul3A_846, %add3A_847 : vector<16xi32>
        %gather3A_849 = tpu.vector_load_idx %arg5[%add3A_843, %add3A_848] : memref<128x200xi32, #tpu.memory_space<vmem>>[vector<16xi32>, vector<16xi32>], vector<16xi32>,
        %swap3A_850 = arith.constant 112 : index
        %swap3A_851 = tpu.vector_load %arg7[%swap3A_850] {strides = array<i32>} : memref<128xi32, #tpu.memory_space<vmem>>, vector<16xi32>,
        tpu.vector_store %arg7[%swap3A_850], %gather3A_849 {strides = array<i32>} : memref<128xi32, #tpu.memory_space<vmem>>, vector<16xi32>,
        %dma_start3A_852 = arith.constant 0 : i32
        %dma_start3A_853 = arith.constant 0 : i32
        %dma_start3A_854 = tpu.memref_slice %arg2[%dma_start3A_852, %dma_start3A_853] : memref<1000000x64xf32, #tpu.memory_space<hbm>> -> memref<1000000x64xf32, #tpu.memory_space<hbm>>
        tpu.enqueue_indirect_dma source(%dma_start3A_854 : memref<1000000x64xf32, #tpu.memory_space<hbm>>) target(%arg9 : memref<128x64xf32, #tpu.memory_space<vmem>>) offsets(%arg7 : memref<128xi32, #tpu.memory_space<vmem>>) semaphore(%arg13 : memref<!tpu.dma_semaphore, #tpu.memory_space<semaphore_mem>>)
      } else {
      }
      %dma_start3A_642 = arith.constant 0 : i32
      %dma_start3A_643 = arith.constant 0 : i32
      %dma_start3A_644 = arith.constant 0 : i32
      %dma_start3A_645 = tpu.memref_slice %arg11[%dma_start3A_643, %dma_start3A_644] : memref<64x128xf32, #tpu.memory_space<vmem>> -> memref<8x128xf32, #tpu.memory_space<vmem>>
      %dma_start3A_646 = arith.constant 0 : i32
      %dma_start3A_647 = arith.constant 0 : i32
      %dma_start3A_648 = tpu.memref_slice %arg4[%add3A_623, %dma_start3A_642, %add3A, %dma_start3A_646, %dma_start3A_647] : memref<200x8x32x8x128xf32, #tpu.memory_space<hbm>> -> memref<1x1x1x8x128xf32, #tpu.memory_space<hbm>>
      %dma_start3A_649 = tpu.memref_squeeze %dma_start3A_648 : memref<1x1x1x8x128xf32, #tpu.memory_space<hbm>> -> memref<8x128xf32, #tpu.memory_space<hbm>>
      %dma_start3A_650 = arith.constant 0 : i32
      %dma_start3A_651 = arith.constant 0 : i32
      %dma_start3A_652 = tpu.memref_slice %arg4[%add3A_623, %dma_start3A_642, %add3A, %dma_start3A_650, %dma_start3A_651] : memref<200x8x32x8x128xf32, #tpu.memory_space<hbm>> -> memref<1x1x1x8x128xf32, #tpu.memory_space<hbm>>
      %dma_start3A_653 = tpu.memref_squeeze %dma_start3A_652 : memref<1x1x1x8x128xf32, #tpu.memory_space<hbm>> -> memref<8x128xf32, #tpu.memory_space<hbm>>
      %dma_start3A_654 = arith.constant 0 : i32
      %dma_start3A_655 = arith.constant 0 : i32
      %dma_start3A_656 = tpu.memref_slice %arg11[%dma_start3A_654, %dma_start3A_655] : memref<64x128xf32, #tpu.memory_space<vmem>> -> memref<8x128xf32, #tpu.memory_space<vmem>>
      tpu.enqueue_dma source(%dma_start3A_656 : memref<8x128xf32, #tpu.memory_space<vmem>>) target(%dma_start3A_653 : memref<8x128xf32, #tpu.memory_space<hbm>>) target_semaphore(%arg15 : memref<!tpu.dma_semaphore, #tpu.memory_space<semaphore_mem>>)
      %dma_start3A_657 = arith.constant 1 : i32
      %dma_start3A_658 = arith.constant 8 : i32
      %dma_start3A_659 = arith.constant 0 : i32
      %dma_start3A_660 = tpu.memref_slice %arg11[%dma_start3A_658, %dma_start3A_659] : memref<64x128xf32, #tpu.memory_space<vmem>> -> memref<8x128xf32, #tpu.memory_space<vmem>>
      %dma_start3A_661 = arith.constant 0 : i32
      %dma_start3A_662 = arith.constant 0 : i32
      %dma_start3A_663 = tpu.memref_slice %arg4[%add3A_623, %dma_start3A_657, %add3A, %dma_start3A_661, %dma_start3A_662] : memref<200x8x32x8x128xf32, #tpu.memory_space<hbm>> -> memref<1x1x1x8x128xf32, #tpu.memory_space<hbm>>
      %dma_start3A_664 = tpu.memref_squeeze %dma_start3A_663 : memref<1x1x1x8x128xf32, #tpu.memory_space<hbm>> -> memref<8x128xf32, #tpu.memory_space<hbm>>
      %dma_start3A_665 = arith.constant 0 : i32
      %dma_start3A_666 = arith.constant 0 : i32
      %dma_start3A_667 = tpu.memref_slice %arg4[%add3A_623, %dma_start3A_657, %add3A, %dma_start3A_665, %dma_start3A_666] : memref<200x8x32x8x128xf32, #tpu.memory_space<hbm>> -> memref<1x1x1x8x128xf32, #tpu.memory_space<hbm>>
      %dma_start3A_668 = tpu.memref_squeeze %dma_start3A_667 : memref<1x1x1x8x128xf32, #tpu.memory_space<hbm>> -> memref<8x128xf32, #tpu.memory_space<hbm>>
      %dma_start3A_669 = arith.constant 8 : i32
      %dma_start3A_670 = arith.constant 0 : i32
      %dma_start3A_671 = tpu.memref_slice %arg11[%dma_start3A_669, %dma_start3A_670] : memref<64x128xf32, #tpu.memory_space<vmem>> -> memref<8x128xf32, #tpu.memory_space<vmem>>
      tpu.enqueue_dma source(%dma_start3A_671 : memref<8x128xf32, #tpu.memory_space<vmem>>) target(%dma_start3A_668 : memref<8x128xf32, #tpu.memory_space<hbm>>) target_semaphore(%arg15 : memref<!tpu.dma_semaphore, #tpu.memory_space<semaphore_mem>>)
      %dma_start3A_672 = arith.constant 2 : i32
      %dma_start3A_673 = arith.constant 16 : i32
      %dma_start3A_674 = arith.constant 0 : i32
      %dma_start3A_675 = tpu.memref_slice %arg11[%dma_start3A_673, %dma_start3A_674] : memref<64x128xf32, #tpu.memory_space<vmem>> -> memref<8x128xf32, #tpu.memory_space<vmem>>
      %dma_start3A_676 = arith.constant 0 : i32
      %dma_start3A_677 = arith.constant 0 : i32
      %dma_start3A_678 = tpu.memref_slice %arg4[%add3A_623, %dma_start3A_672, %add3A, %dma_start3A_676, %dma_start3A_677] : memref<200x8x32x8x128xf32, #tpu.memory_space<hbm>> -> memref<1x1x1x8x128xf32, #tpu.memory_space<hbm>>
      %dma_start3A_679 = tpu.memref_squeeze %dma_start3A_678 : memref<1x1x1x8x128xf32, #tpu.memory_space<hbm>> -> memref<8x128xf32, #tpu.memory_space<hbm>>
      %dma_start3A_680 = arith.constant 0 : i32
      %dma_start3A_681 = arith.constant 0 : i32
      %dma_start3A_682 = tpu.memref_slice %arg4[%add3A_623, %dma_start3A_672, %add3A, %dma_start3A_680, %dma_start3A_681] : memref<200x8x32x8x128xf32, #tpu.memory_space<hbm>> -> memref<1x1x1x8x128xf32, #tpu.memory_space<hbm>>
      %dma_start3A_683 = tpu.memref_squeeze %dma_start3A_682 : memref<1x1x1x8x128xf32, #tpu.memory_space<hbm>> -> memref<8x128xf32, #tpu.memory_space<hbm>>
      %dma_start3A_684 = arith.constant 16 : i32
      %dma_start3A_685 = arith.constant 0 : i32
      %dma_start3A_686 = tpu.memref_slice %arg11[%dma_start3A_684, %dma_start3A_685] : memref<64x128xf32, #tpu.memory_space<vmem>> -> memref<8x128xf32, #tpu.memory_space<vmem>>
      tpu.enqueue_dma source(%dma_start3A_686 : memref<8x128xf32, #tpu.memory_space<vmem>>) target(%dma_start3A_683 : memref<8x128xf32, #tpu.memory_space<hbm>>) target_semaphore(%arg15 : memref<!tpu.dma_semaphore, #tpu.memory_space<semaphore_mem>>)
      %dma_start3A_687 = arith.constant 3 : i32
      %dma_start3A_688 = arith.constant 24 : i32
      %dma_start3A_689 = arith.constant 0 : i32
      %dma_start3A_690 = tpu.memref_slice %arg11[%dma_start3A_688, %dma_start3A_689] : memref<64x128xf32, #tpu.memory_space<vmem>> -> memref<8x128xf32, #tpu.memory_space<vmem>>
      %dma_start3A_691 = arith.constant 0 : i32
      %dma_start3A_692 = arith.constant 0 : i32
      %dma_start3A_693 = tpu.memref_slice %arg4[%add3A_623, %dma_start3A_687, %add3A, %dma_start3A_691, %dma_start3A_692] : memref<200x8x32x8x128xf32, #tpu.memory_space<hbm>> -> memref<1x1x1x8x128xf32, #tpu.memory_space<hbm>>
      %dma_start3A_694 = tpu.memref_squeeze %dma_start3A_693 : memref<1x1x1x8x128xf32, #tpu.memory_space<hbm>> -> memref<8x128xf32, #tpu.memory_space<hbm>>
      %dma_start3A_695 = arith.constant 0 : i32
      %dma_start3A_696 = arith.constant 0 : i32
      %dma_start3A_697 = tpu.memref_slice %arg4[%add3A_623, %dma_start3A_687, %add3A, %dma_start3A_695, %dma_start3A_696] : memref<200x8x32x8x128xf32, #tpu.memory_space<hbm>> -> memref<1x1x1x8x128xf32, #tpu.memory_space<hbm>>
      %dma_start3A_698 = tpu.memref_squeeze %dma_start3A_697 : memref<1x1x1x8x128xf32, #tpu.memory_space<hbm>> -> memref<8x128xf32, #tpu.memory_space<hbm>>
      %dma_start3A_699 = arith.constant 24 : i32
      %dma_start3A_700 = arith.constant 0 : i32
      %dma_start3A_701 = tpu.memref_slice %arg11[%dma_start3A_699, %dma_start3A_700] : memref<64x128xf32, #tpu.memory_space<vmem>> -> memref<8x128xf32, #tpu.memory_space<vmem>>
      tpu.enqueue_dma source(%dma_start3A_701 : memref<8x128xf32, #tpu.memory_space<vmem>>) target(%dma_start3A_698 : memref<8x128xf32, #tpu.memory_space<hbm>>) target_semaphore(%arg15 : memref<!tpu.dma_semaphore, #tpu.memory_space<semaphore_mem>>)
      %dma_start3A_702 = arith.constant 4 : i32
      %dma_start3A_703 = arith.constant 32 : i32
      %dma_start3A_704 = arith.constant 0 : i32
      %dma_start3A_705 = tpu.memref_slice %arg11[%dma_start3A_703, %dma_start3A_704] : memref<64x128xf32, #tpu.memory_space<vmem>> -> memref<8x128xf32, #tpu.memory_space<vmem>>
      %dma_start3A_706 = arith.constant 0 : i32
      %dma_start3A_707 = arith.constant 0 : i32
      %dma_start3A_708 = tpu.memref_slice %arg4[%add3A_623, %dma_start3A_702, %add3A, %dma_start3A_706, %dma_start3A_707] : memref<200x8x32x8x128xf32, #tpu.memory_space<hbm>> -> memref<1x1x1x8x128xf32, #tpu.memory_space<hbm>>
      %dma_start3A_709 = tpu.memref_squeeze %dma_start3A_708 : memref<1x1x1x8x128xf32, #tpu.memory_space<hbm>> -> memref<8x128xf32, #tpu.memory_space<hbm>>
      %dma_start3A_710 = arith.constant 0 : i32
      %dma_start3A_711 = arith.constant 0 : i32
      %dma_start3A_712 = tpu.memref_slice %arg4[%add3A_623, %dma_start3A_702, %add3A, %dma_start3A_710, %dma_start3A_711] : memref<200x8x32x8x128xf32, #tpu.memory_space<hbm>> -> memref<1x1x1x8x128xf32, #tpu.memory_space<hbm>>
      %dma_start3A_713 = tpu.memref_squeeze %dma_start3A_712 : memref<1x1x1x8x128xf32, #tpu.memory_space<hbm>> -> memref<8x128xf32, #tpu.memory_space<hbm>>
      %dma_start3A_714 = arith.constant 32 : i32
      %dma_start3A_715 = arith.constant 0 : i32
      %dma_start3A_716 = tpu.memref_slice %arg11[%dma_start3A_714, %dma_start3A_715] : memref<64x128xf32, #tpu.memory_space<vmem>> -> memref<8x128xf32, #tpu.memory_space<vmem>>
      tpu.enqueue_dma source(%dma_start3A_716 : memref<8x128xf32, #tpu.memory_space<vmem>>) target(%dma_start3A_713 : memref<8x128xf32, #tpu.memory_space<hbm>>) target_semaphore(%arg15 : memref<!tpu.dma_semaphore, #tpu.memory_space<semaphore_mem>>)
      %dma_start3A_717 = arith.constant 5 : i32
      %dma_start3A_718 = arith.constant 40 : i32
      %dma_start3A_719 = arith.constant 0 : i32
      %dma_start3A_720 = tpu.memref_slice %arg11[%dma_start3A_718, %dma_start3A_719] : memref<64x128xf32, #tpu.memory_space<vmem>> -> memref<8x128xf32, #tpu.memory_space<vmem>>
      %dma_start3A_721 = arith.constant 0 : i32
      %dma_start3A_722 = arith.constant 0 : i32
      %dma_start3A_723 = tpu.memref_slice %arg4[%add3A_623, %dma_start3A_717, %add3A, %dma_start3A_721, %dma_start3A_722] : memref<200x8x32x8x128xf32, #tpu.memory_space<hbm>> -> memref<1x1x1x8x128xf32, #tpu.memory_space<hbm>>
      %dma_start3A_724 = tpu.memref_squeeze %dma_start3A_723 : memref<1x1x1x8x128xf32, #tpu.memory_space<hbm>> -> memref<8x128xf32, #tpu.memory_space<hbm>>
      %dma_start3A_725 = arith.constant 0 : i32
      %dma_start3A_726 = arith.constant 0 : i32
      %dma_start3A_727 = tpu.memref_slice %arg4[%add3A_623, %dma_start3A_717, %add3A, %dma_start3A_725, %dma_start3A_726] : memref<200x8x32x8x128xf32, #tpu.memory_space<hbm>> -> memref<1x1x1x8x128xf32, #tpu.memory_space<hbm>>
      %dma_start3A_728 = tpu.memref_squeeze %dma_start3A_727 : memref<1x1x1x8x128xf32, #tpu.memory_space<hbm>> -> memref<8x128xf32, #tpu.memory_space<hbm>>
      %dma_start3A_729 = arith.constant 40 : i32
      %dma_start3A_730 = arith.constant 0 : i32
      %dma_start3A_731 = tpu.memref_slice %arg11[%dma_start3A_729, %dma_start3A_730] : memref<64x128xf32, #tpu.memory_space<vmem>> -> memref<8x128xf32, #tpu.memory_space<vmem>>
      tpu.enqueue_dma source(%dma_start3A_731 : memref<8x128xf32, #tpu.memory_space<vmem>>) target(%dma_start3A_728 : memref<8x128xf32, #tpu.memory_space<hbm>>) target_semaphore(%arg15 : memref<!tpu.dma_semaphore, #tpu.memory_space<semaphore_mem>>)
      %dma_start3A_732 = arith.constant 6 : i32
      %dma_start3A_733 = arith.constant 48 : i32
      %dma_start3A_734 = arith.constant 0 : i32
      %dma_start3A_735 = tpu.memref_slice %arg11[%dma_start3A_733, %dma_start3A_734] : memref<64x128xf32, #tpu.memory_space<vmem>> -> memref<8x128xf32, #tpu.memory_space<vmem>>
      %dma_start3A_736 = arith.constant 0 : i32
      %dma_start3A_737 = arith.constant 0 : i32
      %dma_start3A_738 = tpu.memref_slice %arg4[%add3A_623, %dma_start3A_732, %add3A, %dma_start3A_736, %dma_start3A_737] : memref<200x8x32x8x128xf32, #tpu.memory_space<hbm>> -> memref<1x1x1x8x128xf32, #tpu.memory_space<hbm>>
      %dma_start3A_739 = tpu.memref_squeeze %dma_start3A_738 : memref<1x1x1x8x128xf32, #tpu.memory_space<hbm>> -> memref<8x128xf32, #tpu.memory_space<hbm>>
      %dma_start3A_740 = arith.constant 0 : i32
      %dma_start3A_741 = arith.constant 0 : i32
      %dma_start3A_742 = tpu.memref_slice %arg4[%add3A_623, %dma_start3A_732, %add3A, %dma_start3A_740, %dma_start3A_741] : memref<200x8x32x8x128xf32, #tpu.memory_space<hbm>> -> memref<1x1x1x8x128xf32, #tpu.memory_space<hbm>>
      %dma_start3A_743 = tpu.memref_squeeze %dma_start3A_742 : memref<1x1x1x8x128xf32, #tpu.memory_space<hbm>> -> memref<8x128xf32, #tpu.memory_space<hbm>>
      %dma_start3A_744 = arith.constant 48 : i32
      %dma_start3A_745 = arith.constant 0 : i32
      %dma_start3A_746 = tpu.memref_slice %arg11[%dma_start3A_744, %dma_start3A_745] : memref<64x128xf32, #tpu.memory_space<vmem>> -> memref<8x128xf32, #tpu.memory_space<vmem>>
      tpu.enqueue_dma source(%dma_start3A_746 : memref<8x128xf32, #tpu.memory_space<vmem>>) target(%dma_start3A_743 : memref<8x128xf32, #tpu.memory_space<hbm>>) target_semaphore(%arg15 : memref<!tpu.dma_semaphore, #tpu.memory_space<semaphore_mem>>)
      %dma_start3A_747 = arith.constant 7 : i32
      %dma_start3A_748 = arith.constant 56 : i32
      %dma_start3A_749 = arith.constant 0 : i32
      %dma_start3A_750 = tpu.memref_slice %arg11[%dma_start3A_748, %dma_start3A_749] : memref<64x128xf32, #tpu.memory_space<vmem>> -> memref<8x128xf32, #tpu.memory_space<vmem>>
      %dma_start3A_751 = arith.constant 0 : i32
      %dma_start3A_752 = arith.constant 0 : i32
      %dma_start3A_753 = tpu.memref_slice %arg4[%add3A_623, %dma_start3A_747, %add3A, %dma_start3A_751, %dma_start3A_752] : memref<200x8x32x8x128xf32, #tpu.memory_space<hbm>> -> memref<1x1x1x8x128xf32, #tpu.memory_space<hbm>>
      %dma_start3A_754 = tpu.memref_squeeze %dma_start3A_753 : memref<1x1x1x8x128xf32, #tpu.memory_space<hbm>> -> memref<8x128xf32, #tpu.memory_space<hbm>>
      %dma_start3A_755 = arith.constant 0 : i32
      %dma_start3A_756 = arith.constant 0 : i32
      %dma_start3A_757 = tpu.memref_slice %arg4[%add3A_623, %dma_start3A_747, %add3A, %dma_start3A_755, %dma_start3A_756] : memref<200x8x32x8x128xf32, #tpu.memory_space<hbm>> -> memref<1x1x1x8x128xf32, #tpu.memory_space<hbm>>
      %dma_start3A_758 = tpu.memref_squeeze %dma_start3A_757 : memref<1x1x1x8x128xf32, #tpu.memory_space<hbm>> -> memref<8x128xf32, #tpu.memory_space<hbm>>
      %dma_start3A_759 = arith.constant 56 : i32
      %dma_start3A_760 = arith.constant 0 : i32
      %dma_start3A_761 = tpu.memref_slice %arg11[%dma_start3A_759, %dma_start3A_760] : memref<64x128xf32, #tpu.memory_space<vmem>> -> memref<8x128xf32, #tpu.memory_space<vmem>>
      tpu.enqueue_dma source(%dma_start3A_761 : memref<8x128xf32, #tpu.memory_space<vmem>>) target(%dma_start3A_758 : memref<8x128xf32, #tpu.memory_space<hbm>>) target_semaphore(%arg15 : memref<!tpu.dma_semaphore, #tpu.memory_space<semaphore_mem>>)
    }
    %scan3A_226 = arith.constant 100 : i32
    %dma_wait3A = arith.constant 0 : i32
    %dma_wait3A_227 = arith.constant 0 : i32
    %dma_wait3A_228 = arith.constant 0 : i32
    %dma_wait3A_229 = arith.constant 0 : i32
    %dma_wait3A_230 = tpu.memref_slice %arg10[%dma_wait3A_228, %dma_wait3A_229] : memref<64x128xf32, #tpu.memory_space<vmem>> -> memref<8x128xf32, #tpu.memory_space<vmem>>
    %dma_wait3A_231 = arith.constant 0 : i32
    %dma_wait3A_232 = arith.constant 0 : i32
    %dma_wait3A_233 = tpu.memref_slice %arg4[%dma_wait3A, %dma_wait3A_227, %add3A, %dma_wait3A_231, %dma_wait3A_232] : memref<200x8x32x8x128xf32, #tpu.memory_space<hbm>> -> memref<1x1x1x8x128xf32, #tpu.memory_space<hbm>>
    %dma_wait3A_234 = tpu.memref_squeeze %dma_wait3A_233 : memref<1x1x1x8x128xf32, #tpu.memory_space<hbm>> -> memref<8x128xf32, #tpu.memory_space<hbm>>
    %dma_wait3A_235 = arith.constant 0 : i32
    %dma_wait3A_236 = arith.constant 0 : i32
    %dma_wait3A_237 = tpu.memref_slice %arg4[%dma_wait3A, %dma_wait3A_227, %add3A, %dma_wait3A_235, %dma_wait3A_236] : memref<200x8x32x8x128xf32, #tpu.memory_space<hbm>> -> memref<1x1x1x8x128xf32, #tpu.memory_space<hbm>>
    %dma_wait3A_238 = tpu.memref_squeeze %dma_wait3A_237 : memref<1x1x1x8x128xf32, #tpu.memory_space<hbm>> -> memref<8x128xf32, #tpu.memory_space<hbm>>
    %dma_wait3A_239 = arith.constant 0 : i32
    %dma_wait3A_240 = arith.constant 0 : i32
    %dma_wait3A_241 = tpu.memref_slice %arg10[%dma_wait3A_239, %dma_wait3A_240] : memref<64x128xf32, #tpu.memory_space<vmem>> -> memref<8x128xf32, #tpu.memory_space<vmem>>
    tpu.wait_dma2 semaphore(%arg14 : memref<!tpu.dma_semaphore, #tpu.memory_space<semaphore_mem>>) src(%dma_wait3A_241 : memref<8x128xf32, #tpu.memory_space<vmem>>) dst(%dma_wait3A_238 : memref<8x128xf32, #tpu.memory_space<hbm>>)
    %dma_wait3A_242 = arith.constant 0 : i32
    %dma_wait3A_243 = arith.constant 1 : i32
    %dma_wait3A_244 = arith.constant 8 : i32
    %dma_wait3A_245 = arith.constant 0 : i32
    %dma_wait3A_246 = tpu.memref_slice %arg10[%dma_wait3A_244, %dma_wait3A_245] : memref<64x128xf32, #tpu.memory_space<vmem>> -> memref<8x128xf32, #tpu.memory_space<vmem>>
    %dma_wait3A_247 = arith.constant 0 : i32
    %dma_wait3A_248 = arith.constant 0 : i32
    %dma_wait3A_249 = tpu.memref_slice %arg4[%dma_wait3A_242, %dma_wait3A_243, %add3A, %dma_wait3A_247, %dma_wait3A_248] : memref<200x8x32x8x128xf32, #tpu.memory_space<hbm>> -> memref<1x1x1x8x128xf32, #tpu.memory_space<hbm>>
    %dma_wait3A_250 = tpu.memref_squeeze %dma_wait3A_249 : memref<1x1x1x8x128xf32, #tpu.memory_space<hbm>> -> memref<8x128xf32, #tpu.memory_space<hbm>>
    %dma_wait3A_251 = arith.constant 0 : i32
    %dma_wait3A_252 = arith.constant 0 : i32
    %dma_wait3A_253 = tpu.memref_slice %arg4[%dma_wait3A_242, %dma_wait3A_243, %add3A, %dma_wait3A_251, %dma_wait3A_252] : memref<200x8x32x8x128xf32, #tpu.memory_space<hbm>> -> memref<1x1x1x8x128xf32, #tpu.memory_space<hbm>>
    %dma_wait3A_254 = tpu.memref_squeeze %dma_wait3A_253 : memref<1x1x1x8x128xf32, #tpu.memory_space<hbm>> -> memref<8x128xf32, #tpu.memory_space<hbm>>
    %dma_wait3A_255 = arith.constant 8 : i32
    %dma_wait3A_256 = arith.constant 0 : i32
    %dma_wait3A_257 = tpu.memref_slice %arg10[%dma_wait3A_255, %dma_wait3A_256] : memref<64x128xf32, #tpu.memory_space<vmem>> -> memref<8x128xf32, #tpu.memory_space<vmem>>
    tpu.wait_dma2 semaphore(%arg14 : memref<!tpu.dma_semaphore, #tpu.memory_space<semaphore_mem>>) src(%dma_wait3A_257 : memref<8x128xf32, #tpu.memory_space<vmem>>) dst(%dma_wait3A_254 : memref<8x128xf32, #tpu.memory_space<hbm>>)
    %dma_wait3A_258 = arith.constant 0 : i32
    %dma_wait3A_259 = arith.constant 2 : i32
    %dma_wait3A_260 = arith.constant 16 : i32
    %dma_wait3A_261 = arith.constant 0 : i32
    %dma_wait3A_262 = tpu.memref_slice %arg10[%dma_wait3A_260, %dma_wait3A_261] : memref<64x128xf32, #tpu.memory_space<vmem>> -> memref<8x128xf32, #tpu.memory_space<vmem>>
    %dma_wait3A_263 = arith.constant 0 : i32
    %dma_wait3A_264 = arith.constant 0 : i32
    %dma_wait3A_265 = tpu.memref_slice %arg4[%dma_wait3A_258, %dma_wait3A_259, %add3A, %dma_wait3A_263, %dma_wait3A_264] : memref<200x8x32x8x128xf32, #tpu.memory_space<hbm>> -> memref<1x1x1x8x128xf32, #tpu.memory_space<hbm>>
    %dma_wait3A_266 = tpu.memref_squeeze %dma_wait3A_265 : memref<1x1x1x8x128xf32, #tpu.memory_space<hbm>> -> memref<8x128xf32, #tpu.memory_space<hbm>>
    %dma_wait3A_267 = arith.constant 0 : i32
    %dma_wait3A_268 = arith.constant 0 : i32
    %dma_wait3A_269 = tpu.memref_slice %arg4[%dma_wait3A_258, %dma_wait3A_259, %add3A, %dma_wait3A_267, %dma_wait3A_268] : memref<200x8x32x8x128xf32, #tpu.memory_space<hbm>> -> memref<1x1x1x8x128xf32, #tpu.memory_space<hbm>>
    %dma_wait3A_270 = tpu.memref_squeeze %dma_wait3A_269 : memref<1x1x1x8x128xf32, #tpu.memory_space<hbm>> -> memref<8x128xf32, #tpu.memory_space<hbm>>
    %dma_wait3A_271 = arith.constant 16 : i32
    %dma_wait3A_272 = arith.constant 0 : i32
    %dma_wait3A_273 = tpu.memref_slice %arg10[%dma_wait3A_271, %dma_wait3A_272] : memref<64x128xf32, #tpu.memory_space<vmem>> -> memref<8x128xf32, #tpu.memory_space<vmem>>
    tpu.wait_dma2 semaphore(%arg14 : memref<!tpu.dma_semaphore, #tpu.memory_space<semaphore_mem>>) src(%dma_wait3A_273 : memref<8x128xf32, #tpu.memory_space<vmem>>) dst(%dma_wait3A_270 : memref<8x128xf32, #tpu.memory_space<hbm>>)
    %dma_wait3A_274 = arith.constant 0 : i32
    %dma_wait3A_275 = arith.constant 3 : i32
    %dma_wait3A_276 = arith.constant 24 : i32
    %dma_wait3A_277 = arith.constant 0 : i32
    %dma_wait3A_278 = tpu.memref_slice %arg10[%dma_wait3A_276, %dma_wait3A_277] : memref<64x128xf32, #tpu.memory_space<vmem>> -> memref<8x128xf32, #tpu.memory_space<vmem>>
    %dma_wait3A_279 = arith.constant 0 : i32
    %dma_wait3A_280 = arith.constant 0 : i32
    %dma_wait3A_281 = tpu.memref_slice %arg4[%dma_wait3A_274, %dma_wait3A_275, %add3A, %dma_wait3A_279, %dma_wait3A_280] : memref<200x8x32x8x128xf32, #tpu.memory_space<hbm>> -> memref<1x1x1x8x128xf32, #tpu.memory_space<hbm>>
    %dma_wait3A_282 = tpu.memref_squeeze %dma_wait3A_281 : memref<1x1x1x8x128xf32, #tpu.memory_space<hbm>> -> memref<8x128xf32, #tpu.memory_space<hbm>>
    %dma_wait3A_283 = arith.constant 0 : i32
    %dma_wait3A_284 = arith.constant 0 : i32
    %dma_wait3A_285 = tpu.memref_slice %arg4[%dma_wait3A_274, %dma_wait3A_275, %add3A, %dma_wait3A_283, %dma_wait3A_284] : memref<200x8x32x8x128xf32, #tpu.memory_space<hbm>> -> memref<1x1x1x8x128xf32, #tpu.memory_space<hbm>>
    %dma_wait3A_286 = tpu.memref_squeeze %dma_wait3A_285 : memref<1x1x1x8x128xf32, #tpu.memory_space<hbm>> -> memref<8x128xf32, #tpu.memory_space<hbm>>
    %dma_wait3A_287 = arith.constant 24 : i32
    %dma_wait3A_288 = arith.constant 0 : i32
    %dma_wait3A_289 = tpu.memref_slice %arg10[%dma_wait3A_287, %dma_wait3A_288] : memref<64x128xf32, #tpu.memory_space<vmem>> -> memref<8x128xf32, #tpu.memory_space<vmem>>
    tpu.wait_dma2 semaphore(%arg14 : memref<!tpu.dma_semaphore, #tpu.memory_space<semaphore_mem>>) src(%dma_wait3A_289 : memref<8x128xf32, #tpu.memory_space<vmem>>) dst(%dma_wait3A_286 : memref<8x128xf32, #tpu.memory_space<hbm>>)
    %dma_wait3A_290 = arith.constant 0 : i32
    %dma_wait3A_291 = arith.constant 4 : i32
    %dma_wait3A_292 = arith.constant 32 : i32
    %dma_wait3A_293 = arith.constant 0 : i32
    %dma_wait3A_294 = tpu.memref_slice %arg10[%dma_wait3A_292, %dma_wait3A_293] : memref<64x128xf32, #tpu.memory_space<vmem>> -> memref<8x128xf32, #tpu.memory_space<vmem>>
    %dma_wait3A_295 = arith.constant 0 : i32
    %dma_wait3A_296 = arith.constant 0 : i32
    %dma_wait3A_297 = tpu.memref_slice %arg4[%dma_wait3A_290, %dma_wait3A_291, %add3A, %dma_wait3A_295, %dma_wait3A_296] : memref<200x8x32x8x128xf32, #tpu.memory_space<hbm>> -> memref<1x1x1x8x128xf32, #tpu.memory_space<hbm>>
    %dma_wait3A_298 = tpu.memref_squeeze %dma_wait3A_297 : memref<1x1x1x8x128xf32, #tpu.memory_space<hbm>> -> memref<8x128xf32, #tpu.memory_space<hbm>>
    %dma_wait3A_299 = arith.constant 0 : i32
    %dma_wait3A_300 = arith.constant 0 : i32
    %dma_wait3A_301 = tpu.memref_slice %arg4[%dma_wait3A_290, %dma_wait3A_291, %add3A, %dma_wait3A_299, %dma_wait3A_300] : memref<200x8x32x8x128xf32, #tpu.memory_space<hbm>> -> memref<1x1x1x8x128xf32, #tpu.memory_space<hbm>>
    %dma_wait3A_302 = tpu.memref_squeeze %dma_wait3A_301 : memref<1x1x1x8x128xf32, #tpu.memory_space<hbm>> -> memref<8x128xf32, #tpu.memory_space<hbm>>
    %dma_wait3A_303 = arith.constant 32 : i32
    %dma_wait3A_304 = arith.constant 0 : i32
    %dma_wait3A_305 = tpu.memref_slice %arg10[%dma_wait3A_303, %dma_wait3A_304] : memref<64x128xf32, #tpu.memory_space<vmem>> -> memref<8x128xf32, #tpu.memory_space<vmem>>
    tpu.wait_dma2 semaphore(%arg14 : memref<!tpu.dma_semaphore, #tpu.memory_space<semaphore_mem>>) src(%dma_wait3A_305 : memref<8x128xf32, #tpu.memory_space<vmem>>) dst(%dma_wait3A_302 : memref<8x128xf32, #tpu.memory_space<hbm>>)
    %dma_wait3A_306 = arith.constant 0 : i32
    %dma_wait3A_307 = arith.constant 5 : i32
    %dma_wait3A_308 = arith.constant 40 : i32
    %dma_wait3A_309 = arith.constant 0 : i32
    %dma_wait3A_310 = tpu.memref_slice %arg10[%dma_wait3A_308, %dma_wait3A_309] : memref<64x128xf32, #tpu.memory_space<vmem>> -> memref<8x128xf32, #tpu.memory_space<vmem>>
    %dma_wait3A_311 = arith.constant 0 : i32
    %dma_wait3A_312 = arith.constant 0 : i32
    %dma_wait3A_313 = tpu.memref_slice %arg4[%dma_wait3A_306, %dma_wait3A_307, %add3A, %dma_wait3A_311, %dma_wait3A_312] : memref<200x8x32x8x128xf32, #tpu.memory_space<hbm>> -> memref<1x1x1x8x128xf32, #tpu.memory_space<hbm>>
    %dma_wait3A_314 = tpu.memref_squeeze %dma_wait3A_313 : memref<1x1x1x8x128xf32, #tpu.memory_space<hbm>> -> memref<8x128xf32, #tpu.memory_space<hbm>>
    %dma_wait3A_315 = arith.constant 0 : i32
    %dma_wait3A_316 = arith.constant 0 : i32
    %dma_wait3A_317 = tpu.memref_slice %arg4[%dma_wait3A_306, %dma_wait3A_307, %add3A, %dma_wait3A_315, %dma_wait3A_316] : memref<200x8x32x8x128xf32, #tpu.memory_space<hbm>> -> memref<1x1x1x8x128xf32, #tpu.memory_space<hbm>>
    %dma_wait3A_318 = tpu.memref_squeeze %dma_wait3A_317 : memref<1x1x1x8x128xf32, #tpu.memory_space<hbm>> -> memref<8x128xf32, #tpu.memory_space<hbm>>
    %dma_wait3A_319 = arith.constant 40 : i32
    %dma_wait3A_320 = arith.constant 0 : i32
    %dma_wait3A_321 = tpu.memref_slice %arg10[%dma_wait3A_319, %dma_wait3A_320] : memref<64x128xf32, #tpu.memory_space<vmem>> -> memref<8x128xf32, #tpu.memory_space<vmem>>
    tpu.wait_dma2 semaphore(%arg14 : memref<!tpu.dma_semaphore, #tpu.memory_space<semaphore_mem>>) src(%dma_wait3A_321 : memref<8x128xf32, #tpu.memory_space<vmem>>) dst(%dma_wait3A_318 : memref<8x128xf32, #tpu.memory_space<hbm>>)
    %dma_wait3A_322 = arith.constant 0 : i32
    %dma_wait3A_323 = arith.constant 6 : i32
    %dma_wait3A_324 = arith.constant 48 : i32
    %dma_wait3A_325 = arith.constant 0 : i32
    %dma_wait3A_326 = tpu.memref_slice %arg10[%dma_wait3A_324, %dma_wait3A_325] : memref<64x128xf32, #tpu.memory_space<vmem>> -> memref<8x128xf32, #tpu.memory_space<vmem>>
    %dma_wait3A_327 = arith.constant 0 : i32
    %dma_wait3A_328 = arith.constant 0 : i32
    %dma_wait3A_329 = tpu.memref_slice %arg4[%dma_wait3A_322, %dma_wait3A_323, %add3A, %dma_wait3A_327, %dma_wait3A_328] : memref<200x8x32x8x128xf32, #tpu.memory_space<hbm>> -> memref<1x1x1x8x128xf32, #tpu.memory_space<hbm>>
    %dma_wait3A_330 = tpu.memref_squeeze %dma_wait3A_329 : memref<1x1x1x8x128xf32, #tpu.memory_space<hbm>> -> memref<8x128xf32, #tpu.memory_space<hbm>>
    %dma_wait3A_331 = arith.constant 0 : i32
    %dma_wait3A_332 = arith.constant 0 : i32
    %dma_wait3A_333 = tpu.memref_slice %arg4[%dma_wait3A_322, %dma_wait3A_323, %add3A, %dma_wait3A_331, %dma_wait3A_332] : memref<200x8x32x8x128xf32, #tpu.memory_space<hbm>> -> memref<1x1x1x8x128xf32, #tpu.memory_space<hbm>>
    %dma_wait3A_334 = tpu.memref_squeeze %dma_wait3A_333 : memref<1x1x1x8x128xf32, #tpu.memory_space<hbm>> -> memref<8x128xf32, #tpu.memory_space<hbm>>
    %dma_wait3A_335 = arith.constant 48 : i32
    %dma_wait3A_336 = arith.constant 0 : i32
    %dma_wait3A_337 = tpu.memref_slice %arg10[%dma_wait3A_335, %dma_wait3A_336] : memref<64x128xf32, #tpu.memory_space<vmem>> -> memref<8x128xf32, #tpu.memory_space<vmem>>
    tpu.wait_dma2 semaphore(%arg14 : memref<!tpu.dma_semaphore, #tpu.memory_space<semaphore_mem>>) src(%dma_wait3A_337 : memref<8x128xf32, #tpu.memory_space<vmem>>) dst(%dma_wait3A_334 : memref<8x128xf32, #tpu.memory_space<hbm>>)
    %dma_wait3A_338 = arith.constant 0 : i32
    %dma_wait3A_339 = arith.constant 7 : i32
    %dma_wait3A_340 = arith.constant 56 : i32
    %dma_wait3A_341 = arith.constant 0 : i32
    %dma_wait3A_342 = tpu.memref_slice %arg10[%dma_wait3A_340, %dma_wait3A_341] : memref<64x128xf32, #tpu.memory_space<vmem>> -> memref<8x128xf32, #tpu.memory_space<vmem>>
    %dma_wait3A_343 = arith.constant 0 : i32
    %dma_wait3A_344 = arith.constant 0 : i32
    %dma_wait3A_345 = tpu.memref_slice %arg4[%dma_wait3A_338, %dma_wait3A_339, %add3A, %dma_wait3A_343, %dma_wait3A_344] : memref<200x8x32x8x128xf32, #tpu.memory_space<hbm>> -> memref<1x1x1x8x128xf32, #tpu.memory_space<hbm>>
    %dma_wait3A_346 = tpu.memref_squeeze %dma_wait3A_345 : memref<1x1x1x8x128xf32, #tpu.memory_space<hbm>> -> memref<8x128xf32, #tpu.memory_space<hbm>>
    %dma_wait3A_347 = arith.constant 0 : i32
    %dma_wait3A_348 = arith.constant 0 : i32
    %dma_wait3A_349 = tpu.memref_slice %arg4[%dma_wait3A_338, %dma_wait3A_339, %add3A, %dma_wait3A_347, %dma_wait3A_348] : memref<200x8x32x8x128xf32, #tpu.memory_space<hbm>> -> memref<1x1x1x8x128xf32, #tpu.memory_space<hbm>>
    %dma_wait3A_350 = tpu.memref_squeeze %dma_wait3A_349 : memref<1x1x1x8x128xf32, #tpu.memory_space<hbm>> -> memref<8x128xf32, #tpu.memory_space<hbm>>
    %dma_wait3A_351 = arith.constant 56 : i32
    %dma_wait3A_352 = arith.constant 0 : i32
    %dma_wait3A_353 = tpu.memref_slice %arg10[%dma_wait3A_351, %dma_wait3A_352] : memref<64x128xf32, #tpu.memory_space<vmem>> -> memref<8x128xf32, #tpu.memory_space<vmem>>
    tpu.wait_dma2 semaphore(%arg14 : memref<!tpu.dma_semaphore, #tpu.memory_space<semaphore_mem>>) src(%dma_wait3A_353 : memref<8x128xf32, #tpu.memory_space<vmem>>) dst(%dma_wait3A_350 : memref<8x128xf32, #tpu.memory_space<hbm>>)
    %dma_wait3A_354 = arith.constant 0 : i32
    %dma_wait3A_355 = arith.constant 0 : i32
    %dma_wait3A_356 = arith.constant 0 : i32
    %dma_wait3A_357 = arith.constant 0 : i32
    %dma_wait3A_358 = tpu.memref_slice %arg11[%dma_wait3A_356, %dma_wait3A_357] : memref<64x128xf32, #tpu.memory_space<vmem>> -> memref<8x128xf32, #tpu.memory_space<vmem>>
    %dma_wait3A_359 = arith.constant 0 : i32
    %dma_wait3A_360 = arith.constant 0 : i32
    %dma_wait3A_361 = tpu.memref_slice %arg4[%dma_wait3A_354, %dma_wait3A_355, %add3A, %dma_wait3A_359, %dma_wait3A_360] : memref<200x8x32x8x128xf32, #tpu.memory_space<hbm>> -> memref<1x1x1x8x128xf32, #tpu.memory_space<hbm>>
    %dma_wait3A_362 = tpu.memref_squeeze %dma_wait3A_361 : memref<1x1x1x8x128xf32, #tpu.memory_space<hbm>> -> memref<8x128xf32, #tpu.memory_space<hbm>>
    %dma_wait3A_363 = arith.constant 0 : i32
    %dma_wait3A_364 = arith.constant 0 : i32
    %dma_wait3A_365 = tpu.memref_slice %arg4[%dma_wait3A_354, %dma_wait3A_355, %add3A, %dma_wait3A_363, %dma_wait3A_364] : memref<200x8x32x8x128xf32, #tpu.memory_space<hbm>> -> memref<1x1x1x8x128xf32, #tpu.memory_space<hbm>>
    %dma_wait3A_366 = tpu.memref_squeeze %dma_wait3A_365 : memref<1x1x1x8x128xf32, #tpu.memory_space<hbm>> -> memref<8x128xf32, #tpu.memory_space<hbm>>
    %dma_wait3A_367 = arith.constant 0 : i32
    %dma_wait3A_368 = arith.constant 0 : i32
    %dma_wait3A_369 = tpu.memref_slice %arg11[%dma_wait3A_367, %dma_wait3A_368] : memref<64x128xf32, #tpu.memory_space<vmem>> -> memref<8x128xf32, #tpu.memory_space<vmem>>
    tpu.wait_dma2 semaphore(%arg15 : memref<!tpu.dma_semaphore, #tpu.memory_space<semaphore_mem>>) src(%dma_wait3A_369 : memref<8x128xf32, #tpu.memory_space<vmem>>) dst(%dma_wait3A_366 : memref<8x128xf32, #tpu.memory_space<hbm>>)
    %dma_wait3A_370 = arith.constant 0 : i32
    %dma_wait3A_371 = arith.constant 1 : i32
    %dma_wait3A_372 = arith.constant 8 : i32
    %dma_wait3A_373 = arith.constant 0 : i32
    %dma_wait3A_374 = tpu.memref_slice %arg11[%dma_wait3A_372, %dma_wait3A_373] : memref<64x128xf32, #tpu.memory_space<vmem>> -> memref<8x128xf32, #tpu.memory_space<vmem>>
    %dma_wait3A_375 = arith.constant 0 : i32
    %dma_wait3A_376 = arith.constant 0 : i32
    %dma_wait3A_377 = tpu.memref_slice %arg4[%dma_wait3A_370, %dma_wait3A_371, %add3A, %dma_wait3A_375, %dma_wait3A_376] : memref<200x8x32x8x128xf32, #tpu.memory_space<hbm>> -> memref<1x1x1x8x128xf32, #tpu.memory_space<hbm>>
    %dma_wait3A_378 = tpu.memref_squeeze %dma_wait3A_377 : memref<1x1x1x8x128xf32, #tpu.memory_space<hbm>> -> memref<8x128xf32, #tpu.memory_space<hbm>>
    %dma_wait3A_379 = arith.constant 0 : i32
    %dma_wait3A_380 = arith.constant 0 : i32
    %dma_wait3A_381 = tpu.memref_slice %arg4[%dma_wait3A_370, %dma_wait3A_371, %add3A, %dma_wait3A_379, %dma_wait3A_380] : memref<200x8x32x8x128xf32, #tpu.memory_space<hbm>> -> memref<1x1x1x8x128xf32, #tpu.memory_space<hbm>>
    %dma_wait3A_382 = tpu.memref_squeeze %dma_wait3A_381 : memref<1x1x1x8x128xf32, #tpu.memory_space<hbm>> -> memref<8x128xf32, #tpu.memory_space<hbm>>
    %dma_wait3A_383 = arith.constant 8 : i32
    %dma_wait3A_384 = arith.constant 0 : i32
    %dma_wait3A_385 = tpu.memref_slice %arg11[%dma_wait3A_383, %dma_wait3A_384] : memref<64x128xf32, #tpu.memory_space<vmem>> -> memref<8x128xf32, #tpu.memory_space<vmem>>
    tpu.wait_dma2 semaphore(%arg15 : memref<!tpu.dma_semaphore, #tpu.memory_space<semaphore_mem>>) src(%dma_wait3A_385 : memref<8x128xf32, #tpu.memory_space<vmem>>) dst(%dma_wait3A_382 : memref<8x128xf32, #tpu.memory_space<hbm>>)
    %dma_wait3A_386 = arith.constant 0 : i32
    %dma_wait3A_387 = arith.constant 2 : i32
    %dma_wait3A_388 = arith.constant 16 : i32
    %dma_wait3A_389 = arith.constant 0 : i32
    %dma_wait3A_390 = tpu.memref_slice %arg11[%dma_wait3A_388, %dma_wait3A_389] : memref<64x128xf32, #tpu.memory_space<vmem>> -> memref<8x128xf32, #tpu.memory_space<vmem>>
    %dma_wait3A_391 = arith.constant 0 : i32
    %dma_wait3A_392 = arith.constant 0 : i32
    %dma_wait3A_393 = tpu.memref_slice %arg4[%dma_wait3A_386, %dma_wait3A_387, %add3A, %dma_wait3A_391, %dma_wait3A_392] : memref<200x8x32x8x128xf32, #tpu.memory_space<hbm>> -> memref<1x1x1x8x128xf32, #tpu.memory_space<hbm>>
    %dma_wait3A_394 = tpu.memref_squeeze %dma_wait3A_393 : memref<1x1x1x8x128xf32, #tpu.memory_space<hbm>> -> memref<8x128xf32, #tpu.memory_space<hbm>>
    %dma_wait3A_395 = arith.constant 0 : i32
    %dma_wait3A_396 = arith.constant 0 : i32
    %dma_wait3A_397 = tpu.memref_slice %arg4[%dma_wait3A_386, %dma_wait3A_387, %add3A, %dma_wait3A_395, %dma_wait3A_396] : memref<200x8x32x8x128xf32, #tpu.memory_space<hbm>> -> memref<1x1x1x8x128xf32, #tpu.memory_space<hbm>>
    %dma_wait3A_398 = tpu.memref_squeeze %dma_wait3A_397 : memref<1x1x1x8x128xf32, #tpu.memory_space<hbm>> -> memref<8x128xf32, #tpu.memory_space<hbm>>
    %dma_wait3A_399 = arith.constant 16 : i32
    %dma_wait3A_400 = arith.constant 0 : i32
    %dma_wait3A_401 = tpu.memref_slice %arg11[%dma_wait3A_399, %dma_wait3A_400] : memref<64x128xf32, #tpu.memory_space<vmem>> -> memref<8x128xf32, #tpu.memory_space<vmem>>
    tpu.wait_dma2 semaphore(%arg15 : memref<!tpu.dma_semaphore, #tpu.memory_space<semaphore_mem>>) src(%dma_wait3A_401 : memref<8x128xf32, #tpu.memory_space<vmem>>) dst(%dma_wait3A_398 : memref<8x128xf32, #tpu.memory_space<hbm>>)
    %dma_wait3A_402 = arith.constant 0 : i32
    %dma_wait3A_403 = arith.constant 3 : i32
    %dma_wait3A_404 = arith.constant 24 : i32
    %dma_wait3A_405 = arith.constant 0 : i32
    %dma_wait3A_406 = tpu.memref_slice %arg11[%dma_wait3A_404, %dma_wait3A_405] : memref<64x128xf32, #tpu.memory_space<vmem>> -> memref<8x128xf32, #tpu.memory_space<vmem>>
    %dma_wait3A_407 = arith.constant 0 : i32
    %dma_wait3A_408 = arith.constant 0 : i32
    %dma_wait3A_409 = tpu.memref_slice %arg4[%dma_wait3A_402, %dma_wait3A_403, %add3A, %dma_wait3A_407, %dma_wait3A_408] : memref<200x8x32x8x128xf32, #tpu.memory_space<hbm>> -> memref<1x1x1x8x128xf32, #tpu.memory_space<hbm>>
    %dma_wait3A_410 = tpu.memref_squeeze %dma_wait3A_409 : memref<1x1x1x8x128xf32, #tpu.memory_space<hbm>> -> memref<8x128xf32, #tpu.memory_space<hbm>>
    %dma_wait3A_411 = arith.constant 0 : i32
    %dma_wait3A_412 = arith.constant 0 : i32
    %dma_wait3A_413 = tpu.memref_slice %arg4[%dma_wait3A_402, %dma_wait3A_403, %add3A, %dma_wait3A_411, %dma_wait3A_412] : memref<200x8x32x8x128xf32, #tpu.memory_space<hbm>> -> memref<1x1x1x8x128xf32, #tpu.memory_space<hbm>>
    %dma_wait3A_414 = tpu.memref_squeeze %dma_wait3A_413 : memref<1x1x1x8x128xf32, #tpu.memory_space<hbm>> -> memref<8x128xf32, #tpu.memory_space<hbm>>
    %dma_wait3A_415 = arith.constant 24 : i32
    %dma_wait3A_416 = arith.constant 0 : i32
    %dma_wait3A_417 = tpu.memref_slice %arg11[%dma_wait3A_415, %dma_wait3A_416] : memref<64x128xf32, #tpu.memory_space<vmem>> -> memref<8x128xf32, #tpu.memory_space<vmem>>
    tpu.wait_dma2 semaphore(%arg15 : memref<!tpu.dma_semaphore, #tpu.memory_space<semaphore_mem>>) src(%dma_wait3A_417 : memref<8x128xf32, #tpu.memory_space<vmem>>) dst(%dma_wait3A_414 : memref<8x128xf32, #tpu.memory_space<hbm>>)
    %dma_wait3A_418 = arith.constant 0 : i32
    %dma_wait3A_419 = arith.constant 4 : i32
    %dma_wait3A_420 = arith.constant 32 : i32
    %dma_wait3A_421 = arith.constant 0 : i32
    %dma_wait3A_422 = tpu.memref_slice %arg11[%dma_wait3A_420, %dma_wait3A_421] : memref<64x128xf32, #tpu.memory_space<vmem>> -> memref<8x128xf32, #tpu.memory_space<vmem>>
    %dma_wait3A_423 = arith.constant 0 : i32
    %dma_wait3A_424 = arith.constant 0 : i32
    %dma_wait3A_425 = tpu.memref_slice %arg4[%dma_wait3A_418, %dma_wait3A_419, %add3A, %dma_wait3A_423, %dma_wait3A_424] : memref<200x8x32x8x128xf32, #tpu.memory_space<hbm>> -> memref<1x1x1x8x128xf32, #tpu.memory_space<hbm>>
    %dma_wait3A_426 = tpu.memref_squeeze %dma_wait3A_425 : memref<1x1x1x8x128xf32, #tpu.memory_space<hbm>> -> memref<8x128xf32, #tpu.memory_space<hbm>>
    %dma_wait3A_427 = arith.constant 0 : i32
    %dma_wait3A_428 = arith.constant 0 : i32
    %dma_wait3A_429 = tpu.memref_slice %arg4[%dma_wait3A_418, %dma_wait3A_419, %add3A, %dma_wait3A_427, %dma_wait3A_428] : memref<200x8x32x8x128xf32, #tpu.memory_space<hbm>> -> memref<1x1x1x8x128xf32, #tpu.memory_space<hbm>>
    %dma_wait3A_430 = tpu.memref_squeeze %dma_wait3A_429 : memref<1x1x1x8x128xf32, #tpu.memory_space<hbm>> -> memref<8x128xf32, #tpu.memory_space<hbm>>
    %dma_wait3A_431 = arith.constant 32 : i32
    %dma_wait3A_432 = arith.constant 0 : i32
    %dma_wait3A_433 = tpu.memref_slice %arg11[%dma_wait3A_431, %dma_wait3A_432] : memref<64x128xf32, #tpu.memory_space<vmem>> -> memref<8x128xf32, #tpu.memory_space<vmem>>
    tpu.wait_dma2 semaphore(%arg15 : memref<!tpu.dma_semaphore, #tpu.memory_space<semaphore_mem>>) src(%dma_wait3A_433 : memref<8x128xf32, #tpu.memory_space<vmem>>) dst(%dma_wait3A_430 : memref<8x128xf32, #tpu.memory_space<hbm>>)
    %dma_wait3A_434 = arith.constant 0 : i32
    %dma_wait3A_435 = arith.constant 5 : i32
    %dma_wait3A_436 = arith.constant 40 : i32
    %dma_wait3A_437 = arith.constant 0 : i32
    %dma_wait3A_438 = tpu.memref_slice %arg11[%dma_wait3A_436, %dma_wait3A_437] : memref<64x128xf32, #tpu.memory_space<vmem>> -> memref<8x128xf32, #tpu.memory_space<vmem>>
    %dma_wait3A_439 = arith.constant 0 : i32
    %dma_wait3A_440 = arith.constant 0 : i32
    %dma_wait3A_441 = tpu.memref_slice %arg4[%dma_wait3A_434, %dma_wait3A_435, %add3A, %dma_wait3A_439, %dma_wait3A_440] : memref<200x8x32x8x128xf32, #tpu.memory_space<hbm>> -> memref<1x1x1x8x128xf32, #tpu.memory_space<hbm>>
    %dma_wait3A_442 = tpu.memref_squeeze %dma_wait3A_441 : memref<1x1x1x8x128xf32, #tpu.memory_space<hbm>> -> memref<8x128xf32, #tpu.memory_space<hbm>>
    %dma_wait3A_443 = arith.constant 0 : i32
    %dma_wait3A_444 = arith.constant 0 : i32
    %dma_wait3A_445 = tpu.memref_slice %arg4[%dma_wait3A_434, %dma_wait3A_435, %add3A, %dma_wait3A_443, %dma_wait3A_444] : memref<200x8x32x8x128xf32, #tpu.memory_space<hbm>> -> memref<1x1x1x8x128xf32, #tpu.memory_space<hbm>>
    %dma_wait3A_446 = tpu.memref_squeeze %dma_wait3A_445 : memref<1x1x1x8x128xf32, #tpu.memory_space<hbm>> -> memref<8x128xf32, #tpu.memory_space<hbm>>
    %dma_wait3A_447 = arith.constant 40 : i32
    %dma_wait3A_448 = arith.constant 0 : i32
    %dma_wait3A_449 = tpu.memref_slice %arg11[%dma_wait3A_447, %dma_wait3A_448] : memref<64x128xf32, #tpu.memory_space<vmem>> -> memref<8x128xf32, #tpu.memory_space<vmem>>
    tpu.wait_dma2 semaphore(%arg15 : memref<!tpu.dma_semaphore, #tpu.memory_space<semaphore_mem>>) src(%dma_wait3A_449 : memref<8x128xf32, #tpu.memory_space<vmem>>) dst(%dma_wait3A_446 : memref<8x128xf32, #tpu.memory_space<hbm>>)
    %dma_wait3A_450 = arith.constant 0 : i32
    %dma_wait3A_451 = arith.constant 6 : i32
    %dma_wait3A_452 = arith.constant 48 : i32
    %dma_wait3A_453 = arith.constant 0 : i32
    %dma_wait3A_454 = tpu.memref_slice %arg11[%dma_wait3A_452, %dma_wait3A_453] : memref<64x128xf32, #tpu.memory_space<vmem>> -> memref<8x128xf32, #tpu.memory_space<vmem>>
    %dma_wait3A_455 = arith.constant 0 : i32
    %dma_wait3A_456 = arith.constant 0 : i32
    %dma_wait3A_457 = tpu.memref_slice %arg4[%dma_wait3A_450, %dma_wait3A_451, %add3A, %dma_wait3A_455, %dma_wait3A_456] : memref<200x8x32x8x128xf32, #tpu.memory_space<hbm>> -> memref<1x1x1x8x128xf32, #tpu.memory_space<hbm>>
    %dma_wait3A_458 = tpu.memref_squeeze %dma_wait3A_457 : memref<1x1x1x8x128xf32, #tpu.memory_space<hbm>> -> memref<8x128xf32, #tpu.memory_space<hbm>>
    %dma_wait3A_459 = arith.constant 0 : i32
    %dma_wait3A_460 = arith.constant 0 : i32
    %dma_wait3A_461 = tpu.memref_slice %arg4[%dma_wait3A_450, %dma_wait3A_451, %add3A, %dma_wait3A_459, %dma_wait3A_460] : memref<200x8x32x8x128xf32, #tpu.memory_space<hbm>> -> memref<1x1x1x8x128xf32, #tpu.memory_space<hbm>>
    %dma_wait3A_462 = tpu.memref_squeeze %dma_wait3A_461 : memref<1x1x1x8x128xf32, #tpu.memory_space<hbm>> -> memref<8x128xf32, #tpu.memory_space<hbm>>
    %dma_wait3A_463 = arith.constant 48 : i32
    %dma_wait3A_464 = arith.constant 0 : i32
    %dma_wait3A_465 = tpu.memref_slice %arg11[%dma_wait3A_463, %dma_wait3A_464] : memref<64x128xf32, #tpu.memory_space<vmem>> -> memref<8x128xf32, #tpu.memory_space<vmem>>
    tpu.wait_dma2 semaphore(%arg15 : memref<!tpu.dma_semaphore, #tpu.memory_space<semaphore_mem>>) src(%dma_wait3A_465 : memref<8x128xf32, #tpu.memory_space<vmem>>) dst(%dma_wait3A_462 : memref<8x128xf32, #tpu.memory_space<hbm>>)
    %dma_wait3A_466 = arith.constant 0 : i32
    %dma_wait3A_467 = arith.constant 7 : i32
    %dma_wait3A_468 = arith.constant 56 : i32
    %dma_wait3A_469 = arith.constant 0 : i32
    %dma_wait3A_470 = tpu.memref_slice %arg11[%dma_wait3A_468, %dma_wait3A_469] : memref<64x128xf32, #tpu.memory_space<vmem>> -> memref<8x128xf32, #tpu.memory_space<vmem>>
    %dma_wait3A_471 = arith.constant 0 : i32
    %dma_wait3A_472 = arith.constant 0 : i32
    %dma_wait3A_473 = tpu.memref_slice %arg4[%dma_wait3A_466, %dma_wait3A_467, %add3A, %dma_wait3A_471, %dma_wait3A_472] : memref<200x8x32x8x128xf32, #tpu.memory_space<hbm>> -> memref<1x1x1x8x128xf32, #tpu.memory_space<hbm>>
    %dma_wait3A_474 = tpu.memref_squeeze %dma_wait3A_473 : memref<1x1x1x8x128xf32, #tpu.memory_space<hbm>> -> memref<8x128xf32, #tpu.memory_space<hbm>>
    %dma_wait3A_475 = arith.constant 0 : i32
    %dma_wait3A_476 = arith.constant 0 : i32
    %dma_wait3A_477 = tpu.memref_slice %arg4[%dma_wait3A_466, %dma_wait3A_467, %add3A, %dma_wait3A_475, %dma_wait3A_476] : memref<200x8x32x8x128xf32, #tpu.memory_space<hbm>> -> memref<1x1x1x8x128xf32, #tpu.memory_space<hbm>>
    %dma_wait3A_478 = tpu.memref_squeeze %dma_wait3A_477 : memref<1x1x1x8x128xf32, #tpu.memory_space<hbm>> -> memref<8x128xf32, #tpu.memory_space<hbm>>
    %dma_wait3A_479 = arith.constant 56 : i32
    %dma_wait3A_480 = arith.constant 0 : i32
    %dma_wait3A_481 = tpu.memref_slice %arg11[%dma_wait3A_479, %dma_wait3A_480] : memref<64x128xf32, #tpu.memory_space<vmem>> -> memref<8x128xf32, #tpu.memory_space<vmem>>
    tpu.wait_dma2 semaphore(%arg15 : memref<!tpu.dma_semaphore, #tpu.memory_space<semaphore_mem>>) src(%dma_wait3A_481 : memref<8x128xf32, #tpu.memory_space<vmem>>) dst(%dma_wait3A_478 : memref<8x128xf32, #tpu.memory_space<hbm>>)
    return
  }
}

</mosaic_0001>

<sc_bundles>
// kernel: kernel.3.cloned.1.call-start
scs
__scs_entry_jumppad:
0x0: {  	(pc) =	sbr.rel $0x88, $3  }
0x1: {  	(tag) =	ssettag $0x0;
	lr =	simm.s32 $0x1  }
0x2: {  	[smem:$0x3F9F] =	sst lr;
	_ =	strace $0xD0000000  }
0x3: {  	_ = 	snop  }
0x4: {  	_ = 	snop  }
0x5: {  	_ = 	snop  }
0x6: {  	_ = 	snop  }
0x7: {  	_ = 	snop  }
__scs_overlays_trampoline_lowered:
0x8: {  	[smem:$0x3FAE] =	sst s0  }
0x9: {  	[smem:$0x3FAF] =	sst s1  }
0xa: {  	[smem:$0x3FB0] =	sst s2  }
0xb: {  	[smem:$0x3FB1] =	sst s3  }
0xc: {  	[smem:$0x3FB2] =	sst s4  }
0xd: {  	[smem:$0x3FB3] =	sst s5  }
0xe: {  	[smem:$0x3FB4] =	sst s6  }
0xf: {  	[smem:$0x3FB5] =	sst s7  }
0x10: {  	[smem:$0x3FB6] =	sst s8  }
0x11: {  	[smem:$0x3FB7] =	sst s9;
	s0 =	simm.s32 @!p0 $0x0  }
0x12: {  	s1 =	sld [smem:$0x3F9D];
	s0 =	simm.s32 @p0 $0x1  }
0x13: {  	[smem:$0x3FB8] =	sst s0;
	s0 =	simm.s32 @!p1 $0x0  }
0x14: {  	s2 =	sld [smem:$0x3F9C];
	s0 =	simm.s32 @p1 $0x1  }
0x15: {  	[smem:$0x3FB9] =	sst s0;
	s0 =	simm.s32 @!p2 $0x0  }
0x16: {  	s3 =	sld [smem:$0x3FDB];
	s0 =	simm.s32 @p2 $0x1  }
0x17: {  	s4 =	simm.s32 $0x1BF5;
	[smem:$0x3FBB] =	sst s0  }
0x18: {  	s0 =	sld [smem:$0x3F9E];
	_ =	swait.ge [sflag:s4], $0x0  }
0x19: {  	s7 =	sld [smem:$0x3F9F]  }
0x1a: {  	s8 =	sadd.s32 $0xFFFFE003, lr  }
0x1b: {  	s9 =	sadd.s32 $0xFFFFFEF7, lr;
	s5 =	simm.s32 $0xFFFFFFFF;
	p2 =	slt.u32 s8, $0xFFFFF086  }
0x1c: {  	p1 =	slt.u32 s9, $0xF7A;
	s5 =	simm.s32 @!p2 $0x0  }
0x1d: {  	s5 =	simm.s32 @p1 $0x1;
	p0 =	seq.s32 s7, s2  }
0x1e: {  	s7 =	smul.u32 @!p0 $0xF7A, s2;
	p2 =	seq.s32 @!p0 s5, $0x0  }
0x1f: {  	s9 =	smul.u32 $0xF7A, s1;
	s8 =	simm.s32 @!p0 $0x1BF5;
	p2 =	por !p2, p0  }
0x20: {  	[sflag:s8] =	ssyncset.s32 @!p0 $0xFFFFF086;
	s6 =	sadd.s32 @!p0 s3, s7;
	s7 =	simm.s32 @!p0 $0x108  }
0x21: {  	s3 =	sadd.s32 s3, s9;
	s6 =	sadd.s32 @!p0 $0x88, s6;
	s7 =	simm.s32 @p2 $0x1082  }
0x22: {  	[simem:s7], [sflag:s8] =	dma.local @!p0 [hbm:s6], $0xF7A  }
0x23: {  	s9 =	sor.u32 $0xD0000000, s2;
	s6 =	simm.s32 $0x108;
	_ =	swait.ge @!p0 [sflag:s8], $0x0  }
0x24: {  	s3 =	sadd.s32 $0x88, s3;
	s6 =	simm.s32 @!p1 $0x1082;
	[sflag:s4] =	ssyncset.s32 $0xFFFFF086  }
0x25: {  	[simem:s6], [sflag:s4] =	dma.local [hbm:s3], $0xF7A  }
0x26: {  	[smem:$0x3F9F] =	sst s1;
	(tag) =	ssettag s2;
	_ =	strace s9  }
0x27: {  	s1 =	sld [smem:$0x3FAF]  }
0x28: {  	s2 =	sld [smem:$0x3FB0]  }
0x29: {  	s4 =	sld [smem:$0x3FB2]  }
0x2a: {  	p0 =	seq.s32 s5, $0x0;
	s5 =	sld [smem:$0x3FB3]  }
0x2b: {  	s6 =	sld [smem:$0x3FB4]  }
0x2c: {  	s7 =	sld [smem:$0x3FB5]  }
0x2d: {  	s3 =	simm.s32 $0x108;
	s8 =	sld [smem:$0x3FB6]  }
0x2e: {  	s3 =	simm.s32 @!p0 $0x1082;
	s9 =	sld [smem:$0x3FB7]  }
0x2f: {  	lr =	sadd.s32 s0, s3;
	s0 =	sld [smem:$0x3FAE]  }
0x30: {  	s3 =	sld [smem:$0x3FB1]  }
0x31: {  	[smem:$0x3FBA] =	sst s10  }
0x32: {  	s10 =	sld [smem:$0x3FB8];
	_ =	sdelay $0x3  }
0x33: {  	p0 =	seq.s32 s10, $0x1;
	s10 =	sld [smem:$0x3FBA];
	_ =	sdelay $0x3  }
0x34: {  	[smem:$0x3FBA] =	sst s10  }
0x35: {  	s10 =	sld [smem:$0x3FB9];
	_ =	sdelay $0x3  }
0x36: {  	p1 =	seq.s32 s10, $0x1;
	s10 =	sld [smem:$0x3FBA];
	_ =	sdelay $0x3  }
0x37: {  	[smem:$0x3FBA] =	sst s10  }
0x38: {  	s10 =	sld [smem:$0x3FBB]  }
0x39: {  	_ = 	snop;
	(pc) =	sbr.ind lr, $3  }
0x3a: {  	_ = 	snop  }
0x3b: {  	_ = 	snop  }
0x3c: {  	p2 =	seq.s32 s10, $0x1;
	s10 =	sld [smem:$0x3FBA]  }
0x3d: {  	_ =	shalt  }
0x3e: {  	_ =	shalt  }
0x3f: {  	_ =	shalt  }
0x40: {  	_ =	shalt  }
0x41: {  	_ =	shalt  }
0x42: {  	_ =	shalt  }
0x43: {  	_ =	shalt  }
0x44: {  	_ =	shalt  }
0x45: {  	_ =	shalt  }
0x46: {  	_ =	shalt  }
0x47: {  	_ =	shalt  }
0x48: {  	_ =	shalt  }
0x49: {  	_ =	shalt  }
0x4a: {  	_ =	shalt  }
0x4b: {  	_ =	shalt  }
0x4c: {  	_ =	shalt  }
0x4d: {  	_ =	shalt  }
0x4e: {  	_ =	shalt  }
0x4f: {  	_ =	shalt  }
0x50: {  	_ =	shalt  }
0x51: {  	_ =	shalt  }
0x52: {  	_ =	shalt  }
0x53: {  	_ =	shalt  }
0x54: {  	_ =	shalt  }
0x55: {  	_ =	shalt  }
0x56: {  	_ =	shalt  }
0x57: {  	_ =	shalt  }
0x58: {  	_ =	shalt  }
0x59: {  	_ =	shalt  }
0x5a: {  	_ =	shalt  }
0x5b: {  	_ =	shalt  }
0x5c: {  	_ =	shalt  }
0x5d: {  	_ =	shalt  }
0x5e: {  	_ =	shalt  }
0x5f: {  	_ =	shalt  }
0x60: {  	_ =	shalt  }
0x61: {  	_ =	shalt  }
0x62: {  	_ =	shalt  }
0x63: {  	_ =	shalt  }
0x64: {  	_ =	shalt  }
0x65: {  	_ =	shalt  }
0x66: {  	_ =	shalt  }
0x67: {  	_ =	shalt  }
0x68: {  	_ =	shalt  }
0x69: {  	_ =	shalt  }
0x6a: {  	_ =	shalt  }
0x6b: {  	_ =	shalt  }
0x6c: {  	_ =	shalt  }
0x6d: {  	_ =	shalt  }
0x6e: {  	_ =	shalt  }
0x6f: {  	_ =	shalt  }
0x70: {  	_ =	shalt  }
0x71: {  	_ =	shalt  }
0x72: {  	_ =	shalt  }
0x73: {  	_ =	shalt  }
0x74: {  	_ =	shalt  }
0x75: {  	_ =	shalt  }
0x76: {  	_ =	shalt  }
0x77: {  	_ =	shalt  }
0x78: {  	_ =	shalt  }
0x79: {  	_ =	shalt  }
0x7a: {  	_ =	shalt  }
0x7b: {  	_ =	shalt  }
0x7c: {  	_ =	shalt  }
0x7d: {  	_ =	shalt  }
0x7e: {  	_ =	shalt  }
0x7f: {  	_ =	shalt  }
0x80: {  	_ =	shalt  }
0x81: {  	_ =	shalt  }
0x82: {  	_ =	shalt  }
0x83: {  	_ =	shalt  }
0x84: {  	_ =	shalt  }
0x85: {  	_ =	shalt  }
0x86: {  	_ =	shalt  }
0x87: {  	_ =	shalt  }
.Lfunc_end0:
.L_simem_size_0:
called_computation_lowered:
.L_overlay_start_0:
0x88: {  	s2 =	sld [smem:$0x3FD9]  }
0x89: {  	s3 =	sld [smem:$0x3FFE];
	_ =	sdelay $0x1  }
0x8a: {  	s1 =	srdreg.scid  }
0x8b: {  	s0 =	sand.u32 $0x1, s1  }
0x8c: {  	s17 =	sshll.u32 s0, $0xA;
	s2 =	sadd.s32 s3, s2  }
0x8d: {  	s2 =	sadd.s32 s2, s17  }
0x8e: {  	[smem:$0x3FC6] =	sst s2  }
0x8f: {  	_ = 	snop  }
0x90: {  	s2 =	sld [smem:$0x3FD0];
	(tm) =	ssettm $0x1  }
0x91: {  	s18 =	sld [smem:$0x3FFB];
	_ =	sdelay $0x3  }
0x92: {  	_ =	strace s18  }
0x93: {  	s3 =	sld [smem:$0x3FFC];
	_ =	sdelay $0x3  }
0x94: {  	_ =	strace s3  }
0x95: {  	s3 =	sld [smem:$0x3FFD];
	_ =	sdelay $0x3  }
0x96: {  	_ =	strace s3  }
0x97: {  	_ =	strace $0x8FFFFFFF  }
0x98: {  	s19 =	sld [smem:$0x3FDB];
	_ =	sdelay $0x1  }
0x99: {  	s4 =	simm.s32 $_scs_section_size  }
0x9a: {  	s5 =	simm.s32 $_size__tile_overlayer_lowered;
	s6 =	simm.s32 $_tile_overlayer_lowered  }
0x9b: {  	s22 =	simm.s32 $0x1BFF;
	s21 =	sshll.u32 s6, $0x1;
	s3 =	sadd.s32 s4, s19  }
0x9c: {  	s7 =	simm.s32 $0x0;
	s20 =	sshll.u32 s5, $0x1;
	s5 =	sadd.s32 s21, s3  }
0x9d: {  	[timem:s7], [sflag:s22] =	dma.local [hbm:s5], s20  }
0x9e: {  	_ =	swait.ge [sflag:s22], s20  }
0x9f: {  	s4 =	ssub.s32 $0x0, s20;
	[sflag:s22] =	ssyncset.done $0x0  }
0xa0: {  	[sflag:s22] =	ssyncadd.s32 s4;
	_ =	sdelay $0x1  }
0xa1: {  	s23 =	simm.s32 $0x1B8B  }
0xa2: {  	_ =	swait.ge [sflag:s23], $0x1  }
0xa3: {  	[sflag:s23] =	ssyncset.done $0x0  }
0xa4: {  	s25 =	simm.s32 $0x1B8E;
	s24 =	sld [smem:$0x3FFE];
	[sflag:s23] =	ssyncadd.s32 $0xFFFFFFFF  }
0xa5: {  	s26 =	simm.s32 $execute0_lowered;
	[smem:$0x3FD2] =	sst s25  }
0xa6: {  	s5 =	sshll.u32 s26, $0x1;
	_ =	strace $0x80000046;
	[dreg:$0x1] =	wrdreg $0xFFFFFFFF  }
0xa7: {  	s28 =	simm.s32 $_size_execute0_lowered;
	s3 =	sadd.s32 s3, s5;
	[dreg:$0x0] =	wrdreg $0x0  }
0xa8: {  	s5 =	sshll.u32 s28, $0x1;
	[dreg:$0x2] =	wrdreg s3  }
0xa9: {  	[dreg:$0x3] =	wrdreg s5  }
0xaa: {  	[dreg:$0x4] =	wrdreg $0xC0  }
0xab: {  	_ =	task [dreg:s7], $0x5FFFF  }
0xac: {  	[dreg:$0x1] =	wrdreg $0xFFFFFFFF  }
0xad: {  	[dreg:$0x0] =	wrdreg $0x60  }
0xae: {  	[dreg:$0x2] =	wrdreg s24  }
0xaf: {  	[dreg:$0x3] =	wrdreg s2  }
0xb0: {  	[dreg:$0x4] =	wrdreg $0x9  }
0xb1: {  	_ =	task.clear_ibuf [dreg:s7], $0x5FFFF;
	_ =	strace $0x90000046  }
0xb2: {  	s29 =	simm.s32 $0x9;
	_ =	strace $0x80000048  }
0xb3: {  	_ =	swait.ge [sflag:s29], $0x1  }
0xb4: {  	[sflag:s29] =	ssyncadd.s32 $0xFFFFFFFF  }
0xb5: {  	_ =	strace $0x90000048  }
0xb6: {  	_ =	sfence  }
0xb7: {  	s30 =	sld [smem:$0x0];
	_ =	sdelay $0x2  }
0xb8: {  	s31 =	sshll.u32 s1, $0xD;
	s1 =	sshrl.u32 s1, $0x2  }
0xb9: {  	s3 =	sand.u32 $0x4000, s31;
	s1 =	sadd.s32 s1, s30  }
0xba: {  	s0 =	sor.u32 s3, s0;
	s1 =	sshll.u32 s1, $0x11  }
0xbb: {  	s0 =	sor.u32 s1, s0  }
0xbc: {  	s0 =	sadd.s32 $0x8F2B, s0  }
0xbd: {  	[sflag:s0] =	ssyncadd.remote.s32 $0x1  }
0xbe: {  	_ =	sfence.sel $0xFFFF  }
0xbf: {  	[dreg:$0x0] =	wrdreg $0xFFFFFFFF;
	(pc) =	sbr.abs _section_cstart, $3  }
0xc0: {  	[dreg:$0x1] =	wrdreg $0xFFFFFFFF  }
0xc1: {  	_ =	task.clear_ibuf [dreg:s7], $0x2FFFF;
	_ =	strace $0x9FFFFFFF  }
0xc2: {  	(tm) =	ssettm $0x7FFFFFFF  }
0xc3: {  	_ =	shalt  }
tec
execute0_lowered:
.L_overlay_start_1:
0x0: {  	(tag) =	ssettag $0x1  }
0x1: {  	s0 =	rddreg [dreg:$0x0]  }
0x2: {  	s1 =	srdreg.scid;
	s2 =	stileid.u32  }
0x3: {  	s21 =	rddreg [dreg:$0x1];
	s3 =	simm.s32 $0x0;
	s26 =	simm.s32 $0x6500  }
0x4: {  	s29 =	simm.s32 $0x8500;
	s30 =	simm.s32 $0x1;
	s23 =	simm.s32 $0x2  }
0x5: {  	v11 =	vlaneseq.u32;
	s1 =	sand.u32 $0x1, s1;
	s2 =	sshll.u32 s2, $0x1;
	[smem:$0x7FF] =	sst s3  }
0x6: {  	s4 =	sadd.s32 $0xF42A00, s0;
	s7 =	sadd.s32 $0x1000, s21;
	s8 =	sadd.s32 $0x2000, s21;
	v0 =	vmul.u32 $0xC8, v11  }
0x7: {  	s9 =	sadd.s32 $0x3000, s21;
	s10 =	sadd.s32 $0x4000, s21;
	s11 =	sadd.s32 $0x5000, s21  }
0x8: {  	s12 =	sadd.s32 $0x6000, s21;
	s13 =	sadd.s32 $0x7000, s21;
	s14 =	sadd.s32 $0x8000, s21;
	v11 =	vmul.u32 $0x40, v11;
	v1 =	vadd.s32 $0xC80, v0  }
0x9: {  	s15 =	sadd.s32 $0x9000, s21;
	s16 =	sadd.s32 $0xA000, s21;
	s17 =	sadd.s32 $0xB000, s21;
	v2 =	vadd.s32 $0x1900, v0;
	v3 =	vadd.s32 $0x2580, v0;
	v4 =	vadd.s32 $0x3200, v0  }
0xa: {  	s18 =	sadd.s32 $0xC000, s21;
	s2 =	sor.u32 s1, s2;
	s1 =	ssub.s32 $0x2, s1;
	v5 =	vadd.s32 $0x3E80, v0;
	v6 =	vadd.s32 $0x4B00, v0;
	v7 =	vadd.s32 $0x5780, v0  }
0xb: {  	s19 =	sadd.s32 $0xD000, s21;
	s5 =	smul.u32 $0xC80, s2;
	s6 =	sshrl.u32 s1, $0x1;
	v8 =	vor.u32 $0x1, v0;
	v9 =	vadd.s32 $0xC81, v0;
	v10 =	vadd.s32 $0x1901, v0  }
0xc: {  	s20 =	sadd.s32 $0xE000, s21;
	s21 =	sadd.s32 $0xF000, s21;
	v12 =	vadd.s32 $0x2581, v0;
	v13 =	vadd.s32 $0x3201, v0;
	v14 =	vadd.s32 $0x3E81, v0;
	s1 =	ssub.s32 s1, s6  }
0xd: {  	_ =	strace $0x80000047;
	v15 =	vadd.s32 $0x4B01, v0;
	v16 =	vadd.s32 $0x5781, v0;
	v17 =	vor.u32 $0x400, v11;
	s0 =	sadd.s32 s5, s0;
	s31 =	smax.u32 s1, $0x1  }
0xe: {  	v18 =	vor.u32 $0x800, v11;
	v19 =	vor.u32 $0xC00, v11;
	v20 =	vor.u32 $0x1000, v11;
	s6 =	sshll.u32 s2, $0x7;
	s0 =	sadd.s32 $0x600, s0;
	[dreg:$0x4] =	wrdreg s31  }
0xf: {  	v21 =	vor.u32 $0x1400, v11;
	v22 =	vor.u32 $0x1800, v11;
	v23 =	vor.u32 $0x1C00, v11;
	s2 =	simm.s32 $0x0;
	s5 =	simm.s32 $0xE100;
	[dreg:$0x3] =	wrdreg s0  }
.LBB2_1:
0x10: {  	[dreg:$0x5] =	wrdreg s2  }
0x11: {  	s0 =	rddreg [dreg:$0x3];
	s25 =	simm.s32 $0x5  }
0x12: {  	[tilespmem:s3], [sflag:$0x5] =	stream.linear.gather [hbm4b:s0+s3], $0x6400, $0x38;
	[tilespmem:$0xE500] =	vst v63  }
0x13: {  	_ =	swait.ge [sflag:s25], $0x6400  }
0x14: {  	[sflag:s25] =	ssyncset.done $0x0  }
0x15: {  	[sflag:s25] =	ssyncadd.s32 $0xFFFF9C00  }
0x16: {  	v24 =	vld.idx.msk [tilespmem:v0+s3+$0x0], $0xffff;
	_ =	sdelay $0x4  }
0x17: {  	[tilespmem:$0x6400] =	vst v24  }
0x18: {  	v24 =	vld.idx.msk [tilespmem:v1+s3+$0x0], $0xffff;
	_ =	sdelay $0x4  }
0x19: {  	[tilespmem:$0x6410] =	vst v24  }
0x1a: {  	v24 =	vld.idx.msk [tilespmem:v2+s3+$0x0], $0xffff;
	_ =	sdelay $0x4  }
0x1b: {  	[tilespmem:$0x6420] =	vst v24  }
0x1c: {  	v24 =	vld.idx.msk [tilespmem:v3+s3+$0x0], $0xffff;
	_ =	sdelay $0x4  }
0x1d: {  	[tilespmem:$0x6430] =	vst v24  }
0x1e: {  	v24 =	vld.idx.msk [tilespmem:v4+s3+$0x0], $0xffff;
	_ =	sdelay $0x4  }
0x1f: {  	[tilespmem:$0x6440] =	vst v24  }
0x20: {  	v24 =	vld.idx.msk [tilespmem:v5+s3+$0x0], $0xffff;
	_ =	sdelay $0x4  }
0x21: {  	[tilespmem:$0x6450] =	vst v24  }
0x22: {  	v24 =	vld.idx.msk [tilespmem:v6+s3+$0x0], $0xffff;
	_ =	sdelay $0x4  }
0x23: {  	[tilespmem:$0x6460] =	vst v24  }
0x24: {  	v24 =	vld.idx.msk [tilespmem:v7+s3+$0x0], $0xffff;
	_ =	sdelay $0x4  }
0x25: {  	s28 =	simm.s32 $0x80;
	s1 =	simm.s32 $0x6400;
	[tilespmem:$0x6470] =	vst v24  }
0x26: {  	[tilespmem:s26], [sflag:$0x1] =	stream.indirect.gather [hbm4b:s4+s28], $0x40, s1, s28, $0xb8;
	[tilespmem:$0xE500] =	vst v63  }
0x27: {  	v24 =	vld.idx.msk [tilespmem:v8+s3+$0x0], $0xffff;
	_ =	sdelay $0x4  }
0x28: {  	[tilespmem:$0x6480] =	vst v24  }
0x29: {  	v24 =	vld.idx.msk [tilespmem:v9+s3+$0x0], $0xffff;
	_ =	sdelay $0x4  }
0x2a: {  	[tilespmem:$0x6490] =	vst v24  }
0x2b: {  	v24 =	vld.idx.msk [tilespmem:v10+s3+$0x0], $0xffff;
	_ =	sdelay $0x4  }
0x2c: {  	[tilespmem:$0x64A0] =	vst v24  }
0x2d: {  	v24 =	vld.idx.msk [tilespmem:v12+s3+$0x0], $0xffff;
	_ =	sdelay $0x4  }
0x2e: {  	[tilespmem:$0x64B0] =	vst v24  }
0x2f: {  	v24 =	vld.idx.msk [tilespmem:v13+s3+$0x0], $0xffff;
	_ =	sdelay $0x4  }
0x30: {  	[tilespmem:$0x64C0] =	vst v24  }
0x31: {  	v24 =	vld.idx.msk [tilespmem:v14+s3+$0x0], $0xffff;
	_ =	sdelay $0x4  }
0x32: {  	[tilespmem:$0x64D0] =	vst v24  }
0x33: {  	v24 =	vld.idx.msk [tilespmem:v15+s3+$0x0], $0xffff;
	_ =	sdelay $0x4  }
0x34: {  	[tilespmem:$0x64E0] =	vst v24  }
0x35: {  	v24 =	vld.idx.msk [tilespmem:v16+s3+$0x0], $0xffff;
	_ =	sdelay $0x4  }
0x36: {  	s31 =	simm.s32 $0x6480;
	s22 =	simm.s32 $0x0;
	[tilespmem:$0x64F0] =	vst v24  }
0x37: {  	[tilespmem:s29], [sflag:$0x2] =	stream.indirect.gather [hbm4b:s4+s28], $0x40, s31, s28, $0xb8;
	[tilespmem:$0xE500] =	vst v63  }
.LBB2_2:
0x38: {  	_ =	swait.ge [sflag:s30], $0x2000  }
0x39: {  	p1 =	seq.s32 s22, $0x0;
	[sflag:s30] =	ssyncset.done $0x0  }
0x3a: {  	s0 =	simm.s32 @!p1 $0x3;
	[sflag:s30] =	ssyncadd.s32 $0xFFFFE000  }
0x3b: {  	_ =	swait.ge @!p1 [sflag:s0], $0x400  }
0x3c: {  	[sflag:s0] =	ssyncset.done @!p1 $0x0  }
0x3d: {  	[sflag:s0] =	ssyncadd.s32 @!p1 $0xFFFFFC00  }
0x3e: {  	_ =	swait.ge @!p1 [sflag:s0], $0x400  }
0x3f: {  	[sflag:s0] =	ssyncset.done @!p1 $0x0  }
0x40: {  	[sflag:s0] =	ssyncadd.s32 @!p1 $0xFFFFFC00  }
0x41: {  	_ =	swait.ge @!p1 [sflag:s0], $0x400  }
0x42: {  	[sflag:s0] =	ssyncset.done @!p1 $0x0  }
0x43: {  	[sflag:s0] =	ssyncadd.s32 @!p1 $0xFFFFFC00  }
0x44: {  	_ =	swait.ge @!p1 [sflag:s0], $0x400  }
0x45: {  	[sflag:s0] =	ssyncset.done @!p1 $0x0  }
0x46: {  	[sflag:s0] =	ssyncadd.s32 @!p1 $0xFFFFFC00  }
0x47: {  	_ =	swait.ge @!p1 [sflag:s0], $0x400  }
0x48: {  	[sflag:s0] =	ssyncset.done @!p1 $0x0  }
0x49: {  	s1 =	simm.s32 $0x3;
	[sflag:s0] =	ssyncadd.s32 @!p1 $0xFFFFFC00  }
0x4a: {  	s2 =	simm.s32 $0x1;
	v24 =	vmov s1;
	_ =	swait.ge @!p1 [sflag:s0], $0x400  }
0x4b: {  	s24 =	simm.s32 $0x2;
	v25 =	vmov s2;
	v24 =	vand.u32 $0x3F, v24;
	[sflag:s0] =	ssyncset.done @!p1 $0x0  }
0x4c: {  	s25 =	simm.s32 $0x0;
	v26 =	vmov s24;
	v25 =	vand.u32 $0x3D, v25;
	v35 =	vbroadcast v24, $0x0;
	[sflag:s0] =	ssyncadd.s32 @!p1 $0xFFFFFC00  }
0x4d: {  	v24 =	vmov s25;
	v33 =	vbroadcast v25, $0x0;
	v25 =	vand.u32 $0x3E, v26;
	_ =	swait.ge @!p1 [sflag:s0], $0x400  }
0x4e: {  	v24 =	vand.u32 $0x3C, v24;
	v34 =	vbroadcast v25, $0x0;
	v25 =	vor.u32 v11, v35;
	[sflag:s0] =	ssyncset.done @!p1 $0x0  }
0x4f: {  	v32 =	vbroadcast v24, $0x0;
	v24 =	vor.u32 v11, v33;
	[sflag:s0] =	ssyncadd.s32 @!p1 $0xFFFFFC00  }
0x50: {  	v26 =	vor.u32 v11, v34;
	_ =	swait.ge @!p1 [sflag:s0], $0x400  }
0x51: {  	v27 =	vor.u32 v11, v32;
	[sflag:s0] =	ssyncset.done @!p1 $0x0  }
0x52: {  	[sflag:s0] =	ssyncadd.s32 @!p1 $0xFFFFFC00  }
0x53: {  	v25 =	vld.idx.msk [tilespmem:v25+s26+$0x0], $0xffff  }
0x54: {  	v24 =	vld.idx.msk [tilespmem:v24+s26+$0x0], $0xffff  }
0x55: {  	v26 =	vld.idx.msk [tilespmem:v26+s26+$0x0], $0xffff  }
0x56: {  	v28 =	vor.u32 v17, v35;
	v27 =	vld.idx.msk [tilespmem:v27+s26+$0x0], $0xffff  }
0x57: {  	v29 =	vor.u32 v17, v33  }
0x58: {  	v30 =	vor.u32 v17, v34;
	v25 =	vmul.f32 $8.000000000e+00, v25  }
0x59: {  	s1 =	simm.s32 $0xA600;
	v31 =	vor.u32 v17, v32;
	v24 =	vmul.f32 $8.000000000e+00, v24  }
0x5a: {  	v26 =	vmul.f32 $8.000000000e+00, v26;
	[tilespmem:s1+$0x80] =	vst v25  }
0x5b: {  	v25 =	vmul.f32 $8.000000000e+00, v27;
	[tilespmem:s1+$0xFFFFFF80] =	vst v24;
	v24 =	vld.idx.msk [tilespmem:v28+s26+$0x0], $0xffff  }
0x5c: {  	[tilespmem:s1+$0x0] =	vst v26;
	v27 =	vld.idx.msk [tilespmem:v29+s26+$0x0], $0xffff  }
0x5d: {  	[tilespmem:s1+$0xFFFFFF00] =	vst v25;
	v25 =	vld.idx.msk [tilespmem:v30+s26+$0x0], $0xffff  }
0x5e: {  	v28 =	vor.u32 v18, v35;
	v26 =	vld.idx.msk [tilespmem:v31+s26+$0x0], $0xffff  }
0x5f: {  	v29 =	vor.u32 v18, v33  }
0x60: {  	s24 =	simm.s32 $0x4;
	v30 =	vor.u32 v18, v34;
	v24 =	vmul.f32 $8.000000000e+00, v24  }
0x61: {  	v36 =	vmov s24;
	v31 =	vor.u32 v18, v32;
	v27 =	vmul.f32 $8.000000000e+00, v27  }
0x62: {  	v25 =	vmul.f32 $8.000000000e+00, v25;
	[tilespmem:s1+$0x90] =	vst v24;
	v24 =	vand.u32 $0x3C, v36  }
0x63: {  	v26 =	vmul.f32 $8.000000000e+00, v26;
	[tilespmem:s1+$0xFFFFFF90] =	vst v27;
	v27 =	vld.idx.msk [tilespmem:v28+s26+$0x0], $0xffff;
	v24 =	vbroadcast v24, $0x0  }
0x64: {  	s24 =	simm.s32 $0x7;
	s25 =	simm.s32 $0x5;
	v28 =	vld.idx.msk [tilespmem:v29+s26+$0x0], $0xffff;
	[tilespmem:s1+$0x10] =	vst v25  }
0x65: {  	v25 =	vmov s25;
	v29 =	vmov s24;
	[tilespmem:s1+$0xFFFFFF10] =	vst v26;
	v26 =	vld.idx.msk [tilespmem:v30+s26+$0x0], $0xffff;
	v60 =	vor.u32 v11, v24  }
0x66: {  	v37 =	vor.u32 v19, v35;
	v25 =	vand.u32 $0x3D, v25;
	v29 =	vand.u32 $0x3F, v29;
	v31 =	vld.idx.msk [tilespmem:v31+s26+$0x0], $0xffff  }
0x67: {  	s2 =	simm.s32 $0x6;
	v39 =	vor.u32 v19, v33;
	v30 =	vbroadcast v29, $0x0;
	v29 =	vbroadcast v25, $0x0  }
0x68: {  	v38 =	vmov s2;
	v40 =	vor.u32 v19, v34;
	v27 =	vmul.f32 $8.000000000e+00, v27  }
0x69: {  	v25 =	vand.u32 $0x3E, v38;
	v61 =	vor.u32 v11, v29;
	v28 =	vmul.f32 $8.000000000e+00, v28  }
0x6a: {  	v41 =	vor.u32 v19, v32;
	v26 =	vmul.f32 $8.000000000e+00, v26;
	[tilespmem:s1+$0xA0] =	vst v27;
	v27 =	vbroadcast v25, $0x0;
	v42 =	vld.idx.msk [tilespmem:v60+s26+$0x0], $0xffff  }
0x6b: {  	v25 =	vor.u32 v11, v30;
	v31 =	vmul.f32 $8.000000000e+00, v31;
	[tilespmem:s1+$0xFFFFFFA0] =	vst v28;
	v28 =	vld.idx.msk [tilespmem:v37+s26+$0x0], $0xffff  }
0x6c: {  	v62 =	vld.idx.msk [tilespmem:v39+s26+$0x0], $0xffff;
	[tilespmem:s1+$0x20] =	vst v26;
	v26 =	vor.u32 v11, v27  }
0x6d: {  	v46 =	vor.u32 v17, v24;
	[tilespmem:s1+$0xFFFFFF20] =	vst v31;
	v31 =	vld.idx.msk [tilespmem:v40+s26+$0x0], $0xffff  }
0x6e: {  	v48 =	vor.u32 v20, v35;
	s25 =	simm.s32 $0x8;
	v37 =	vld.idx.msk [tilespmem:v61+s26+$0x0], $0xffff  }
0x6f: {  	v50 =	vor.u32 v20, v33;
	v47 =	vmov s25;
	v63 =	vld.idx.msk [tilespmem:v41+s26+$0x0], $0xffff;
	v42 =	vmul.f32 $8.000000000e+00, v42  }
0x70: {  	s31 =	simm.s32 $0xA800;
	v51 =	vor.u32 v20, v34;
	v49 =	vand.u32 $0x3C, v47;
	v43 =	vld.idx.msk [tilespmem:v25+s26+$0x0], $0xffff;
	v28 =	vmul.f32 $8.000000000e+00, v28  }
0x71: {  	v53 =	vor.u32 v17, v29;
	v25 =	vbroadcast v49, $0x0;
	v38 =	vmul.f32 $8.000000000e+00, v62;
	v26 =	vld.idx.msk [tilespmem:v26+s26+$0x0], $0xffff;
	[tilespmem:s31+$0xFFFFFF00] =	vst v42  }
0x72: {  	v44 =	vor.u32 v20, v32;
	v31 =	vmul.f32 $8.000000000e+00, v31;
	[tilespmem:s1+$0xB0] =	vst v28;
	v46 =	vld.idx.msk [tilespmem:v46+s26+$0x0], $0xffff  }
0x73: {  	v45 =	vor.u32 v11, v25;
	v37 =	vmul.f32 $8.000000000e+00, v37;
	[tilespmem:s1+$0xFFFFFFB0] =	vst v38;
	v52 =	vld.idx.msk [tilespmem:v48+s26+$0x0], $0xffff  }
0x74: {  	v28 =	vor.u32 v17, v30;
	v39 =	vmul.f32 $8.000000000e+00, v63;
	v40 =	vld.idx.msk [tilespmem:v50+s26+$0x0], $0xffff;
	[tilespmem:s1+$0x30] =	vst v31  }
0x75: {  	v31 =	vor.u32 v17, v27;
	[tilespmem:s31+$0xFFFFFF80] =	vst v37;
	v54 =	vld.idx.msk [tilespmem:v51+s26+$0x0], $0xffff  }
0x76: {  	s2 =	simm.s32 $0x9;
	v56 =	vor.u32 v21, v35;
	v43 =	vmul.f32 $8.000000000e+00, v43;
	[tilespmem:s1+$0xFFFFFF30] =	vst v39;
	v41 =	vld.idx.msk [tilespmem:v53+s26+$0x0], $0xffff  }
0x77: {  	v57 =	vor.u32 v21, v33;
	v47 =	vmov s2;
	v44 =	vld.idx.msk [tilespmem:v44+s26+$0x0], $0xffff;
	v55 =	vmul.f32 $8.000000000e+00, v26  }
0x78: {  	v58 =	vor.u32 v21, v34;
	v36 =	vld.idx.msk [tilespmem:v45+s26+$0x0], $0xffff;
	[tilespmem:s31+$0x80] =	vst v43;
	v26 =	vand.u32 $0x3D, v47;
	v38 =	vmul.f32 $8.000000000e+00, v52  }
0x79: {  	v63 =	vor.u32 v18, v29;
	v28 =	vld.idx.msk [tilespmem:v28+s26+$0x0], $0xffff;
	v26 =	vbroadcast v26, $0x0;
	[tilespmem:s31+$0x0] =	vst v55;
	v40 =	vmul.f32 $8.000000000e+00, v40  }
0x7a: {  	v59 =	vor.u32 v21, v32;
	v31 =	vld.idx.msk [tilespmem:v31+s26+$0x0], $0xffff;
	v39 =	vmul.f32 $8.000000000e+00, v54;
	[tilespmem:s1+$0xC0] =	vst v38  }
0x7b: {  	v60 =	vor.u32 v11, v26;
	v41 =	vmul.f32 $8.000000000e+00, v41;
	[tilespmem:s1+$0xFFFFFFC0] =	vst v40;
	v62 =	vld.idx.msk [tilespmem:v56+s26+$0x0], $0xffff  }
0x7c: {  	v54 =	vor.u32 v18, v24;
	v44 =	vmul.f32 $8.000000000e+00, v44;
	v37 =	vld.idx.msk [tilespmem:v57+s26+$0x0], $0xffff;
	[tilespmem:s1+$0x40] =	vst v39  }
0x7d: {  	v61 =	vor.u32 v18, v30;
	[tilespmem:s31+$0xFFFFFF90] =	vst v41;
	v53 =	vld.idx.msk [tilespmem:v58+s26+$0x0], $0xffff  }
0x7e: {  	v46 =	vmul.f32 $8.000000000e+00, v46;
	v52 =	vor.u32 v18, v27;
	[tilespmem:s1+$0xFFFFFF40] =	vst v44;
	v43 =	vld.idx.msk [tilespmem:v63+s26+$0x0], $0xffff  }
0x7f: {  	s24 =	simm.s32 $0xA;
	v49 =	vor.u32 v22, v35;
	v28 =	vmul.f32 $8.000000000e+00, v28;
	v42 =	vld.idx.msk [tilespmem:v59+s26+$0x0], $0xffff  }
0x80: {  	v48 =	vmov s24;
	v55 =	vor.u32 v22, v33;
	[tilespmem:s31+$0xFFFFFF10] =	vst v46;
	v47 =	vld.idx.msk [tilespmem:v60+s26+$0x0], $0xffff;
	v31 =	vmul.f32 $8.000000000e+00, v31  }
0x81: {  	v50 =	vor.u32 v19, v29;
	[tilespmem:s31+$0x90] =	vst v28;
	v28 =	vand.u32 $0x3E, v48;
	v45 =	vld.idx.msk [tilespmem:v54+s26+$0x0], $0xffff;
	v40 =	vmul.f32 $8.000000000e+00, v62  }
0x82: {  	v38 =	vld.idx.msk [tilespmem:v61+s26+$0x0], $0xffff;
	v28 =	vbroadcast v28, $0x0;
	[tilespmem:s31+$0x10] =	vst v31;
	v31 =	vor.u32 v22, v34;
	v37 =	vmul.f32 $8.000000000e+00, v37  }
0x83: {  	v56 =	vor.u32 v22, v32;
	v39 =	vld.idx.msk [tilespmem:v52+s26+$0x0], $0xffff;
	v43 =	vmul.f32 $8.000000000e+00, v43;
	[tilespmem:s1+$0xD0] =	vst v40  }
0x84: {  	v57 =	vor.u32 v11, v28;
	v44 =	vmul.f32 $8.000000000e+00, v53;
	[tilespmem:s1+$0xFFFFFFD0] =	vst v37;
	v59 =	vld.idx.msk [tilespmem:v49+s26+$0x0], $0xffff  }
0x85: {  	s25 =	simm.s32 $0xB;
	v52 =	vor.u32 v19, v24;
	v42 =	vmul.f32 $8.000000000e+00, v42;
	v41 =	vld.idx.msk [tilespmem:v55+s26+$0x0], $0xffff;
	[tilespmem:s31+$0xFFFFFFA0] =	vst v43  }
0x86: {  	v58 =	vor.u32 v19, v30;
	v60 =	vmov s25;
	[tilespmem:s1+$0x50] =	vst v44;
	v43 =	vld.idx.msk [tilespmem:v50+s26+$0x0], $0xffff  }
0x87: {  	v61 =	vand.u32 $0x3F, v60;
	v62 =	vor.u32 v19, v27;
	v45 =	vmul.f32 $8.000000000e+00, v45;
	[tilespmem:s1+$0xFFFFFF50] =	vst v42;
	v63 =	vld.idx.msk [tilespmem:v31+s26+$0x0], $0xffff  }
0x88: {  	v35 =	vor.u32 v23, v35;
	v38 =	vmul.f32 $8.000000000e+00, v38;
	v31 =	vbroadcast v61, $0x0;
	v46 =	vld.idx.msk [tilespmem:v56+s26+$0x0], $0xffff  }
0x89: {  	v33 =	vor.u32 v23, v33;
	[tilespmem:s31+$0xFFFFFF20] =	vst v45;
	v48 =	vld.idx.msk [tilespmem:v57+s26+$0x0], $0xffff;
	v39 =	vmul.f32 $8.000000000e+00, v39  }
0x8a: {  	[tilespmem:s31+$0xA0] =	vst v38;
	v44 =	vld.idx.msk [tilespmem:v52+s26+$0x0], $0xffff;
	v53 =	vor.u32 v11, v31;
	v37 =	vmul.f32 $8.000000000e+00, v59  }
0x8b: {  	v40 =	vld.idx.msk [tilespmem:v58+s26+$0x0], $0xffff;
	v58 =	vor.u32 v20, v29;
	[tilespmem:s31+$0x20] =	vst v39;
	v41 =	vmul.f32 $8.000000000e+00, v41  }
0x8c: {  	v34 =	vor.u32 v23, v34;
	v39 =	vld.idx.msk [tilespmem:v62+s26+$0x0], $0xffff;
	v43 =	vmul.f32 $8.000000000e+00, v43;
	[tilespmem:s1+$0xE0] =	vst v37  }
0x8d: {  	v54 =	vor.u32 v23, v32;
	v55 =	vmul.f32 $8.000000000e+00, v63;
	[tilespmem:s1+$0xFFFFFFE0] =	vst v41;
	v35 =	vld.idx.msk [tilespmem:v35+s26+$0x0], $0xffff  }
0x8e: {  	s2 =	simm.s32 $0xC;
	v60 =	vor.u32 v20, v24;
	v46 =	vmul.f32 $8.000000000e+00, v46;
	v49 =	vld.idx.msk [tilespmem:v33+s26+$0x0], $0xffff;
	[tilespmem:s31+$0xFFFFFFB0] =	vst v43  }
0x8f: {  	v56 =	vmov s2;
	v57 =	vor.u32 v20, v30;
	v44 =	vmul.f32 $8.000000000e+00, v44;
	v38 =	vld.idx.msk [tilespmem:v53+s26+$0x0], $0xffff;
	[tilespmem:s1+$0x60] =	vst v55  }
0x90: {  	v52 =	vor.u32 v17, v28;
	v37 =	vand.u32 $0x3C, v56;
	v40 =	vmul.f32 $8.000000000e+00, v40;
	[tilespmem:s1+$0xFFFFFF60] =	vst v46;
	v41 =	vld.idx.msk [tilespmem:v58+s26+$0x0], $0xffff  }
0x91: {  	v59 =	vor.u32 v20, v27;
	v32 =	vbroadcast v37, $0x0;
	v34 =	vld.idx.msk [tilespmem:v34+s26+$0x0], $0xffff;
	[tilespmem:s31+$0xFFFFFF30] =	vst v44  }
0x92: {  	v63 =	vor.u32 v17, v26;
	v56 =	vmul.f32 $8.000000000e+00, v48;
	[tilespmem:s31+$0xB0] =	vst v40;
	v40 =	vld.idx.msk [tilespmem:v54+s26+$0x0], $0xffff  }
0x93: {  	s0 =	simm.s32 $0xAA00;
	v61 =	vor.u32 v11, v32;
	v39 =	vmul.f32 $8.000000000e+00, v39;
	v54 =	vld.idx.msk [tilespmem:v60+s26+$0x0], $0xffff  }
0x94: {  	v47 =	vmul.f32 $8.000000000e+00, v47;
	v62 =	vor.u32 v17, v31;
	[tilespmem:s0+$0x0] =	vst v56;
	v42 =	vld.idx.msk [tilespmem:v57+s26+$0x0], $0xffff  }
0x95: {  	v53 =	vor.u32 v17, v25;
	v60 =	vld.idx.msk [tilespmem:v52+s26+$0x0], $0xffff;
	[tilespmem:s31+$0x30] =	vst v39;
	v35 =	vmul.f32 $8.000000000e+00, v35  }
0x96: {  	s24 =	simm.s32 $0xD;
	[tilespmem:s0+$0xFFFFFF80] =	vst v47;
	v58 =	vor.u32 v21, v29;
	v38 =	vmul.f32 $8.000000000e+00, v38;
	v37 =	vld.idx.msk [tilespmem:v59+s26+$0x0], $0xffff  }
0x97: {  	v36 =	vmul.f32 $8.000000000e+00, v36;
	v55 =	vmov s24;
	v57 =	vor.u32 v21, v30;
	v43 =	vld.idx.msk [tilespmem:v63+s26+$0x0], $0xffff;
	[tilespmem:s1+$0xF0] =	vst v35  }
0x98: {  	v33 =	vand.u32 $0x3D, v55;
	v41 =	vmul.f32 $8.000000000e+00, v41;
	v35 =	vld.idx.msk [tilespmem:v61+s26+$0x0], $0xffff;
	v61 =	vor.u32 v21, v24;
	[tilespmem:s0+$0x80] =	vst v38  }
0x99: {  	[tilespmem:s0+$0xFFFFFF00] =	vst v36;
	v33 =	vbroadcast v33, $0x0;
	v59 =	vor.u32 v21, v27;
	v45 =	vld.idx.msk [tilespmem:v62+s26+$0x0], $0xffff;
	v42 =	vmul.f32 $8.000000000e+00, v42  }
0x9a: {  	v56 =	vor.u32 v18, v26;
	v44 =	vld.idx.msk [tilespmem:v53+s26+$0x0], $0xffff;
	v50 =	vmul.f32 $8.000000000e+00, v54;
	[tilespmem:s31+$0xFFFFFFC0] =	vst v41  }
0x9b: {  	v62 =	vor.u32 v11, v33;
	v47 =	vld.idx.msk [tilespmem:v58+s26+$0x0], $0xffff;
	v37 =	vmul.f32 $8.000000000e+00, v37;
	[tilespmem:s31+$0xC0] =	vst v42  }
0x9c: {  	v43 =	vmul.f32 $8.000000000e+00, v43;
	[tilespmem:s31+$0xFFFFFF40] =	vst v50;
	v42 =	vor.u32 v18, v31;
	v41 =	vld.idx.msk [tilespmem:v57+s26+$0x0], $0xffff  }
0x9d: {  	v63 =	vmul.f32 $8.000000000e+00, v49;
	v57 =	vor.u32 v18, v28;
	v52 =	vld.idx.msk [tilespmem:v61+s26+$0x0], $0xffff;
	[tilespmem:s31+$0x40] =	vst v37  }
0x9e: {  	v51 =	vor.u32 v18, v25;
	s25 =	simm.s32 $0xE;
	v39 =	vmul.f32 $8.000000000e+00, v34;
	[tilespmem:s0+$0xFFFFFF90] =	vst v43;
	v45 =	vmul.f32 $8.000000000e+00, v45;
	v58 =	vld.idx.msk [tilespmem:v59+s26+$0x0], $0xffff  }
0x9f: {  	[tilespmem:s1+$0xFFFFFFF0] =	vst v63;
	v36 =	vmul.f32 $8.000000000e+00, v60;
	v60 =	vor.u32 v22, v30;
	v43 =	vld.idx.msk [tilespmem:v56+s26+$0x0], $0xffff;
	v59 =	vmov s25  }
0xa0: {  	v38 =	vld.idx.msk [tilespmem:v62+s26+$0x0], $0xffff;
	v62 =	vmul.f32 $8.000000000e+00, v44;
	v44 =	vor.u32 v22, v29;
	v61 =	vand.u32 $0x3E, v59;
	[tilespmem:s0+$0x90] =	vst v45  }
0xa1: {  	[tilespmem:s0+$0x10] =	vst v36;
	v34 =	vbroadcast v61, $0x0;
	v45 =	vld.idx.msk [tilespmem:v42+s26+$0x0], $0xffff;
	v53 =	vmul.f32 $8.000000000e+00, v41;
	v41 =	vor.u32 v22, v27  }
0xa2: {  	v63 =	vmul.f32 $8.000000000e+00, v47;
	[tilespmem:s0+$0xFFFFFF10] =	vst v62;
	v46 =	vld.idx.msk [tilespmem:v57+s26+$0x0], $0xffff;
	v42 =	vor.u32 v22, v24  }
0xa3: {  	v47 =	vld.idx.msk [tilespmem:v51+s26+$0x0], $0xffff;
	v49 =	vor.u32 v11, v34;
	[tilespmem:s31+$0xD0] =	vst v53;
	v50 =	vmul.f32 $8.000000000e+00, v58  }
0xa4: {  	s28 =	simm.s32 $0xF;
	s2 =	sshll.u32 s22, $0x1;
	v36 =	vmul.f32 $8.000000000e+00, v40;
	v40 =	vor.u32 v19, v31;
	s25 =	simm.s32 $0x10;
	[tilespmem:s31+$0xFFFFFFD0] =	vst v63;
	v51 =	vmul.f32 $8.000000000e+00, v52;
	v48 =	vld.idx.msk [tilespmem:v60+s26+$0x0], $0xffff  }
.LBB2_3:
0xa5: {  	p0 =	slt.u32 s25, $0x3C;
	v37 =	vmov s28;
	v52 =	vor.u32 v19, v26;
	v44 =	vld.idx.msk [tilespmem:v44+s26+$0x0], $0xffff;
	[tilespmem:s31+$0x50] =	vst v50  }
0xa6: {  	v50 =	vor.u32 v19, v28;
	v45 =	vmul.f32 $8.000000000e+00, v45;
	v37 =	vand.u32 $0x3F, v37;
	[tilespmem:s31+$0xFFFFFF50] =	vst v51;
	v41 =	vld.idx.msk [tilespmem:v41+s26+$0x0], $0xffff  }
0xa7: {  	v51 =	vor.u32 v19, v25;
	v43 =	vmul.f32 $8.000000000e+00, v43;
	v37 =	vbroadcast v37, $0x0;
	v42 =	vld.idx.msk [tilespmem:v42+s26+$0x0], $0xffff;
	[tilespmem:s1+$0x70] =	vst v39  }
0xa8: {  	v46 =	vmul.f32 $8.000000000e+00, v46;
	v39 =	vld.idx.msk [tilespmem:v49+s26+$0x0], $0xffff;
	[tilespmem:s0+$0xA0] =	vst v45;
	v45 =	vor.u32 v23, v30;
	v30 =	vmov v31  }
0xa9: {  	v47 =	vmul.f32 $8.000000000e+00, v47;
	v49 =	vor.u32 v11, v37;
	[tilespmem:s0+$0xFFFFFFA0] =	vst v43;
	v40 =	vld.idx.msk [tilespmem:v40+s26+$0x0], $0xffff;
	v31 =	vmov v37  }
0xaa: {  	v43 =	vor.u32 v23, v29;
	v29 =	vmovc v26;
	v26 =	vmov v33;
	v37 =	vld.idx.msk [tilespmem:v52+s26+$0x0], $0xffff;
	[tilespmem:s0+$0x20] =	vst v46;
	v46 =	vmul.f32 $8.000000000e+00, v48  }
0xab: {  	v44 =	vmul.f32 $8.000000000e+00, v44;
	[tilespmem:s0+$0xFFFFFF20] =	vst v47;
	v33 =	vld.idx.msk [tilespmem:v50+s26+$0x0], $0xffff;
	v47 =	vor.u32 v23, v27;
	v27 =	vmovc v28;
	v28 =	vmov v34  }
0xac: {  	v48 =	vor.u32 v23, v24;
	v24 =	vmovc v25;
	v25 =	vmov v32;
	v41 =	vmul.f32 $8.000000000e+00, v41;
	v34 =	vld.idx.msk [tilespmem:v51+s26+$0x0], $0xffff;
	[tilespmem:s31+$0xE0] =	vst v46  }
0xad: {  	v32 =	vmov s25;
	v46 =	vor.u32 v20, v30;
	v42 =	vmul.f32 $8.000000000e+00, v42;
	[tilespmem:s31+$0xFFFFFFE0] =	vst v44;
	v44 =	vld.idx.msk [tilespmem:v45+s26+$0x0], $0xffff  }
0xae: {  	v32 =	vand.u32 $0x3C, v32;
	v45 =	vld.idx.msk [tilespmem:v49+s26+$0x0], $0xffff;
	v49 =	vor.u32 v20, v29;
	[tilespmem:s31+$0x60] =	vst v41  }
0xaf: {  	v32 =	vbroadcast v32, $0x0;
	v41 =	vor.u32 v20, v27;
	v40 =	vmul.f32 $8.000000000e+00, v40;
	[tilespmem:s31+$0xFFFFFF60] =	vst v42;
	v42 =	vld.idx.msk [tilespmem:v43+s26+$0x0], $0xffff  }
0xb0: {  	v43 =	vor.u32 v20, v24;
	v37 =	vmul.f32 $8.000000000e+00, v37;
	v47 =	vld.idx.msk [tilespmem:v47+s26+$0x0], $0xffff;
	[tilespmem:s1+$0xFFFFFF70] =	vst v36;
	s1 =	smov.u32 s31;
	s31 =	smov.u32 s0  }
0xb1: {  	v36 =	vor.u32 v11, v32;
	v33 =	vmul.f32 $8.000000000e+00, v33;
	[tilespmem:s0+$0xB0] =	vst v40;
	v40 =	vld.idx.msk [tilespmem:v48+s26+$0x0], $0xffff  }
0xb2: {  	s24 =	sadd.s32 $0x1, s25;
	v48 =	vor.u32 v17, v31;
	v34 =	vmul.f32 $8.000000000e+00, v34;
	[tilespmem:s0+$0xFFFFFFB0] =	vst v37;
	v37 =	vld.idx.msk [tilespmem:v46+s26+$0x0], $0xffff  }
0xb3: {  	v50 =	vor.u32 v17, v26;
	v46 =	vmov s24;
	v49 =	vld.idx.msk [tilespmem:v49+s26+$0x0], $0xffff;
	[tilespmem:s0+$0x30] =	vst v33;
	v33 =	vmul.f32 $8.000000000e+00, v44  }
0xb4: {  	v44 =	vand.u32 $0x3D, v46;
	v46 =	vor.u32 v17, v28;
	v45 =	vmul.f32 $8.000000000e+00, v45;
	[tilespmem:s0+$0xFFFFFF30] =	vst v34;
	v34 =	vld.idx.msk [tilespmem:v41+s26+$0x0], $0xffff  }
0xb5: {  	v38 =	vmul.f32 $8.000000000e+00, v38;
	v41 =	vor.u32 v17, v25;
	s0 =	sadd.s32 $0x200, s0;
	v42 =	vmul.f32 $8.000000000e+00, v42;
	v43 =	vld.idx.msk [tilespmem:v43+s26+$0x0], $0xffff;
	[tilespmem:s1+$0xF0] =	vst v33  }
0xb6: {  	v52 =	vmul.f32 $8.000000000e+00, v39;
	v39 =	vmul.f32 $8.000000000e+00, v47;
	v51 =	vld.idx.msk [tilespmem:v36+s26+$0x0], $0xffff;
	[tilespmem:s0+$0x80] =	vst v45;
	v45 =	vor.u32 v21, v30  }
0xb7: {  	v35 =	vmul.f32 $8.000000000e+00, v35;
	v47 =	vor.u32 v21, v29;
	v36 =	vmul.f32 $8.000000000e+00, v40;
	[tilespmem:s0+$0xFFFFFF80] =	vst v38;
	v38 =	vld.idx.msk [tilespmem:v48+s26+$0x0], $0xffff  }
0xb8: {  	v33 =	vbroadcast v44, $0x0;
	v44 =	vor.u32 v21, v27;
	v37 =	vmul.f32 $8.000000000e+00, v37;
	v40 =	vld.idx.msk [tilespmem:v50+s26+$0x0], $0xffff;
	[tilespmem:s0+$0x0] =	vst v52  }
0xb9: {  	v48 =	vor.u32 v21, v24;
	v53 =	vmul.f32 $8.000000000e+00, v49;
	[tilespmem:s0+$0xFFFFFF00] =	vst v35;
	v46 =	vld.idx.msk [tilespmem:v46+s26+$0x0], $0xffff  }
0xba: {  	v49 =	vor.u32 v11, v33;
	v34 =	vmul.f32 $8.000000000e+00, v34;
	v41 =	vld.idx.msk [tilespmem:v41+s26+$0x0], $0xffff;
	[tilespmem:s31+$0xC0] =	vst v37  }
0xbb: {  	v37 =	vor.u32 v18, v31;
	v43 =	vmul.f32 $8.000000000e+00, v43;
	[tilespmem:s31+$0xFFFFFFC0] =	vst v53;
	v50 =	vld.idx.msk [tilespmem:v45+s26+$0x0], $0xffff  }
0xbc: {  	v52 =	vor.u32 v18, v26;
	v35 =	vmov v51;
	v47 =	vld.idx.msk [tilespmem:v47+s26+$0x0], $0xffff;
	[tilespmem:s31+$0x40] =	vst v34  }
0xbd: {  	v51 =	vor.u32 v18, v28;
	v34 =	vmul.f32 $8.000000000e+00, v38;
	[tilespmem:s31+$0xFFFFFF40] =	vst v43;
	v53 =	vld.idx.msk [tilespmem:v44+s26+$0x0], $0xffff  }
0xbe: {  	v54 =	vor.u32 v18, v25;
	s24 =	sadd.s32 $0x2, s25;
	v40 =	vmul.f32 $8.000000000e+00, v40;
	v48 =	vld.idx.msk [tilespmem:v48+s26+$0x0], $0xffff;
	[tilespmem:s1+$0xFFFFFFF0] =	vst v42  }
0xbf: {  	v55 =	vor.u32 v22, v30;
	v42 =	vmov s24;
	v46 =	vmul.f32 $8.000000000e+00, v46;
	v38 =	vld.idx.msk [tilespmem:v49+s26+$0x0], $0xffff;
	[tilespmem:s0+$0x90] =	vst v34  }
.Ltmp0:
0xc0: {  	v44 =	vor.u32 v22, v29;
	v34 =	vand.u32 $0x3E, v42;
	v42 =	vmul.f32 $8.000000000e+00, v41;
	[tilespmem:s0+$0xFFFFFF90] =	vst v40;
	v45 =	vld.idx.msk [tilespmem:v37+s26+$0x0], $0xffff;
	(pc) =	sbr.rel @p0 .LBB2_3-.Ltmp0, $4  }
0xc1: {  	v41 =	vor.u32 v22, v27;
	v34 =	vbroadcast v34, $0x0;
	v37 =	vmul.f32 $8.000000000e+00, v50;
	v43 =	vld.idx.msk [tilespmem:v52+s26+$0x0], $0xffff;
	[tilespmem:s0+$0x10] =	vst v46  }
0xc2: {  	v52 =	vmul.f32 $8.000000000e+00, v47;
	[tilespmem:s0+$0xFFFFFF10] =	vst v42;
	v46 =	vld.idx.msk [tilespmem:v51+s26+$0x0], $0xffff;
	v42 =	vor.u32 v22, v24  }
0xc3: {  	v49 =	vor.u32 v11, v34;
	v50 =	vmul.f32 $8.000000000e+00, v53;
	v47 =	vld.idx.msk [tilespmem:v54+s26+$0x0], $0xffff;
	[tilespmem:s31+$0xD0] =	vst v37  }
0xc4: {  	s28 =	sadd.s32 $0x3, s25;
	s25 =	sadd.s32 $0x4, s25;
	v40 =	vor.u32 v19, v31;
	v51 =	vmul.f32 $8.000000000e+00, v48;
	[tilespmem:s31+$0xFFFFFFD0] =	vst v52;
	v48 =	vld.idx.msk [tilespmem:v55+s26+$0x0], $0xffff  }
0xc5: {  	v37 =	vmov s28  }
0xc6: {  	v37 =	vand.u32 $0x3F, v37  }
0xc7: {  	v37 =	vbroadcast v37, $0x0;
	_ =	sdelay $0x1  }
0xc8: {  	v52 =	vor.u32 v11, v37;
	_ =	sdelay $0x3  }
0xc9: {  	[tilespmem:s31+$0x50] =	vst v50  }
0xca: {  	[tilespmem:s1+$0x70] =	vst v39;
	v55 =	vld.idx.msk [tilespmem:v52+s26+$0x0], $0xffff  }
0xcb: {  	v45 =	vmul.f32 $8.000000000e+00, v45;
	[tilespmem:s1+$0xFFFFFF70] =	vst v36  }
0xcc: {  	v56 =	vld.idx.msk [tilespmem:v49+s26+$0x0], $0xffff;
	v38 =	vmul.f32 $8.000000000e+00, v38;
	[tilespmem:s31+$0xFFFFFF50] =	vst v51  }
0xcd: {  	s25 =	sadd.s32 $0x200, s0;
	v35 =	vmul.f32 $8.000000000e+00, v35;
	[tilespmem:s0+$0xA0] =	vst v45;
	v58 =	vor.u32 v17, v37  }
0xce: {  	v60 =	vor.u32 v17, v33;
	v43 =	vmul.f32 $8.000000000e+00, v43;
	[tilespmem:s25+$0xFFFFFF80] =	vst v38  }
0xcf: {  	v44 =	vld.idx.msk [tilespmem:v44+s26+$0x0], $0xffff;
	v61 =	vor.u32 v17, v34;
	[tilespmem:s25+$0xFFFFFF00] =	vst v35;
	v62 =	vmul.f32 $8.000000000e+00, v55  }
0xd0: {  	v63 =	vor.u32 v17, v32;
	v41 =	vld.idx.msk [tilespmem:v41+s26+$0x0], $0xffff;
	v46 =	vmul.f32 $8.000000000e+00, v46;
	[tilespmem:s0+$0xFFFFFFA0] =	vst v43  }
0xd1: {  	v42 =	vld.idx.msk [tilespmem:v42+s26+$0x0], $0xffff;
	v39 =	vmul.f32 $8.000000000e+00, v56;
	[tilespmem:s25+$0x80] =	vst v62  }
0xd2: {  	v54 =	vor.u32 v19, v28;
	v57 =	vmul.f32 $8.000000000e+00, v47;
	[tilespmem:s0+$0x20] =	vst v46;
	v53 =	vld.idx.msk [tilespmem:v58+s26+$0x0], $0xffff  }
0xd3: {  	v59 =	vmul.f32 $8.000000000e+00, v48;
	v47 =	vld.idx.msk [tilespmem:v60+s26+$0x0], $0xffff;
	[tilespmem:s25+$0x0] =	vst v39;
	v52 =	vor.u32 v19, v26  }
0xd4: {  	v30 =	vor.u32 v23, v30;
	[tilespmem:s0+$0xFFFFFF20] =	vst v57;
	v44 =	vmul.f32 $8.000000000e+00, v44;
	v56 =	vld.idx.msk [tilespmem:v61+s26+$0x0], $0xffff  }
0xd5: {  	v57 =	vld.idx.msk [tilespmem:v63+s26+$0x0], $0xffff;
	[tilespmem:s31+$0xE0] =	vst v59;
	v41 =	vmul.f32 $8.000000000e+00, v41;
	v58 =	vor.u32 v18, v37  }
0xd6: {  	v40 =	vld.idx.msk [tilespmem:v40+s26+$0x0], $0xffff;
	v59 =	vor.u32 v18, v33;
	v42 =	vmul.f32 $8.000000000e+00, v42;
	[tilespmem:s31+$0xFFFFFFE0] =	vst v44  }
0xd7: {  	v43 =	vld.idx.msk [tilespmem:v54+s26+$0x0], $0xffff;
	[tilespmem:s31+$0x60] =	vst v41;
	v61 =	vor.u32 v18, v34;
	v38 =	vmul.f32 $8.000000000e+00, v53  }
0xd8: {  	[tilespmem:s31+$0xFFFFFF60] =	vst v42;
	v47 =	vmul.f32 $8.000000000e+00, v47;
	v60 =	vld.idx.msk [tilespmem:v52+s26+$0x0], $0xffff;
	v62 =	vor.u32 v18, v32  }
0xd9: {  	v30 =	vld.idx.msk [tilespmem:v30+s26+$0x0], $0xffff;
	v35 =	vmul.f32 $8.000000000e+00, v56;
	v55 =	vor.u32 v19, v25;
	[tilespmem:s25+$0x90] =	vst v38  }
0xda: {  	v29 =	vor.u32 v23, v29;
	v44 =	vmul.f32 $8.000000000e+00, v57;
	[tilespmem:s25+$0xFFFFFF90] =	vst v47;
	v45 =	vld.idx.msk [tilespmem:v58+s26+$0x0], $0xffff  }
0xdb: {  	v48 =	vor.u32 v20, v26;
	v40 =	vmul.f32 $8.000000000e+00, v40;
	v41 =	vld.idx.msk [tilespmem:v59+s26+$0x0], $0xffff;
	[tilespmem:s25+$0x10] =	vst v35  }
0xdc: {  	v63 =	vor.u32 v20, v31;
	v43 =	vmul.f32 $8.000000000e+00, v43;
	[tilespmem:s25+$0xFFFFFF10] =	vst v44;
	v42 =	vld.idx.msk [tilespmem:v61+s26+$0x0], $0xffff  }
0xdd: {  	v50 =	vor.u32 v19, v37;
	[tilespmem:s0+$0xB0] =	vst v40;
	v46 =	vmul.f32 $8.000000000e+00, v60;
	v36 =	vld.idx.msk [tilespmem:v62+s26+$0x0], $0xffff  }
0xde: {  	v51 =	vor.u32 v19, v33;
	[tilespmem:s0+$0x30] =	vst v43;
	v30 =	vmul.f32 $8.000000000e+00, v30;
	v39 =	vld.idx.msk [tilespmem:v55+s26+$0x0], $0xffff  }
0xdf: {  	v29 =	vld.idx.msk [tilespmem:v29+s26+$0x0], $0xffff;
	v52 =	vor.u32 v19, v34;
	[tilespmem:s0+$0xFFFFFFB0] =	vst v46;
	v45 =	vmul.f32 $8.000000000e+00, v45  }
0xe0: {  	[tilespmem:s31+$0xF0] =	vst v30;
	v41 =	vmul.f32 $8.000000000e+00, v41;
	v46 =	vld.idx.msk [tilespmem:v48+s26+$0x0], $0xffff;
	v53 =	vor.u32 v19, v32  }
0xe1: {  	v49 =	vor.u32 v20, v28;
	v42 =	vmul.f32 $8.000000000e+00, v42;
	v38 =	vld.idx.msk [tilespmem:v63+s26+$0x0], $0xffff;
	[tilespmem:s25+$0xA0] =	vst v45  }
0xe2: {  	v54 =	vor.u32 v20, v25;
	[tilespmem:s25+$0xFFFFFFA0] =	vst v41;
	v36 =	vmul.f32 $8.000000000e+00, v36;
	v40 =	vld.idx.msk [tilespmem:v50+s26+$0x0], $0xffff  }
0xe3: {  	v56 =	vor.u32 v21, v26;
	v44 =	vld.idx.msk [tilespmem:v51+s26+$0x0], $0xffff;
	[tilespmem:s25+$0x20] =	vst v42;
	v39 =	vmul.f32 $8.000000000e+00, v39  }
0xe4: {  	v29 =	vmul.f32 $8.000000000e+00, v29;
	v55 =	vor.u32 v21, v31;
	v57 =	vld.idx.msk [tilespmem:v52+s26+$0x0], $0xffff;
	[tilespmem:s25+$0xFFFFFF20] =	vst v36  }
0xe5: {  	v58 =	vor.u32 v20, v37;
	[tilespmem:s0+$0xFFFFFF30] =	vst v39;
	v30 =	vmul.f32 $8.000000000e+00, v46;
	v39 =	vld.idx.msk [tilespmem:v53+s26+$0x0], $0xffff  }
0xe6: {  	v35 =	vld.idx.msk [tilespmem:v49+s26+$0x0], $0xffff;
	[tilespmem:s31+$0xFFFFFFF0] =	vst v29;
	v60 =	vor.u32 v20, v33;
	v38 =	vmul.f32 $8.000000000e+00, v38  }
0xe7: {  	v59 =	vld.idx.msk [tilespmem:v54+s26+$0x0], $0xffff;
	[tilespmem:s0+$0xFFFFFFC0] =	vst v30;
	v30 =	vor.u32 v20, v34;
	v40 =	vmul.f32 $8.000000000e+00, v40  }
0xe8: {  	v61 =	vor.u32 v20, v32;
	v44 =	vmul.f32 $8.000000000e+00, v44;
	v42 =	vld.idx.msk [tilespmem:v56+s26+$0x0], $0xffff;
	[tilespmem:s0+$0xC0] =	vst v38  }
0xe9: {  	v62 =	vor.u32 v21, v28;
	v36 =	vmul.f32 $8.000000000e+00, v57;
	v41 =	vld.idx.msk [tilespmem:v55+s26+$0x0], $0xffff;
	[tilespmem:s25+$0xB0] =	vst v40  }
0xea: {  	v63 =	vor.u32 v21, v25;
	[tilespmem:s25+$0xFFFFFFB0] =	vst v44;
	v39 =	vmul.f32 $8.000000000e+00, v39;
	v43 =	vld.idx.msk [tilespmem:v58+s26+$0x0], $0xffff  }
0xeb: {  	v27 =	vor.u32 v23, v27;
	v35 =	vmul.f32 $8.000000000e+00, v35;
	v38 =	vld.idx.msk [tilespmem:v60+s26+$0x0], $0xffff;
	[tilespmem:s25+$0x30] =	vst v36  }
0xec: {  	v49 =	vor.u32 v22, v31;
	v48 =	vmul.f32 $8.000000000e+00, v59;
	v30 =	vld.idx.msk [tilespmem:v30+s26+$0x0], $0xffff;
	[tilespmem:s25+$0xFFFFFF30] =	vst v39  }
0xed: {  	v51 =	vor.u32 v21, v37;
	[tilespmem:s0+$0x40] =	vst v35;
	v29 =	vmul.f32 $8.000000000e+00, v42;
	v35 =	vld.idx.msk [tilespmem:v61+s26+$0x0], $0xffff  }
0xee: {  	v52 =	vld.idx.msk [tilespmem:v62+s26+$0x0], $0xffff;
	v53 =	vor.u32 v21, v33;
	[tilespmem:s0+$0xFFFFFF40] =	vst v48;
	v50 =	vmul.f32 $8.000000000e+00, v41  }
0xef: {  	v54 =	vor.u32 v21, v34;
	[tilespmem:s0+$0xFFFFFFD0] =	vst v29;
	v40 =	vld.idx.msk [tilespmem:v63+s26+$0x0], $0xffff;
	v43 =	vmul.f32 $8.000000000e+00, v43  }
0xf0: {  	v27 =	vld.idx.msk [tilespmem:v27+s26+$0x0], $0xffff;
	v38 =	vmul.f32 $8.000000000e+00, v38;
	v29 =	vor.u32 v21, v32;
	[tilespmem:s0+$0xD0] =	vst v50  }
0xf1: {  	v55 =	vor.u32 v22, v26;
	v30 =	vmul.f32 $8.000000000e+00, v30;
	v36 =	vld.idx.msk [tilespmem:v49+s26+$0x0], $0xffff;
	[tilespmem:s25+$0xC0] =	vst v43  }
0xf2: {  	v56 =	vor.u32 v22, v28;
	[tilespmem:s25+$0xFFFFFFC0] =	vst v38;
	v35 =	vmul.f32 $8.000000000e+00, v35;
	v57 =	vld.idx.msk [tilespmem:v51+s26+$0x0], $0xffff  }
0xf3: {  	v44 =	vmul.f32 $8.000000000e+00, v52;
	v42 =	vld.idx.msk [tilespmem:v53+s26+$0x0], $0xffff;
	v58 =	vor.u32 v22, v25;
	[tilespmem:s25+$0x40] =	vst v30  }
0xf4: {  	v24 =	vor.u32 v23, v24;
	v59 =	vld.idx.msk [tilespmem:v54+s26+$0x0], $0xffff;
	[tilespmem:s25+$0xFFFFFF40] =	vst v35;
	v30 =	vmul.f32 $8.000000000e+00, v40  }
0xf5: {  	v27 =	vmul.f32 $8.000000000e+00, v27;
	v60 =	vor.u32 v22, v37;
	[tilespmem:s0+$0x50] =	vst v44;
	v29 =	vld.idx.msk [tilespmem:v29+s26+$0x0], $0xffff  }
0xf6: {  	v62 =	vor.u32 v22, v33;
	v61 =	vld.idx.msk [tilespmem:v55+s26+$0x0], $0xffff;
	[tilespmem:s0+$0xFFFFFF50] =	vst v30;
	v30 =	vmul.f32 $8.000000000e+00, v36  }
0xf7: {  	[tilespmem:s31+$0x70] =	vst v27;
	v27 =	vor.u32 v22, v34;
	v43 =	vld.idx.msk [tilespmem:v56+s26+$0x0], $0xffff;
	v38 =	vmul.f32 $8.000000000e+00, v57  }
0xf8: {  	v42 =	vmul.f32 $8.000000000e+00, v42;
	v41 =	vld.idx.msk [tilespmem:v58+s26+$0x0], $0xffff;
	[tilespmem:s0+$0xE0] =	vst v30;
	v30 =	vor.u32 v22, v32  }
0xf9: {  	v24 =	vld.idx.msk [tilespmem:v24+s26+$0x0], $0xffff;
	v31 =	vor.u32 v23, v31;
	v35 =	vmul.f32 $8.000000000e+00, v59;
	[tilespmem:s25+$0xD0] =	vst v38  }
0xfa: {  	v26 =	vor.u32 v23, v26;
	[tilespmem:s25+$0xFFFFFFD0] =	vst v42;
	v29 =	vmul.f32 $8.000000000e+00, v29;
	v38 =	vld.idx.msk [tilespmem:v60+s26+$0x0], $0xffff  }
0xfb: {  	v28 =	vor.u32 v23, v28;
	v63 =	vmul.f32 $8.000000000e+00, v61;
	v36 =	vld.idx.msk [tilespmem:v62+s26+$0x0], $0xffff;
	[tilespmem:s25+$0x50] =	vst v35  }
0xfc: {  	v25 =	vor.u32 v23, v25;
	v27 =	vld.idx.msk [tilespmem:v27+s26+$0x0], $0xffff;
	[tilespmem:s25+$0xFFFFFF50] =	vst v29;
	v40 =	vmul.f32 $8.000000000e+00, v43  }
0xfd: {  	v37 =	vor.u32 v23, v37;
	[tilespmem:s0+$0xFFFFFFE0] =	vst v63;
	v29 =	vmul.f32 $8.000000000e+00, v41;
	v30 =	vld.idx.msk [tilespmem:v30+s26+$0x0], $0xffff  }
0xfe: {  	v24 =	vmul.f32 $8.000000000e+00, v24;
	v31 =	vld.idx.msk [tilespmem:v31+s26+$0x0], $0xffff;
	v41 =	vor.u32 v23, v33;
	[tilespmem:s0+$0x60] =	vst v40  }
0xff: {  	v26 =	vld.idx.msk [tilespmem:v26+s26+$0x0], $0xffff;
	v42 =	vor.u32 v23, v34;
	[tilespmem:s0+$0xFFFFFF60] =	vst v29;
	v29 =	vmul.f32 $8.000000000e+00, v38  }
0x100: {  	[tilespmem:s31+$0xFFFFFF70] =	vst v24;
	v24 =	vmul.f32 $8.000000000e+00, v36;
	v43 =	vor.u32 v23, v32;
	v28 =	vld.idx.msk [tilespmem:v28+s26+$0x0], $0xffff  }
0x101: {  	v27 =	vmul.f32 $8.000000000e+00, v27;
	v25 =	vld.idx.msk [tilespmem:v25+s26+$0x0], $0xffff;
	[tilespmem:s25+$0xE0] =	vst v29  }
0x102: {  	[tilespmem:s25+$0xFFFFFFE0] =	vst v24;
	v29 =	vmul.f32 $8.000000000e+00, v30;
	v24 =	vld.idx.msk [tilespmem:v37+s26+$0x0], $0xffff  }
0x103: {  	[tilespmem:s25+$0x60] =	vst v27;
	v27 =	vld.idx.msk [tilespmem:v41+s26+$0x0], $0xffff;
	v30 =	vmul.f32 $8.000000000e+00, v31  }
0x104: {  	p0 =	seq.s32 s22, $0x63;
	v26 =	vmul.f32 $8.000000000e+00, v26;
	[tilespmem:s25+$0xFFFFFF60] =	vst v29;
	v29 =	vld.idx.msk [tilespmem:v42+s26+$0x0], $0xffff  }
0x105: {  	s1 =	sadd.s32 @!p0 $0x2, s2;
	v28 =	vmul.f32 $8.000000000e+00, v28;
	v31 =	vlaneseq.u32 @!p0;
	[tilespmem:s0+$0xF0] =	vst v30;
	v30 =	vld.idx.msk [tilespmem:v43+s26+$0x0], $0xffff  }
0x106: {  	[tilespmem:s0+$0xFFFFFFF0] =	vst v26;
	v26 =	vmov @!p0 s1;
	v25 =	vmul.f32 $8.000000000e+00, v25;
	v31 =	vmul.u32 @!p0 $0xC8, v31  }
0x107: {  	v26 =	vand.u32 @!p0 $0x1FE, v26;
	[tilespmem:s0+$0x70] =	vst v28;
	v24 =	vmul.f32 $8.000000000e+00, v24  }
0x108: {  	[tilespmem:s0+$0xFFFFFF70] =	vst v25;
	v25 =	vmul.f32 $8.000000000e+00, v27;
	v27 =	vadd.s32 @!p0 v31, v26  }
0x109: {  	[tilespmem:s25+$0xF0] =	vst v24;
	v24 =	vmul.f32 $8.000000000e+00, v29  }
0x10a: {  	[tilespmem:s25+$0xFFFFFFF0] =	vst v25;
	v28 =	vmul.f32 $8.000000000e+00, v30  }
0x10b: {  	[tilespmem:s25+$0x70] =	vst v24  }
0x10c: {  	s0 =	simm.s32 @!p0 $0x0;
	[tilespmem:s25+$0xFFFFFF70] =	vst v28  }
0x10d: {  	v25 =	vadd.s32 @!p0 $0xC80, v31;
	v24 =	vld.idx.msk @!p0 [tilespmem:v27+s0+$0x0], $0xffff  }
0x10e: {  	v25 =	vadd.s32 @!p0 v25, v26;
	_ =	sdelay $0x3  }
0x10f: {  	[tilespmem:$0x6400] =	vst @!p0 v24  }
0x110: {  	v24 =	vld.idx.msk @!p0 [tilespmem:v25+s0+$0x0], $0xffff;
	v25 =	vadd.s32 @!p0 $0x1900, v31  }
0x111: {  	v25 =	vadd.s32 @!p0 v25, v26;
	_ =	sdelay $0x3  }
0x112: {  	[tilespmem:$0x6410] =	vst @!p0 v24  }
0x113: {  	v24 =	vld.idx.msk @!p0 [tilespmem:v25+s0+$0x0], $0xffff;
	v25 =	vadd.s32 @!p0 $0x2580, v31  }
0x114: {  	v25 =	vadd.s32 @!p0 v25, v26;
	_ =	sdelay $0x3  }
0x115: {  	[tilespmem:$0x6420] =	vst @!p0 v24  }
0x116: {  	v24 =	vld.idx.msk @!p0 [tilespmem:v25+s0+$0x0], $0xffff;
	v25 =	vadd.s32 @!p0 $0x3200, v31  }
0x117: {  	v25 =	vadd.s32 @!p0 v25, v26;
	_ =	sdelay $0x3  }
0x118: {  	[tilespmem:$0x6430] =	vst @!p0 v24  }
0x119: {  	v24 =	vld.idx.msk @!p0 [tilespmem:v25+s0+$0x0], $0xffff;
	v25 =	vadd.s32 @!p0 $0x3E80, v31  }
0x11a: {  	v25 =	vadd.s32 @!p0 v25, v26;
	_ =	sdelay $0x3  }
0x11b: {  	[tilespmem:$0x6440] =	vst @!p0 v24  }
0x11c: {  	v24 =	vld.idx.msk @!p0 [tilespmem:v25+s0+$0x0], $0xffff;
	v25 =	vadd.s32 @!p0 $0x4B00, v31  }
0x11d: {  	v25 =	vadd.s32 @!p0 v25, v26;
	_ =	sdelay $0x3  }
0x11e: {  	[tilespmem:$0x6450] =	vst @!p0 v24  }
0x11f: {  	v24 =	vld.idx.msk @!p0 [tilespmem:v25+s0+$0x0], $0xffff;
	v25 =	vadd.s32 @!p0 $0x5780, v31  }
0x120: {  	v25 =	vadd.s32 @!p0 v25, v26;
	_ =	sdelay $0x3  }
0x121: {  	[tilespmem:$0x6460] =	vst @!p0 v24  }
0x122: {  	v24 =	vld.idx.msk @!p0 [tilespmem:v25+s0+$0x0], $0xffff;
	_ =	sdelay $0x4  }
0x123: {  	s24 =	simm.s32 @!p0 $0x6500;
	s1 =	simm.s32 @!p0 $0x6400;
	s0 =	simm.s32 @!p0 $0x80;
	[tilespmem:$0x6470] =	vst @!p0 v24  }
0x124: {  	[tilespmem:s24], [sflag:$0x1] =	stream.indirect.gather @!p0 [hbm4b:s4+s0], $0x40, s1, s0, $0xb8;
	[tilespmem:$0xE500] =	vst v63  }
0x125: {  	s1 =	sshll.u32 s22, $0x10  }
0x126: {  	s24 =	rddreg [dreg:$0x1];
	s31 =	sor.u32 s6, s1  }
0x127: {  	s25 =	simm.s32 $0xA500;
	s0 =	sadd.s32 s24, s31  }
0x128: {  	[hbm4b:s0+s3] =	stream.linear.scatter [tilespmem:s25], [sflag:$0x3], $0x400, $0x38;
	[tilespmem:$0xE500] =	vst v63  }
0x129: {  	s24 =	sadd.s32 s31, s7;
	s25 =	simm.s32 $0xA900  }
0x12a: {  	[hbm4b:s24+s3] =	stream.linear.scatter [tilespmem:s25], [sflag:$0x3], $0x400, $0x38;
	[tilespmem:$0xE500] =	vst v63  }
0x12b: {  	s24 =	sadd.s32 s31, s8;
	s25 =	simm.s32 $0xAD00  }
0x12c: {  	[hbm4b:s24+s3] =	stream.linear.scatter [tilespmem:s25], [sflag:$0x3], $0x400, $0x38;
	[tilespmem:$0xE500] =	vst v63  }
0x12d: {  	s24 =	sadd.s32 s31, s9;
	s25 =	simm.s32 $0xB100  }
0x12e: {  	[hbm4b:s24+s3] =	stream.linear.scatter [tilespmem:s25], [sflag:$0x3], $0x400, $0x38;
	[tilespmem:$0xE500] =	vst v63  }
0x12f: {  	s24 =	sadd.s32 s31, s10;
	s25 =	simm.s32 $0xB500  }
0x130: {  	[hbm4b:s24+s3] =	stream.linear.scatter [tilespmem:s25], [sflag:$0x3], $0x400, $0x38;
	[tilespmem:$0xE500] =	vst v63  }
0x131: {  	s24 =	sadd.s32 s31, s11;
	s25 =	simm.s32 $0xB900  }
0x132: {  	[hbm4b:s24+s3] =	stream.linear.scatter [tilespmem:s25], [sflag:$0x3], $0x400, $0x38;
	[tilespmem:$0xE500] =	vst v63  }
0x133: {  	s24 =	sadd.s32 s31, s12;
	s25 =	simm.s32 $0xBD00  }
0x134: {  	[hbm4b:s24+s3] =	stream.linear.scatter [tilespmem:s25], [sflag:$0x3], $0x400, $0x38;
	[tilespmem:$0xE500] =	vst v63  }
0x135: {  	s24 =	sadd.s32 s31, s13;
	s25 =	simm.s32 $0xC100  }
0x136: {  	[hbm4b:s24+s3] =	stream.linear.scatter [tilespmem:s25], [sflag:$0x3], $0x400, $0x38;
	[tilespmem:$0xE500] =	vst v63  }
0x137: {  	_ =	swait.ge [sflag:s23], $0x2000  }
0x138: {  	[sflag:s23] =	ssyncset.done $0x0  }
0x139: {  	s0 =	simm.s32 @!p1 $0x4;
	[sflag:s23] =	ssyncadd.s32 $0xFFFFE000  }
0x13a: {  	_ =	swait.ge @!p1 [sflag:s0], $0x400  }
0x13b: {  	[sflag:s0] =	ssyncset.done @!p1 $0x0  }
0x13c: {  	[sflag:s0] =	ssyncadd.s32 @!p1 $0xFFFFFC00  }
0x13d: {  	_ =	swait.ge @!p1 [sflag:s0], $0x400  }
0x13e: {  	[sflag:s0] =	ssyncset.done @!p1 $0x0  }
0x13f: {  	[sflag:s0] =	ssyncadd.s32 @!p1 $0xFFFFFC00  }
0x140: {  	_ =	swait.ge @!p1 [sflag:s0], $0x400  }
0x141: {  	[sflag:s0] =	ssyncset.done @!p1 $0x0  }
0x142: {  	[sflag:s0] =	ssyncadd.s32 @!p1 $0xFFFFFC00  }
0x143: {  	_ =	swait.ge @!p1 [sflag:s0], $0x400  }
0x144: {  	[sflag:s0] =	ssyncset.done @!p1 $0x0  }
0x145: {  	[sflag:s0] =	ssyncadd.s32 @!p1 $0xFFFFFC00  }
0x146: {  	_ =	swait.ge @!p1 [sflag:s0], $0x400  }
0x147: {  	[sflag:s0] =	ssyncset.done @!p1 $0x0  }
0x148: {  	s24 =	simm.s32 $0x3;
	[sflag:s0] =	ssyncadd.s32 @!p1 $0xFFFFFC00  }
0x149: {  	s25 =	simm.s32 $0x1;
	v24 =	vmov s24;
	_ =	swait.ge @!p1 [sflag:s0], $0x400  }
0x14a: {  	v25 =	vmov s25;
	s24 =	simm.s32 $0x2;
	v24 =	vand.u32 $0x3F, v24;
	[sflag:s0] =	ssyncset.done @!p1 $0x0  }
0x14b: {  	s25 =	simm.s32 $0x0;
	v25 =	vand.u32 $0x3D, v25;
	v26 =	vmov s24;
	v35 =	vbroadcast v24, $0x0;
	[sflag:s0] =	ssyncadd.s32 @!p1 $0xFFFFFC00  }
0x14c: {  	v24 =	vmov s25;
	v33 =	vbroadcast v25, $0x0;
	v25 =	vand.u32 $0x3E, v26;
	_ =	swait.ge @!p1 [sflag:s0], $0x400  }
0x14d: {  	v24 =	vand.u32 $0x3C, v24;
	v34 =	vbroadcast v25, $0x0;
	v25 =	vor.u32 v11, v35;
	[sflag:s0] =	ssyncset.done @!p1 $0x0  }
0x14e: {  	v32 =	vbroadcast v24, $0x0;
	v24 =	vor.u32 v11, v33;
	[sflag:s0] =	ssyncadd.s32 @!p1 $0xFFFFFC00  }
0x14f: {  	v26 =	vor.u32 v11, v34;
	_ =	swait.ge @!p1 [sflag:s0], $0x400  }
0x150: {  	v27 =	vor.u32 v11, v32;
	[sflag:s0] =	ssyncset.done @!p1 $0x0  }
0x151: {  	[sflag:s0] =	ssyncadd.s32 @!p1 $0xFFFFFC00  }
0x152: {  	v25 =	vld.idx.msk [tilespmem:v25+s29+$0x0], $0xffff  }
0x153: {  	v24 =	vld.idx.msk [tilespmem:v24+s29+$0x0], $0xffff  }
0x154: {  	v26 =	vld.idx.msk [tilespmem:v26+s29+$0x0], $0xffff  }
0x155: {  	v28 =	vor.u32 v17, v35;
	v27 =	vld.idx.msk [tilespmem:v27+s29+$0x0], $0xffff  }
0x156: {  	v29 =	vor.u32 v17, v33  }
0x157: {  	v30 =	vor.u32 v17, v34;
	v25 =	vmul.f32 $8.000000000e+00, v25  }
0x158: {  	v31 =	vor.u32 v17, v32;
	s0 =	simm.s32 $0xC600;
	v24 =	vmul.f32 $8.000000000e+00, v24  }
0x159: {  	v26 =	vmul.f32 $8.000000000e+00, v26;
	[tilespmem:s0+$0x80] =	vst v25  }
0x15a: {  	v25 =	vmul.f32 $8.000000000e+00, v27;
	[tilespmem:s0+$0xFFFFFF80] =	vst v24;
	v24 =	vld.idx.msk [tilespmem:v28+s29+$0x0], $0xffff  }
0x15b: {  	[tilespmem:s0+$0x0] =	vst v26;
	v27 =	vld.idx.msk [tilespmem:v29+s29+$0x0], $0xffff  }
0x15c: {  	[tilespmem:s0+$0xFFFFFF00] =	vst v25;
	v25 =	vld.idx.msk [tilespmem:v30+s29+$0x0], $0xffff  }
0x15d: {  	v28 =	vor.u32 v18, v35;
	v26 =	vld.idx.msk [tilespmem:v31+s29+$0x0], $0xffff  }
0x15e: {  	v29 =	vor.u32 v18, v33  }
0x15f: {  	s24 =	simm.s32 $0x4;
	v30 =	vor.u32 v18, v34;
	v24 =	vmul.f32 $8.000000000e+00, v24  }
0x160: {  	v44 =	vmov s24;
	v31 =	vor.u32 v18, v32;
	v27 =	vmul.f32 $8.000000000e+00, v27  }
0x161: {  	v25 =	vmul.f32 $8.000000000e+00, v25;
	[tilespmem:s0+$0x90] =	vst v24;
	v24 =	vand.u32 $0x3C, v44  }
0x162: {  	v26 =	vmul.f32 $8.000000000e+00, v26;
	[tilespmem:s0+$0xFFFFFF90] =	vst v27;
	v27 =	vld.idx.msk [tilespmem:v28+s29+$0x0], $0xffff;
	v24 =	vbroadcast v24, $0x0  }
0x163: {  	s25 =	simm.s32 $0x5;
	v28 =	vld.idx.msk [tilespmem:v29+s29+$0x0], $0xffff;
	[tilespmem:s0+$0x10] =	vst v25  }
0x164: {  	s24 =	simm.s32 $0x6;
	v25 =	vmov s25;
	s25 =	simm.s32 $0x7;
	[tilespmem:s0+$0xFFFFFF10] =	vst v26;
	v26 =	vld.idx.msk [tilespmem:v30+s29+$0x0], $0xffff;
	v45 =	vor.u32 v11, v24  }
0x165: {  	v47 =	vmov s24;
	v46 =	vor.u32 v19, v35;
	v29 =	vmov s25;
	v31 =	vld.idx.msk [tilespmem:v31+s29+$0x0], $0xffff  }
0x166: {  	v48 =	vor.u32 v19, v33;
	v49 =	vor.u32 v19, v34;
	v29 =	vand.u32 $0x3F, v29  }
0x167: {  	v25 =	vand.u32 $0x3D, v25;
	v30 =	vbroadcast v29, $0x0;
	v27 =	vmul.f32 $8.000000000e+00, v27  }
0x168: {  	v50 =	vor.u32 v19, v32;
	v29 =	vbroadcast v25, $0x0;
	v28 =	vmul.f32 $8.000000000e+00, v28  }
0x169: {  	v25 =	vand.u32 $0x3E, v47;
	v26 =	vmul.f32 $8.000000000e+00, v26;
	[tilespmem:s0+$0xA0] =	vst v27;
	v56 =	vld.idx.msk [tilespmem:v45+s29+$0x0], $0xffff  }
0x16a: {  	v51 =	vor.u32 v11, v29;
	v27 =	vbroadcast v25, $0x0;
	v31 =	vmul.f32 $8.000000000e+00, v31;
	[tilespmem:s0+$0xFFFFFFA0] =	vst v28;
	v28 =	vld.idx.msk [tilespmem:v46+s29+$0x0], $0xffff  }
0x16b: {  	v25 =	vor.u32 v11, v30;
	v52 =	vld.idx.msk [tilespmem:v48+s29+$0x0], $0xffff;
	[tilespmem:s0+$0x20] =	vst v26  }
0x16c: {  	v26 =	vor.u32 v11, v27;
	[tilespmem:s0+$0xFFFFFF20] =	vst v31;
	v31 =	vld.idx.msk [tilespmem:v49+s29+$0x0], $0xffff  }
0x16d: {  	v53 =	vld.idx.msk [tilespmem:v50+s29+$0x0], $0xffff;
	v50 =	vor.u32 v17, v24  }
0x16e: {  	s24 =	simm.s32 $0x8;
	v55 =	vor.u32 v20, v35  }
0x16f: {  	v54 =	vmov s24;
	v58 =	vor.u32 v20, v33;
	v37 =	vld.idx.msk [tilespmem:v51+s29+$0x0], $0xffff;
	v42 =	vmul.f32 $8.000000000e+00, v56  }
0x170: {  	s1 =	simm.s32 $0xC800;
	v57 =	vand.u32 $0x3C, v54;
	v60 =	vor.u32 v20, v34;
	v59 =	vld.idx.msk [tilespmem:v25+s29+$0x0], $0xffff;
	v28 =	vmul.f32 $8.000000000e+00, v28  }
0x171: {  	v61 =	vor.u32 v20, v32;
	v25 =	vbroadcast v57, $0x0;
	v38 =	vmul.f32 $8.000000000e+00, v52;
	v26 =	vld.idx.msk [tilespmem:v26+s29+$0x0], $0xffff;
	[tilespmem:s1+$0xFFFFFF00] =	vst v42  }
0x172: {  	v48 =	vor.u32 v17, v29;
	v31 =	vmul.f32 $8.000000000e+00, v31;
	[tilespmem:s0+$0xB0] =	vst v28;
	v46 =	vld.idx.msk [tilespmem:v50+s29+$0x0], $0xffff  }
0x173: {  	v62 =	vor.u32 v11, v25;
	v39 =	vmul.f32 $8.000000000e+00, v53;
	[tilespmem:s0+$0xFFFFFFB0] =	vst v38;
	v63 =	vld.idx.msk [tilespmem:v55+s29+$0x0], $0xffff  }
0x174: {  	v28 =	vor.u32 v17, v30;
	v37 =	vmul.f32 $8.000000000e+00, v37;
	v40 =	vld.idx.msk [tilespmem:v58+s29+$0x0], $0xffff;
	[tilespmem:s0+$0x30] =	vst v31  }
0x175: {  	v31 =	vor.u32 v17, v27;
	[tilespmem:s0+$0xFFFFFF30] =	vst v39;
	v49 =	vld.idx.msk [tilespmem:v60+s29+$0x0], $0xffff  }
0x176: {  	v53 =	vor.u32 v21, v35;
	v43 =	vmul.f32 $8.000000000e+00, v59;
	[tilespmem:s1+$0xFFFFFF80] =	vst v37;
	v44 =	vld.idx.msk [tilespmem:v61+s29+$0x0], $0xffff  }
0x177: {  	v54 =	vor.u32 v21, v33;
	s25 =	simm.s32 $0x9;
	v41 =	vld.idx.msk [tilespmem:v48+s29+$0x0], $0xffff;
	v52 =	vmul.f32 $8.000000000e+00, v26  }
0x178: {  	v51 =	vmov s25;
	v55 =	vor.u32 v21, v34;
	v36 =	vld.idx.msk [tilespmem:v62+s29+$0x0], $0xffff;
	[tilespmem:s1+$0x80] =	vst v43;
	v38 =	vmul.f32 $8.000000000e+00, v63  }
0x179: {  	v56 =	vor.u32 v21, v32;
	v26 =	vand.u32 $0x3D, v51;
	v28 =	vld.idx.msk [tilespmem:v28+s29+$0x0], $0xffff;
	[tilespmem:s1+$0x0] =	vst v52;
	v40 =	vmul.f32 $8.000000000e+00, v40  }
0x17a: {  	v60 =	vor.u32 v18, v29;
	v26 =	vbroadcast v26, $0x0;
	v31 =	vld.idx.msk [tilespmem:v31+s29+$0x0], $0xffff;
	v39 =	vmul.f32 $8.000000000e+00, v49;
	[tilespmem:s0+$0xC0] =	vst v38  }
0x17b: {  	v63 =	vor.u32 v18, v24;
	v44 =	vmul.f32 $8.000000000e+00, v44;
	[tilespmem:s0+$0xFFFFFFC0] =	vst v40;
	v59 =	vld.idx.msk [tilespmem:v53+s29+$0x0], $0xffff  }
0x17c: {  	v57 =	vor.u32 v11, v26;
	v41 =	vmul.f32 $8.000000000e+00, v41;
	v37 =	vld.idx.msk [tilespmem:v54+s29+$0x0], $0xffff;
	[tilespmem:s0+$0x40] =	vst v39  }
0x17d: {  	v58 =	vor.u32 v18, v30;
	v46 =	vmul.f32 $8.000000000e+00, v46;
	[tilespmem:s0+$0xFFFFFF40] =	vst v44;
	v62 =	vld.idx.msk [tilespmem:v55+s29+$0x0], $0xffff  }
0x17e: {  	v61 =	vor.u32 v18, v27;
	v28 =	vmul.f32 $8.000000000e+00, v28;
	[tilespmem:s1+$0xFFFFFF90] =	vst v41;
	v42 =	vld.idx.msk [tilespmem:v56+s29+$0x0], $0xffff  }
0x17f: {  	[tilespmem:s1+$0xFFFFFF10] =	vst v46;
	v53 =	vor.u32 v22, v35;
	v43 =	vld.idx.msk [tilespmem:v60+s29+$0x0], $0xffff;
	v31 =	vmul.f32 $8.000000000e+00, v31  }
0x180: {  	s25 =	simm.s32 $0xA;
	v54 =	vor.u32 v22, v33;
	v45 =	vld.idx.msk [tilespmem:v63+s29+$0x0], $0xffff;
	[tilespmem:s1+$0x90] =	vst v28  }
0x181: {  	v52 =	vmov s25;
	v47 =	vld.idx.msk [tilespmem:v57+s29+$0x0], $0xffff;
	[tilespmem:s1+$0x10] =	vst v31;
	v31 =	vor.u32 v22, v34;
	v40 =	vmul.f32 $8.000000000e+00, v59  }
0x182: {  	v55 =	vor.u32 v22, v32;
	v28 =	vand.u32 $0x3E, v52;
	v38 =	vld.idx.msk [tilespmem:v58+s29+$0x0], $0xffff;
	v37 =	vmul.f32 $8.000000000e+00, v37  }
0x183: {  	v60 =	vor.u32 v19, v29;
	v28 =	vbroadcast v28, $0x0;
	v39 =	vld.idx.msk [tilespmem:v61+s29+$0x0], $0xffff;
	v44 =	vmul.f32 $8.000000000e+00, v62;
	[tilespmem:s0+$0xD0] =	vst v40  }
0x184: {  	v52 =	vor.u32 v19, v24;
	v42 =	vmul.f32 $8.000000000e+00, v42;
	[tilespmem:s0+$0xFFFFFFD0] =	vst v37;
	v58 =	vld.idx.msk [tilespmem:v53+s29+$0x0], $0xffff  }
0x185: {  	s25 =	simm.s32 $0xB;
	v56 =	vor.u32 v11, v28;
	v43 =	vmul.f32 $8.000000000e+00, v43;
	v41 =	vld.idx.msk [tilespmem:v54+s29+$0x0], $0xffff;
	[tilespmem:s0+$0x50] =	vst v44  }
0x186: {  	v57 =	vor.u32 v19, v30;
	v59 =	vmov s25;
	v45 =	vmul.f32 $8.000000000e+00, v45;
	[tilespmem:s0+$0xFFFFFF50] =	vst v42;
	v63 =	vld.idx.msk [tilespmem:v31+s29+$0x0], $0xffff  }
0x187: {  	v61 =	vand.u32 $0x3F, v59;
	v62 =	vor.u32 v19, v27;
	[tilespmem:s1+$0xFFFFFFA0] =	vst v43;
	v46 =	vld.idx.msk [tilespmem:v55+s29+$0x0], $0xffff  }
0x188: {  	v35 =	vor.u32 v23, v35;
	v38 =	vmul.f32 $8.000000000e+00, v38;
	[tilespmem:s1+$0xFFFFFF20] =	vst v45;
	v31 =	vbroadcast v61, $0x0;
	v43 =	vld.idx.msk [tilespmem:v60+s29+$0x0], $0xffff  }
0x189: {  	v33 =	vor.u32 v23, v33;
	v44 =	vld.idx.msk [tilespmem:v52+s29+$0x0], $0xffff;
	v39 =	vmul.f32 $8.000000000e+00, v39  }
0x18a: {  	v48 =	vld.idx.msk [tilespmem:v56+s29+$0x0], $0xffff;
	[tilespmem:s1+$0xA0] =	vst v38;
	v53 =	vor.u32 v11, v31;
	v37 =	vmul.f32 $8.000000000e+00, v58  }
0x18b: {  	v34 =	vor.u32 v23, v34;
	v40 =	vld.idx.msk [tilespmem:v57+s29+$0x0], $0xffff;
	[tilespmem:s1+$0x20] =	vst v39;
	v41 =	vmul.f32 $8.000000000e+00, v41  }
0x18c: {  	v58 =	vor.u32 v20, v29;
	v39 =	vld.idx.msk [tilespmem:v62+s29+$0x0], $0xffff;
	[tilespmem:s0+$0xE0] =	vst v37;
	v55 =	vmul.f32 $8.000000000e+00, v63  }
0x18d: {  	v54 =	vor.u32 v23, v32;
	v46 =	vmul.f32 $8.000000000e+00, v46;
	[tilespmem:s0+$0xFFFFFFE0] =	vst v41;
	v35 =	vld.idx.msk [tilespmem:v35+s29+$0x0], $0xffff  }
0x18e: {  	v60 =	vor.u32 v20, v24;
	v43 =	vmul.f32 $8.000000000e+00, v43;
	v49 =	vld.idx.msk [tilespmem:v33+s29+$0x0], $0xffff;
	[tilespmem:s0+$0x60] =	vst v55  }
0x18f: {  	v57 =	vor.u32 v20, v30;
	v44 =	vmul.f32 $8.000000000e+00, v44;
	v38 =	vld.idx.msk [tilespmem:v53+s29+$0x0], $0xffff;
	[tilespmem:s0+$0xFFFFFF60] =	vst v46  }
0x190: {  	s25 =	simm.s32 $0xC;
	v52 =	vor.u32 v17, v28;
	v40 =	vmul.f32 $8.000000000e+00, v40;
	[tilespmem:s1+$0xFFFFFFB0] =	vst v43;
	v34 =	vld.idx.msk [tilespmem:v34+s29+$0x0], $0xffff  }
0x191: {  	v36 =	vmul.f32 $8.000000000e+00, v36;
	v59 =	vor.u32 v20, v27;
	v56 =	vmov s25;
	[tilespmem:s1+$0xFFFFFF30] =	vst v44;
	v41 =	vld.idx.msk [tilespmem:v58+s29+$0x0], $0xffff  }
0x192: {  	s25 =	simm.s32 $0xCA00;
	v37 =	vand.u32 $0x3C, v56;
	v63 =	vor.u32 v17, v26;
	v56 =	vmul.f32 $8.000000000e+00, v48;
	[tilespmem:s1+$0xB0] =	vst v40;
	v40 =	vld.idx.msk [tilespmem:v54+s29+$0x0], $0xffff  }
0x193: {  	[tilespmem:s25+$0xFFFFFF00] =	vst v36;
	v32 =	vbroadcast v37, $0x0;
	v53 =	vor.u32 v17, v25;
	v39 =	vmul.f32 $8.000000000e+00, v39;
	v54 =	vld.idx.msk [tilespmem:v60+s29+$0x0], $0xffff  }
0x194: {  	v47 =	vmul.f32 $8.000000000e+00, v47;
	v62 =	vor.u32 v17, v31;
	[tilespmem:s25+$0x0] =	vst v56;
	v42 =	vld.idx.msk [tilespmem:v57+s29+$0x0], $0xffff  }
0x195: {  	v61 =	vor.u32 v11, v32;
	v36 =	vld.idx.msk [tilespmem:v52+s29+$0x0], $0xffff;
	[tilespmem:s1+$0x30] =	vst v39  }
0x196: {  	s24 =	simm.s32 $0xD;
	[tilespmem:s25+$0xFFFFFF80] =	vst v47;
	v58 =	vor.u32 v21, v29;
	v38 =	vmul.f32 $8.000000000e+00, v38;
	v37 =	vld.idx.msk [tilespmem:v59+s29+$0x0], $0xffff  }
0x197: {  	v55 =	vmov s24;
	v57 =	vor.u32 v21, v30;
	v43 =	vld.idx.msk [tilespmem:v63+s29+$0x0], $0xffff;
	v35 =	vmul.f32 $8.000000000e+00, v35  }
0x198: {  	v33 =	vand.u32 $0x3D, v55;
	v60 =	vor.u32 v21, v24;
	v44 =	vld.idx.msk [tilespmem:v53+s29+$0x0], $0xffff;
	v41 =	vmul.f32 $8.000000000e+00, v41;
	[tilespmem:s25+$0x80] =	vst v38  }
0x199: {  	v33 =	vbroadcast v33, $0x0;
	v59 =	vor.u32 v21, v27;
	[tilespmem:s0+$0xF0] =	vst v35;
	v45 =	vld.idx.msk [tilespmem:v62+s29+$0x0], $0xffff;
	v42 =	vmul.f32 $8.000000000e+00, v42  }
0x19a: {  	v63 =	vor.u32 v18, v28;
	v35 =	vld.idx.msk [tilespmem:v61+s29+$0x0], $0xffff;
	v50 =	vmul.f32 $8.000000000e+00, v54;
	[tilespmem:s1+$0xFFFFFFC0] =	vst v41  }
0x19b: {  	v61 =	vor.u32 v11, v33;
	v47 =	vld.idx.msk [tilespmem:v58+s29+$0x0], $0xffff;
	v37 =	vmul.f32 $8.000000000e+00, v37;
	[tilespmem:s1+$0xC0] =	vst v42  }
0x19c: {  	v36 =	vmul.f32 $8.000000000e+00, v36;
	[tilespmem:s1+$0xFFFFFF40] =	vst v50;
	v42 =	vor.u32 v18, v31;
	v41 =	vld.idx.msk [tilespmem:v57+s29+$0x0], $0xffff  }
0x19d: {  	v62 =	vmul.f32 $8.000000000e+00, v49;
	v49 =	vor.u32 v18, v26;
	v58 =	vld.idx.msk [tilespmem:v60+s29+$0x0], $0xffff;
	[tilespmem:s1+$0x40] =	vst v37  }
0x19e: {  	s24 =	simm.s32 $0xE;
	v39 =	vmul.f32 $8.000000000e+00, v34;
	[tilespmem:s25+$0x10] =	vst v36;
	v57 =	vor.u32 v18, v25;
	v45 =	vmul.f32 $8.000000000e+00, v45;
	v56 =	vld.idx.msk [tilespmem:v59+s29+$0x0], $0xffff  }
0x19f: {  	v43 =	vmul.f32 $8.000000000e+00, v43;
	[tilespmem:s0+$0xFFFFFFF0] =	vst v62;
	v60 =	vor.u32 v22, v30;
	v46 =	vld.idx.msk [tilespmem:v63+s29+$0x0], $0xffff;
	v59 =	vmov s24  }
0x1a0: {  	v62 =	vmul.f32 $8.000000000e+00, v44;
	v44 =	vor.u32 v22, v29;
	v38 =	vld.idx.msk [tilespmem:v61+s29+$0x0], $0xffff;
	v61 =	vand.u32 $0x3E, v59;
	[tilespmem:s25+$0x90] =	vst v45  }
0x1a1: {  	[tilespmem:s25+$0xFFFFFF90] =	vst v43;
	v34 =	vbroadcast v61, $0x0;
	v45 =	vld.idx.msk [tilespmem:v42+s29+$0x0], $0xffff;
	v53 =	vmul.f32 $8.000000000e+00, v41;
	v41 =	vor.u32 v22, v27  }
0x1a2: {  	[tilespmem:s25+$0xFFFFFF10] =	vst v62;
	v43 =	vld.idx.msk [tilespmem:v49+s29+$0x0], $0xffff;
	v63 =	vmul.f32 $8.000000000e+00, v47;
	v42 =	vor.u32 v22, v24  }
0x1a3: {  	v47 =	vld.idx.msk [tilespmem:v57+s29+$0x0], $0xffff;
	v49 =	vor.u32 v11, v34;
	[tilespmem:s1+$0xD0] =	vst v53;
	v50 =	vmul.f32 $8.000000000e+00, v56  }
0x1a4: {  	s28 =	simm.s32 $0x10;
	v36 =	vmul.f32 $8.000000000e+00, v40;
	v40 =	vor.u32 v19, v31;
	s24 =	simm.s32 $0xF;
	v51 =	vmul.f32 $8.000000000e+00, v58;
	[tilespmem:s1+$0xFFFFFFD0] =	vst v63;
	v48 =	vld.idx.msk [tilespmem:v60+s29+$0x0], $0xffff  }
.LBB2_5:
0x1a5: {  	p1 =	slt.u32 s28, $0x3C;
	v37 =	vmov s24;
	v52 =	vor.u32 v19, v26;
	v44 =	vld.idx.msk [tilespmem:v44+s29+$0x0], $0xffff;
	[tilespmem:s1+$0x50] =	vst v50  }
0x1a6: {  	v50 =	vor.u32 v19, v28;
	v45 =	vmul.f32 $8.000000000e+00, v45;
	v37 =	vand.u32 $0x3F, v37;
	[tilespmem:s1+$0xFFFFFF50] =	vst v51;
	v41 =	vld.idx.msk [tilespmem:v41+s29+$0x0], $0xffff  }
0x1a7: {  	v51 =	vor.u32 v19, v25;
	v43 =	vmul.f32 $8.000000000e+00, v43;
	v37 =	vbroadcast v37, $0x0;
	v42 =	vld.idx.msk [tilespmem:v42+s29+$0x0], $0xffff;
	[tilespmem:s0+$0x70] =	vst v39  }
0x1a8: {  	v46 =	vmul.f32 $8.000000000e+00, v46;
	v39 =	vld.idx.msk [tilespmem:v49+s29+$0x0], $0xffff;
	[tilespmem:s25+$0xA0] =	vst v45;
	v45 =	vor.u32 v23, v30;
	v30 =	vmov v31  }
0x1a9: {  	v47 =	vmul.f32 $8.000000000e+00, v47;
	v49 =	vor.u32 v11, v37;
	[tilespmem:s25+$0xFFFFFFA0] =	vst v43;
	v40 =	vld.idx.msk [tilespmem:v40+s29+$0x0], $0xffff;
	v31 =	vmov v37  }
0x1aa: {  	v43 =	vor.u32 v23, v29;
	v29 =	vmovc v26;
	v26 =	vmov v33;
	v37 =	vld.idx.msk [tilespmem:v52+s29+$0x0], $0xffff;
	[tilespmem:s25+$0x20] =	vst v46;
	v46 =	vmul.f32 $8.000000000e+00, v48  }
0x1ab: {  	v44 =	vmul.f32 $8.000000000e+00, v44;
	[tilespmem:s25+$0xFFFFFF20] =	vst v47;
	v33 =	vld.idx.msk [tilespmem:v50+s29+$0x0], $0xffff;
	v47 =	vor.u32 v23, v27;
	v27 =	vmovc v28;
	v28 =	vmov v34  }
0x1ac: {  	v48 =	vor.u32 v23, v24;
	v24 =	vmovc v25;
	v25 =	vmov v32;
	v41 =	vmul.f32 $8.000000000e+00, v41;
	v34 =	vld.idx.msk [tilespmem:v51+s29+$0x0], $0xffff;
	[tilespmem:s1+$0xE0] =	vst v46  }
0x1ad: {  	v32 =	vmov s28;
	v46 =	vor.u32 v20, v30;
	v42 =	vmul.f32 $8.000000000e+00, v42;
	[tilespmem:s1+$0xFFFFFFE0] =	vst v44;
	v44 =	vld.idx.msk [tilespmem:v45+s29+$0x0], $0xffff  }
0x1ae: {  	v32 =	vand.u32 $0x3C, v32;
	v45 =	vld.idx.msk [tilespmem:v49+s29+$0x0], $0xffff;
	v49 =	vor.u32 v20, v29;
	[tilespmem:s1+$0x60] =	vst v41  }
0x1af: {  	v32 =	vbroadcast v32, $0x0;
	v41 =	vor.u32 v20, v27;
	v40 =	vmul.f32 $8.000000000e+00, v40;
	[tilespmem:s1+$0xFFFFFF60] =	vst v42;
	v42 =	vld.idx.msk [tilespmem:v43+s29+$0x0], $0xffff  }
0x1b0: {  	v43 =	vor.u32 v20, v24;
	v37 =	vmul.f32 $8.000000000e+00, v37;
	v47 =	vld.idx.msk [tilespmem:v47+s29+$0x0], $0xffff;
	[tilespmem:s0+$0xFFFFFF70] =	vst v36;
	s0 =	smov.u32 s1;
	s1 =	smov.u32 s25  }
0x1b1: {  	v36 =	vor.u32 v11, v32;
	v33 =	vmul.f32 $8.000000000e+00, v33;
	[tilespmem:s25+$0xB0] =	vst v40;
	v40 =	vld.idx.msk [tilespmem:v48+s29+$0x0], $0xffff  }
0x1b2: {  	s24 =	sadd.s32 $0x1, s28;
	v48 =	vor.u32 v17, v31;
	v34 =	vmul.f32 $8.000000000e+00, v34;
	[tilespmem:s25+$0xFFFFFFB0] =	vst v37;
	v37 =	vld.idx.msk [tilespmem:v46+s29+$0x0], $0xffff  }
0x1b3: {  	v50 =	vor.u32 v17, v26;
	v46 =	vmov s24;
	v49 =	vld.idx.msk [tilespmem:v49+s29+$0x0], $0xffff;
	[tilespmem:s25+$0x30] =	vst v33;
	v33 =	vmul.f32 $8.000000000e+00, v44  }
0x1b4: {  	v44 =	vand.u32 $0x3D, v46;
	v46 =	vor.u32 v17, v28;
	v45 =	vmul.f32 $8.000000000e+00, v45;
	[tilespmem:s25+$0xFFFFFF30] =	vst v34;
	v34 =	vld.idx.msk [tilespmem:v41+s29+$0x0], $0xffff  }
0x1b5: {  	v38 =	vmul.f32 $8.000000000e+00, v38;
	v41 =	vor.u32 v17, v25;
	s25 =	sadd.s32 $0x200, s25;
	v42 =	vmul.f32 $8.000000000e+00, v42;
	v43 =	vld.idx.msk [tilespmem:v43+s29+$0x0], $0xffff;
	[tilespmem:s0+$0xF0] =	vst v33  }
0x1b6: {  	v52 =	vmul.f32 $8.000000000e+00, v39;
	v39 =	vmul.f32 $8.000000000e+00, v47;
	v51 =	vld.idx.msk [tilespmem:v36+s29+$0x0], $0xffff;
	[tilespmem:s25+$0x80] =	vst v45;
	v45 =	vor.u32 v21, v30  }
0x1b7: {  	v35 =	vmul.f32 $8.000000000e+00, v35;
	v47 =	vor.u32 v21, v29;
	v36 =	vmul.f32 $8.000000000e+00, v40;
	[tilespmem:s25+$0xFFFFFF80] =	vst v38;
	v38 =	vld.idx.msk [tilespmem:v48+s29+$0x0], $0xffff  }
0x1b8: {  	v33 =	vbroadcast v44, $0x0;
	v44 =	vor.u32 v21, v27;
	v37 =	vmul.f32 $8.000000000e+00, v37;
	v40 =	vld.idx.msk [tilespmem:v50+s29+$0x0], $0xffff;
	[tilespmem:s25+$0x0] =	vst v52  }
0x1b9: {  	v48 =	vor.u32 v21, v24;
	v53 =	vmul.f32 $8.000000000e+00, v49;
	[tilespmem:s25+$0xFFFFFF00] =	vst v35;
	v46 =	vld.idx.msk [tilespmem:v46+s29+$0x0], $0xffff  }
0x1ba: {  	v49 =	vor.u32 v11, v33;
	v34 =	vmul.f32 $8.000000000e+00, v34;
	v41 =	vld.idx.msk [tilespmem:v41+s29+$0x0], $0xffff;
	[tilespmem:s1+$0xC0] =	vst v37  }
0x1bb: {  	v37 =	vor.u32 v18, v31;
	v43 =	vmul.f32 $8.000000000e+00, v43;
	[tilespmem:s1+$0xFFFFFFC0] =	vst v53;
	v50 =	vld.idx.msk [tilespmem:v45+s29+$0x0], $0xffff  }
0x1bc: {  	v52 =	vor.u32 v18, v26;
	v35 =	vmov v51;
	v47 =	vld.idx.msk [tilespmem:v47+s29+$0x0], $0xffff;
	[tilespmem:s1+$0x40] =	vst v34  }
0x1bd: {  	v51 =	vor.u32 v18, v28;
	v34 =	vmul.f32 $8.000000000e+00, v38;
	[tilespmem:s1+$0xFFFFFF40] =	vst v43;
	v53 =	vld.idx.msk [tilespmem:v44+s29+$0x0], $0xffff  }
0x1be: {  	v54 =	vor.u32 v18, v25;
	s24 =	sadd.s32 $0x2, s28;
	v40 =	vmul.f32 $8.000000000e+00, v40;
	v48 =	vld.idx.msk [tilespmem:v48+s29+$0x0], $0xffff;
	[tilespmem:s0+$0xFFFFFFF0] =	vst v42  }
0x1bf: {  	v55 =	vor.u32 v22, v30;
	v42 =	vmov s24;
	v46 =	vmul.f32 $8.000000000e+00, v46;
	v38 =	vld.idx.msk [tilespmem:v49+s29+$0x0], $0xffff;
	[tilespmem:s25+$0x90] =	vst v34  }
.Ltmp1:
0x1c0: {  	v44 =	vor.u32 v22, v29;
	v34 =	vand.u32 $0x3E, v42;
	v42 =	vmul.f32 $8.000000000e+00, v41;
	[tilespmem:s25+$0xFFFFFF90] =	vst v40;
	v45 =	vld.idx.msk [tilespmem:v37+s29+$0x0], $0xffff;
	(pc) =	sbr.rel @p1 .LBB2_5-.Ltmp1, $4  }
0x1c1: {  	v41 =	vor.u32 v22, v27;
	v34 =	vbroadcast v34, $0x0;
	v37 =	vmul.f32 $8.000000000e+00, v50;
	v43 =	vld.idx.msk [tilespmem:v52+s29+$0x0], $0xffff;
	[tilespmem:s25+$0x10] =	vst v46  }
0x1c2: {  	v52 =	vmul.f32 $8.000000000e+00, v47;
	[tilespmem:s25+$0xFFFFFF10] =	vst v42;
	v46 =	vld.idx.msk [tilespmem:v51+s29+$0x0], $0xffff;
	v42 =	vor.u32 v22, v24  }
0x1c3: {  	v49 =	vor.u32 v11, v34;
	v50 =	vmul.f32 $8.000000000e+00, v53;
	v47 =	vld.idx.msk [tilespmem:v54+s29+$0x0], $0xffff;
	[tilespmem:s1+$0xD0] =	vst v37  }
0x1c4: {  	s24 =	sadd.s32 $0x3, s28;
	s28 =	sadd.s32 $0x4, s28;
	v40 =	vor.u32 v19, v31;
	v51 =	vmul.f32 $8.000000000e+00, v48;
	[tilespmem:s1+$0xFFFFFFD0] =	vst v52;
	v48 =	vld.idx.msk [tilespmem:v55+s29+$0x0], $0xffff  }
0x1c5: {  	v37 =	vmov s24  }
0x1c6: {  	v37 =	vand.u32 $0x3F, v37  }
0x1c7: {  	v37 =	vbroadcast v37, $0x0;
	_ =	sdelay $0x1  }
0x1c8: {  	v52 =	vor.u32 v11, v37;
	_ =	sdelay $0x1  }
0x1c9: {  	[tilespmem:s1+$0x50] =	vst v50  }
0x1ca: {  	[tilespmem:s0+$0x70] =	vst v39  }
0x1cb: {  	v45 =	vmul.f32 $8.000000000e+00, v45;
	[tilespmem:s0+$0xFFFFFF70] =	vst v36  }
0x1cc: {  	v59 =	vor.u32 v17, v32;
	v38 =	vmul.f32 $8.000000000e+00, v38;
	[tilespmem:s1+$0xFFFFFF50] =	vst v51;
	v63 =	vld.idx.msk [tilespmem:v52+s29+$0x0], $0xffff  }
0x1cd: {  	v56 =	vor.u32 v17, v33;
	s28 =	sadd.s32 $0x200, s25;
	v35 =	vmul.f32 $8.000000000e+00, v35;
	[tilespmem:s25+$0xA0] =	vst v45;
	v52 =	vld.idx.msk [tilespmem:v49+s29+$0x0], $0xffff  }
0x1ce: {  	v44 =	vld.idx.msk [tilespmem:v44+s29+$0x0], $0xffff;
	v43 =	vmul.f32 $8.000000000e+00, v43;
	[tilespmem:s28+$0xFFFFFF80] =	vst v38  }
0x1cf: {  	v41 =	vld.idx.msk [tilespmem:v41+s29+$0x0], $0xffff;
	v46 =	vmul.f32 $8.000000000e+00, v46;
	[tilespmem:s28+$0xFFFFFF00] =	vst v35;
	v54 =	vor.u32 v17, v37  }
0x1d0: {  	v57 =	vor.u32 v17, v34;
	v42 =	vld.idx.msk [tilespmem:v42+s29+$0x0], $0xffff;
	[tilespmem:s25+$0xFFFFFFA0] =	vst v43;
	v55 =	vmul.f32 $8.000000000e+00, v48  }
0x1d1: {  	v60 =	vor.u32 v19, v26;
	[tilespmem:s25+$0x20] =	vst v46;
	v50 =	vld.idx.msk [tilespmem:v59+s29+$0x0], $0xffff;
	v58 =	vmul.f32 $8.000000000e+00, v63  }
0x1d2: {  	v62 =	vor.u32 v19, v28;
	v53 =	vmul.f32 $8.000000000e+00, v47;
	v47 =	vld.idx.msk [tilespmem:v56+s29+$0x0], $0xffff;
	[tilespmem:s1+$0xE0] =	vst v55;
	v39 =	vmul.f32 $8.000000000e+00, v52  }
0x1d3: {  	v30 =	vor.u32 v23, v30;
	v40 =	vld.idx.msk [tilespmem:v40+s29+$0x0], $0xffff;
	[tilespmem:s28+$0x80] =	vst v58  }
0x1d4: {  	v44 =	vmul.f32 $8.000000000e+00, v44;
	v55 =	vor.u32 v18, v32;
	[tilespmem:s28+$0x0] =	vst v39;
	v61 =	vld.idx.msk [tilespmem:v54+s29+$0x0], $0xffff  }
0x1d5: {  	[tilespmem:s25+$0xFFFFFF20] =	vst v53;
	v41 =	vmul.f32 $8.000000000e+00, v41;
	v52 =	vor.u32 v18, v33;
	v49 =	vld.idx.msk [tilespmem:v57+s29+$0x0], $0xffff  }
0x1d6: {  	v53 =	vld.idx.msk [tilespmem:v60+s29+$0x0], $0xffff;
	[tilespmem:s1+$0xFFFFFFE0] =	vst v44;
	v44 =	vmul.f32 $8.000000000e+00, v50;
	v63 =	vor.u32 v19, v25  }
0x1d7: {  	v51 =	vor.u32 v18, v37;
	v43 =	vld.idx.msk [tilespmem:v62+s29+$0x0], $0xffff;
	[tilespmem:s1+$0x60] =	vst v41;
	v47 =	vmul.f32 $8.000000000e+00, v47  }
0x1d8: {  	v42 =	vmul.f32 $8.000000000e+00, v42;
	v30 =	vld.idx.msk [tilespmem:v30+s29+$0x0], $0xffff;
	[tilespmem:s28+$0xFFFFFF10] =	vst v44;
	v54 =	vor.u32 v18, v34  }
0x1d9: {  	v29 =	vor.u32 v23, v29;
	[tilespmem:s28+$0xFFFFFF90] =	vst v47;
	v36 =	vld.idx.msk [tilespmem:v55+s29+$0x0], $0xffff;
	v38 =	vmul.f32 $8.000000000e+00, v61  }
0x1da: {  	[tilespmem:s1+$0xFFFFFF60] =	vst v42;
	v57 =	vor.u32 v20, v26;
	v41 =	vld.idx.msk [tilespmem:v52+s29+$0x0], $0xffff;
	v35 =	vmul.f32 $8.000000000e+00, v49  }
0x1db: {  	v56 =	vor.u32 v20, v31;
	v40 =	vmul.f32 $8.000000000e+00, v40;
	v39 =	vld.idx.msk [tilespmem:v63+s29+$0x0], $0xffff;
	[tilespmem:s28+$0x90] =	vst v38  }
0x1dc: {  	v46 =	vmul.f32 $8.000000000e+00, v53;
	v58 =	vor.u32 v20, v28;
	[tilespmem:s28+$0x10] =	vst v35;
	v45 =	vld.idx.msk [tilespmem:v51+s29+$0x0], $0xffff  }
0x1dd: {  	v60 =	vor.u32 v19, v33;
	v43 =	vmul.f32 $8.000000000e+00, v43;
	[tilespmem:s25+$0xB0] =	vst v40;
	v42 =	vld.idx.msk [tilespmem:v54+s29+$0x0], $0xffff  }
0x1de: {  	v62 =	vor.u32 v19, v32;
	v29 =	vld.idx.msk [tilespmem:v29+s29+$0x0], $0xffff;
	[tilespmem:s25+$0xFFFFFFB0] =	vst v46;
	v36 =	vmul.f32 $8.000000000e+00, v36  }
0x1df: {  	v59 =	vor.u32 v19, v37;
	[tilespmem:s25+$0x30] =	vst v43;
	v46 =	vld.idx.msk [tilespmem:v57+s29+$0x0], $0xffff;
	v41 =	vmul.f32 $8.000000000e+00, v41  }
0x1e0: {  	[tilespmem:s28+$0xFFFFFF20] =	vst v36;
	v61 =	vor.u32 v19, v34;
	v39 =	vmul.f32 $8.000000000e+00, v39;
	v38 =	vld.idx.msk [tilespmem:v56+s29+$0x0], $0xffff  }
0x1e1: {  	v27 =	vor.u32 v23, v27;
	v35 =	vld.idx.msk [tilespmem:v58+s29+$0x0], $0xffff;
	[tilespmem:s28+$0xFFFFFFA0] =	vst v41;
	v45 =	vmul.f32 $8.000000000e+00, v45  }
0x1e2: {  	v63 =	vor.u32 v20, v25;
	[tilespmem:s25+$0xFFFFFF30] =	vst v39;
	v44 =	vld.idx.msk [tilespmem:v60+s29+$0x0], $0xffff;
	v42 =	vmul.f32 $8.000000000e+00, v42  }
0x1e3: {  	v48 =	vor.u32 v21, v31;
	v30 =	vmul.f32 $8.000000000e+00, v30;
	v39 =	vld.idx.msk [tilespmem:v62+s29+$0x0], $0xffff;
	[tilespmem:s28+$0xA0] =	vst v45  }
0x1e4: {  	v49 =	vor.u32 v21, v26;
	v51 =	vmul.f32 $8.000000000e+00, v46;
	[tilespmem:s28+$0x20] =	vst v42;
	v40 =	vld.idx.msk [tilespmem:v59+s29+$0x0], $0xffff  }
0x1e5: {  	[tilespmem:s1+$0xF0] =	vst v30;
	v54 =	vor.u32 v20, v33;
	v38 =	vmul.f32 $8.000000000e+00, v38;
	v50 =	vld.idx.msk [tilespmem:v61+s29+$0x0], $0xffff  }
0x1e6: {  	v27 =	vld.idx.msk [tilespmem:v27+s29+$0x0], $0xffff;
	v56 =	vor.u32 v20, v32;
	v35 =	vmul.f32 $8.000000000e+00, v35;
	[tilespmem:s25+$0xFFFFFFC0] =	vst v51  }
0x1e7: {  	v52 =	vor.u32 v20, v37;
	v53 =	vld.idx.msk [tilespmem:v63+s29+$0x0], $0xffff;
	[tilespmem:s25+$0xC0] =	vst v38;
	v44 =	vmul.f32 $8.000000000e+00, v44  }
0x1e8: {  	v55 =	vor.u32 v20, v34;
	[tilespmem:s25+$0x40] =	vst v35;
	v39 =	vmul.f32 $8.000000000e+00, v39;
	v41 =	vld.idx.msk [tilespmem:v48+s29+$0x0], $0xffff  }
0x1e9: {  	v24 =	vor.u32 v23, v24;
	v42 =	vld.idx.msk [tilespmem:v49+s29+$0x0], $0xffff;
	[tilespmem:s28+$0xFFFFFFB0] =	vst v44;
	v40 =	vmul.f32 $8.000000000e+00, v40  }
0x1ea: {  	v57 =	vor.u32 v21, v28;
	[tilespmem:s28+$0xFFFFFF30] =	vst v39;
	v38 =	vld.idx.msk [tilespmem:v54+s29+$0x0], $0xffff;
	v36 =	vmul.f32 $8.000000000e+00, v50  }
0x1eb: {  	v29 =	vmul.f32 $8.000000000e+00, v29;
	v58 =	vor.u32 v21, v25;
	v35 =	vld.idx.msk [tilespmem:v56+s29+$0x0], $0xffff;
	[tilespmem:s28+$0xB0] =	vst v40  }
0x1ec: {  	v27 =	vmul.f32 $8.000000000e+00, v27;
	v60 =	vor.u32 v22, v31;
	[tilespmem:s28+$0x30] =	vst v36;
	v43 =	vld.idx.msk [tilespmem:v52+s29+$0x0], $0xffff  }
0x1ed: {  	[tilespmem:s1+$0xFFFFFFF0] =	vst v29;
	v48 =	vor.u32 v21, v33;
	v59 =	vmul.f32 $8.000000000e+00, v53;
	v30 =	vld.idx.msk [tilespmem:v55+s29+$0x0], $0xffff  }
0x1ee: {  	v24 =	vld.idx.msk [tilespmem:v24+s29+$0x0], $0xffff;
	[tilespmem:s1+$0x70] =	vst v27;
	v61 =	vmul.f32 $8.000000000e+00, v41;
	v50 =	vor.u32 v21, v32  }
0x1ef: {  	v62 =	vor.u32 v21, v37;
	v63 =	vld.idx.msk [tilespmem:v57+s29+$0x0], $0xffff;
	[tilespmem:s25+$0xFFFFFF40] =	vst v59;
	v38 =	vmul.f32 $8.000000000e+00, v38  }
0x1f0: {  	v49 =	vor.u32 v21, v34;
	[tilespmem:s25+$0xD0] =	vst v61;
	v35 =	vmul.f32 $8.000000000e+00, v35;
	v40 =	vld.idx.msk [tilespmem:v58+s29+$0x0], $0xffff  }
0x1f1: {  	v51 =	vor.u32 v22, v26;
	v36 =	vld.idx.msk [tilespmem:v60+s29+$0x0], $0xffff;
	[tilespmem:s28+$0xFFFFFFC0] =	vst v38;
	v43 =	vmul.f32 $8.000000000e+00, v43  }
0x1f2: {  	v47 =	vmul.f32 $8.000000000e+00, v42;
	[tilespmem:s28+$0xFFFFFF40] =	vst v35;
	v42 =	vld.idx.msk [tilespmem:v48+s29+$0x0], $0xffff;
	v30 =	vmul.f32 $8.000000000e+00, v30  }
0x1f3: {  	v52 =	vor.u32 v22, v28;
	v29 =	vld.idx.msk [tilespmem:v50+s29+$0x0], $0xffff;
	[tilespmem:s28+$0xC0] =	vst v43  }
0x1f4: {  	v24 =	vmul.f32 $8.000000000e+00, v24;
	v54 =	vor.u32 v22, v25;
	[tilespmem:s28+$0x40] =	vst v30;
	v53 =	vld.idx.msk [tilespmem:v62+s29+$0x0], $0xffff  }
0x1f5: {  	v44 =	vmul.f32 $8.000000000e+00, v63;
	[tilespmem:s25+$0xFFFFFFD0] =	vst v47;
	v60 =	vor.u32 v22, v33;
	v56 =	vld.idx.msk [tilespmem:v49+s29+$0x0], $0xffff  }
0x1f6: {  	[tilespmem:s1+$0xFFFFFF70] =	vst v24;
	v58 =	vld.idx.msk [tilespmem:v51+s29+$0x0], $0xffff;
	v55 =	vmul.f32 $8.000000000e+00, v40;
	v62 =	vor.u32 v22, v32  }
0x1f7: {  	v57 =	vor.u32 v22, v37;
	[tilespmem:s25+$0x50] =	vst v44;
	v42 =	vmul.f32 $8.000000000e+00, v42  }
0x1f8: {  	v61 =	vor.u32 v22, v34;
	[tilespmem:s25+$0xFFFFFF50] =	vst v55;
	v43 =	vld.idx.msk [tilespmem:v52+s29+$0x0], $0xffff;
	v29 =	vmul.f32 $8.000000000e+00, v29  }
0x1f9: {  	v44 =	vor.u32 v23, v26;
	v41 =	vld.idx.msk [tilespmem:v54+s29+$0x0], $0xffff;
	[tilespmem:s28+$0xFFFFFFD0] =	vst v42;
	v38 =	vmul.f32 $8.000000000e+00, v53  }
0x1fa: {  	v63 =	vor.u32 v23, v31;
	v59 =	vmul.f32 $8.000000000e+00, v36;
	[tilespmem:s28+$0xFFFFFF50] =	vst v29;
	v36 =	vld.idx.msk [tilespmem:v60+s29+$0x0], $0xffff;
	v35 =	vmul.f32 $8.000000000e+00, v56  }
0x1fb: {  	v46 =	vor.u32 v23, v28;
	v45 =	vmul.f32 $8.000000000e+00, v58;
	v30 =	vld.idx.msk [tilespmem:v62+s29+$0x0], $0xffff;
	[tilespmem:s28+$0xD0] =	vst v38  }
0x1fc: {  	v47 =	vor.u32 v23, v25;
	[tilespmem:s28+$0x50] =	vst v35;
	v38 =	vld.idx.msk [tilespmem:v57+s29+$0x0], $0xffff  }
0x1fd: {  	v50 =	vor.u32 v23, v33;
	[tilespmem:s25+$0xFFFFFFE0] =	vst v45;
	v48 =	vmul.f32 $8.000000000e+00, v43;
	v27 =	vld.idx.msk [tilespmem:v61+s29+$0x0], $0xffff  }
0x1fe: {  	[tilespmem:s25+$0xE0] =	vst v59;
	v26 =	vld.idx.msk [tilespmem:v44+s29+$0x0], $0xffff;
	v54 =	vor.u32 v23, v32;
	v49 =	vmul.f32 $8.000000000e+00, v41  }
0x1ff: {  	v37 =	vor.u32 v23, v37;
	v31 =	vld.idx.msk [tilespmem:v63+s29+$0x0], $0xffff;
	[tilespmem:s25+$0x60] =	vst v48;
	v53 =	vmul.f32 $8.000000000e+00, v36  }
0x200: {  	v52 =	vor.u32 v23, v34;
	[tilespmem:s25+$0xFFFFFF60] =	vst v49;
	v28 =	vld.idx.msk [tilespmem:v46+s29+$0x0], $0xffff;
	v55 =	vmul.f32 $8.000000000e+00, v30  }
0x201: {  	v25 =	vld.idx.msk [tilespmem:v47+s29+$0x0], $0xffff;
	[tilespmem:s28+$0xFFFFFFE0] =	vst v53;
	v51 =	vmul.f32 $8.000000000e+00, v38  }
0x202: {  	v58 =	vld.idx.msk [tilespmem:v50+s29+$0x0], $0xffff;
	[tilespmem:s28+$0xFFFFFF60] =	vst v55;
	v27 =	vmul.f32 $8.000000000e+00, v27  }
0x203: {  	v26 =	vmul.f32 $8.000000000e+00, v26;
	v60 =	vld.idx.msk [tilespmem:v54+s29+$0x0], $0xffff;
	[tilespmem:s28+$0xE0] =	vst v51  }
0x204: {  	v57 =	vmul.f32 $8.000000000e+00, v31;
	[tilespmem:s28+$0x60] =	vst v27;
	v56 =	vld.idx.msk [tilespmem:v37+s29+$0x0], $0xffff  }
0x205: {  	s0 =	sadd.s32 @!p0 $0x3, s2;
	[tilespmem:s25+$0xFFFFFFF0] =	vst v26;
	v31 =	vlaneseq.u32 @!p0;
	v28 =	vmul.f32 $8.000000000e+00, v28;
	v59 =	vld.idx.msk [tilespmem:v52+s29+$0x0], $0xffff  }
0x206: {  	v26 =	vmov @!p0 s0;
	v31 =	vmul.u32 @!p0 $0xC8, v31;
	[tilespmem:s25+$0xF0] =	vst v57;
	v25 =	vmul.f32 $8.000000000e+00, v25  }
0x207: {  	v26 =	vand.u32 @!p0 $0x1FF, v26;
	[tilespmem:s25+$0x70] =	vst v28;
	v61 =	vmul.f32 $8.000000000e+00, v58  }
0x208: {  	[tilespmem:s25+$0xFFFFFF70] =	vst v25;
	v27 =	vadd.s32 @!p0 v31, v26;
	v63 =	vmul.f32 $8.000000000e+00, v60  }
0x209: {  	[tilespmem:s28+$0xFFFFFFF0] =	vst v61;
	v24 =	vmul.f32 $8.000000000e+00, v56  }
0x20a: {  	[tilespmem:s28+$0xFFFFFF70] =	vst v63;
	v62 =	vmul.f32 $8.000000000e+00, v59  }
0x20b: {  	[tilespmem:s28+$0xF0] =	vst v24  }
0x20c: {  	s0 =	simm.s32 @!p0 $0x0;
	[tilespmem:s28+$0x70] =	vst v62  }
0x20d: {  	v25 =	vadd.s32 @!p0 $0xC80, v31;
	v24 =	vld.idx.msk @!p0 [tilespmem:v27+s0+$0x0], $0xffff  }
0x20e: {  	v25 =	vadd.s32 @!p0 v25, v26;
	_ =	sdelay $0x3  }
0x20f: {  	[tilespmem:$0x6480] =	vst @!p0 v24  }
0x210: {  	v24 =	vld.idx.msk @!p0 [tilespmem:v25+s0+$0x0], $0xffff;
	v25 =	vadd.s32 @!p0 $0x1900, v31  }
0x211: {  	v25 =	vadd.s32 @!p0 v25, v26;
	_ =	sdelay $0x3  }
0x212: {  	[tilespmem:$0x6490] =	vst @!p0 v24  }
0x213: {  	v24 =	vld.idx.msk @!p0 [tilespmem:v25+s0+$0x0], $0xffff;
	v25 =	vadd.s32 @!p0 $0x2580, v31  }
0x214: {  	v25 =	vadd.s32 @!p0 v25, v26;
	_ =	sdelay $0x3  }
0x215: {  	[tilespmem:$0x64A0] =	vst @!p0 v24  }
0x216: {  	v24 =	vld.idx.msk @!p0 [tilespmem:v25+s0+$0x0], $0xffff;
	v25 =	vadd.s32 @!p0 $0x3200, v31  }
0x217: {  	v25 =	vadd.s32 @!p0 v25, v26;
	_ =	sdelay $0x3  }
0x218: {  	[tilespmem:$0x64B0] =	vst @!p0 v24  }
0x219: {  	v24 =	vld.idx.msk @!p0 [tilespmem:v25+s0+$0x0], $0xffff;
	v25 =	vadd.s32 @!p0 $0x3E80, v31  }
0x21a: {  	v25 =	vadd.s32 @!p0 v25, v26;
	_ =	sdelay $0x3  }
0x21b: {  	[tilespmem:$0x64C0] =	vst @!p0 v24  }
0x21c: {  	v24 =	vld.idx.msk @!p0 [tilespmem:v25+s0+$0x0], $0xffff;
	v25 =	vadd.s32 @!p0 $0x4B00, v31  }
0x21d: {  	v25 =	vadd.s32 @!p0 v25, v26;
	_ =	sdelay $0x3  }
0x21e: {  	[tilespmem:$0x64D0] =	vst @!p0 v24  }
0x21f: {  	v24 =	vld.idx.msk @!p0 [tilespmem:v25+s0+$0x0], $0xffff;
	v25 =	vadd.s32 @!p0 $0x5780, v31  }
0x220: {  	v25 =	vadd.s32 @!p0 v25, v26;
	_ =	sdelay $0x3  }
0x221: {  	[tilespmem:$0x64E0] =	vst @!p0 v24  }
0x222: {  	v24 =	vld.idx.msk @!p0 [tilespmem:v25+s0+$0x0], $0xffff;
	_ =	sdelay $0x4  }
0x223: {  	s2 =	simm.s32 @!p0 $0x8500;
	s1 =	simm.s32 @!p0 $0x6480;
	s0 =	simm.s32 @!p0 $0x80;
	[tilespmem:$0x64F0] =	vst @!p0 v24  }
0x224: {  	[tilespmem:s2], [sflag:$0x2] =	stream.indirect.gather @!p0 [hbm4b:s4+s0], $0x40, s1, s0, $0xb8;
	[tilespmem:$0xE500] =	vst v63  }
0x225: {  	s25 =	sadd.s32 s31, s14;
	s28 =	simm.s32 $0xC500  }
0x226: {  	[hbm4b:s25+s3] =	stream.linear.scatter [tilespmem:s28], [sflag:$0x4], $0x400, $0x38;
	[tilespmem:$0xE500] =	vst v63  }
0x227: {  	s24 =	simm.s32 $0xC900;
	s2 =	sadd.s32 s31, s15  }
0x228: {  	[hbm4b:s2+s3] =	stream.linear.scatter [tilespmem:s24], [sflag:$0x4], $0x400, $0x38;
	[tilespmem:$0xE500] =	vst v63  }
0x229: {  	s25 =	sadd.s32 s31, s16;
	s28 =	simm.s32 $0xCD00  }
0x22a: {  	[hbm4b:s25+s3] =	stream.linear.scatter [tilespmem:s28], [sflag:$0x4], $0x400, $0x38;
	[tilespmem:$0xE500] =	vst v63  }
0x22b: {  	s2 =	sadd.s32 s31, s17;
	s24 =	simm.s32 $0xD100  }
0x22c: {  	[hbm4b:s2+s3] =	stream.linear.scatter [tilespmem:s24], [sflag:$0x4], $0x400, $0x38;
	[tilespmem:$0xE500] =	vst v63  }
0x22d: {  	s22 =	sadd.s32 $0x1, s22;
	s25 =	sadd.s32 s31, s18;
	s28 =	simm.s32 $0xD500  }
0x22e: {  	[hbm4b:s25+s3] =	stream.linear.scatter [tilespmem:s28], [sflag:$0x4], $0x400, $0x38;
	[tilespmem:$0xE500] =	vst v63  }
0x22f: {  	p0 =	sne.s32 s22, $0x64;
	s2 =	sadd.s32 s31, s19;
	s24 =	simm.s32 $0xD900  }
0x230: {  	[hbm4b:s2+s3] =	stream.linear.scatter [tilespmem:s24], [sflag:$0x4], $0x400, $0x38;
	[tilespmem:$0xE500] =	vst v63  }
.Ltmp2:
0x231: {  	_ = 	snop;
	(pc) =	sbr.rel @p0 .LBB2_2-.Ltmp2, $4  }
0x232: {  	s25 =	sadd.s32 s31, s20;
	s28 =	simm.s32 $0xDD00  }
0x233: {  	[hbm4b:s25+s3] =	stream.linear.scatter [tilespmem:s28], [sflag:$0x4], $0x400, $0x38;
	[tilespmem:$0xE500] =	vst v63  }
0x234: {  	s31 =	sadd.s32 s31, s21  }
0x235: {  	[hbm4b:s31+s3] =	stream.linear.scatter [tilespmem:s5], [sflag:$0x4], $0x400, $0x38;
	[tilespmem:$0xE500] =	vst v63  }
0x236: {  	s0 =	simm.s32 $0x3  }
0x237: {  	_ =	swait.ge [sflag:s0], $0x400  }
0x238: {  	[sflag:s0] =	ssyncset.done $0x0  }
0x239: {  	[sflag:s0] =	ssyncadd.s32 $0xFFFFFC00  }
0x23a: {  	_ =	swait.ge [sflag:s0], $0x400  }
0x23b: {  	[sflag:s0] =	ssyncset.done $0x0  }
0x23c: {  	[sflag:s0] =	ssyncadd.s32 $0xFFFFFC00  }
0x23d: {  	_ =	swait.ge [sflag:s0], $0x400  }
0x23e: {  	[sflag:s0] =	ssyncset.done $0x0  }
0x23f: {  	[sflag:s0] =	ssyncadd.s32 $0xFFFFFC00  }
0x240: {  	_ =	swait.ge [sflag:s0], $0x400  }
0x241: {  	[sflag:s0] =	ssyncset.done $0x0  }
0x242: {  	[sflag:s0] =	ssyncadd.s32 $0xFFFFFC00  }
0x243: {  	_ =	swait.ge [sflag:s0], $0x400  }
0x244: {  	[sflag:s0] =	ssyncset.done $0x0  }
0x245: {  	[sflag:s0] =	ssyncadd.s32 $0xFFFFFC00  }
0x246: {  	_ =	swait.ge [sflag:s0], $0x400  }
0x247: {  	[sflag:s0] =	ssyncset.done $0x0  }
0x248: {  	[sflag:s0] =	ssyncadd.s32 $0xFFFFFC00  }
0x249: {  	_ =	swait.ge [sflag:s0], $0x400  }
0x24a: {  	[sflag:s0] =	ssyncset.done $0x0  }
0x24b: {  	[sflag:s0] =	ssyncadd.s32 $0xFFFFFC00  }
0x24c: {  	_ =	swait.ge [sflag:s0], $0x400  }
0x24d: {  	[sflag:s0] =	ssyncset.done $0x0  }
0x24e: {  	s1 =	simm.s32 $0x4;
	[sflag:s0] =	ssyncadd.s32 $0xFFFFFC00  }
0x24f: {  	_ =	swait.ge [sflag:s1], $0x400  }
0x250: {  	[sflag:s1] =	ssyncset.done $0x0  }
0x251: {  	[sflag:s1] =	ssyncadd.s32 $0xFFFFFC00  }
0x252: {  	_ =	swait.ge [sflag:s1], $0x400  }
0x253: {  	[sflag:s1] =	ssyncset.done $0x0  }
0x254: {  	[sflag:s1] =	ssyncadd.s32 $0xFFFFFC00  }
0x255: {  	_ =	swait.ge [sflag:s1], $0x400  }
0x256: {  	[sflag:s1] =	ssyncset.done $0x0  }
0x257: {  	[sflag:s1] =	ssyncadd.s32 $0xFFFFFC00  }
0x258: {  	_ =	swait.ge [sflag:s1], $0x400  }
0x259: {  	[sflag:s1] =	ssyncset.done $0x0  }
0x25a: {  	[sflag:s1] =	ssyncadd.s32 $0xFFFFFC00  }
0x25b: {  	_ =	swait.ge [sflag:s1], $0x400  }
0x25c: {  	[sflag:s1] =	ssyncset.done $0x0  }
0x25d: {  	[sflag:s1] =	ssyncadd.s32 $0xFFFFFC00  }
0x25e: {  	_ =	swait.ge [sflag:s1], $0x400  }
0x25f: {  	[sflag:s1] =	ssyncset.done $0x0  }
0x260: {  	[sflag:s1] =	ssyncadd.s32 $0xFFFFFC00  }
0x261: {  	_ =	swait.ge [sflag:s1], $0x400  }
0x262: {  	[sflag:s1] =	ssyncset.done $0x0  }
0x263: {  	[sflag:s1] =	ssyncadd.s32 $0xFFFFFC00  }
0x264: {  	_ =	swait.ge [sflag:s1], $0x400  }
0x265: {  	s2 =	rddreg [dreg:$0x5]  }
0x266: {  	s31 =	rddreg [dreg:$0x4];
	s2 =	sadd.s32 $0x1, s2  }
0x267: {  	p0 =	sne.s32 s2, s31  }
.Ltmp3:
0x268: {  	_ = 	snop;
	(pc) =	sbr.rel @p0 .LBB2_1-.Ltmp3, $3  }
0x269: {  	_ =	sdelay $0x1  }
0x26a: {  	[sflag:s1] =	ssyncset.done $0x0  }
0x26b: {  	[sflag:s1] =	ssyncadd.s32 $0xFFFFFC00  }
0x26c: {  	_ =	sfence.sel $0x180000  }
0x26d: {  	[bflag:$0x0] =	sbarrier.arrive $0xFFFF  }
0x26e: {  	_ =	strace $0x90000047  }
0x26f: {  	s0 =	stileid.u32;
	[bflag:$0x2] =	sbarrier.arrive $0xFFFF  }
0x270: {  	p0 =	sne.s32 s0, $0x0;
	s0 =	rddreg [dreg:$0x2]  }
0x271: {  	s0 =	sadd.s32 @!p0 $0x100000, s0  }
0x272: {  	[sflag:s0] =	ssyncadd.tile.s32 @!p0 $0x1;
	_ =	shalt  }
.Lfunc_end2:
_tile_overlayer_lowered:
.L_overlay_start_2:
0x273: {  	(tag) =	ssettag $0x2  }
0x274: {  	s0 =	rddreg [dreg:$0x0];
	s2 =	stileid.u32  }
0x275: {  	s1 =	rddreg [dreg:$0x1];
	p0 =	sne.s32 s2, $0x0  }
0x276: {  	s3 =	rddreg [dreg:$0x2];
	[bflag:$0x3] =	sbarrier.arrive $0xFFFF;
	s2 =	simm.s32 @!p0 $0x1C05  }
0x277: {  	[timem:s3], [sflag:s2] =	dma.local @!p0 [hbm:s0], s1  }
0x278: {  	s0 =	simm.s32 @!p0 $0x5  }
0x279: {  	_ =	swait.ge @!p0 [sflag:s0], s1  }
0x27a: {  	s1 =	ssub.s32 @!p0 $0x0, s1;
	[sflag:s0] =	ssyncset.done @!p0 $0x0  }
0x27b: {  	[sflag:s0] =	ssyncadd.s32 @!p0 s1  }
0x27c: {  	[bflag:$0x3] =	sbarrier.arrive $0xFFFF  }
0x27d: {  	_ =	shalt  }

</sc_bundles>
